<compile_context>
chip_gen: v7x
topology: tpu7x:2x2x1
jax: 0.10.2.dev20260603
libtpu: 0.0.44.dev20260713+nightly
codegen_flags: <defaults>
</compile_context>

<pallas_src>
import functools

import jax
import jax.numpy as jnp
from jax import lax
from jax.experimental import pallas as pl
from jax.experimental.pallas import tpu as pltpu
from jax.experimental.pallas import tpu_sc as plsc

N = 10000
E = 320000
D = 128
DH = D // 2

NC = 2
NS = 16
LCH = 128
KCH = 160
EPW = KCH * LCH
EPAD = NS * EPW
NPAD = 10240
RPT = NPAD // NS
GRID = 8
RB = NPAD // GRID

_mesh = plsc.VectorSubcoreMesh(
    core_axis_name="c", subcore_axis_name="s", num_cores=NC, num_subcores=NS)
_sc_params = pltpu.CompilerParams(use_tc_tiling_on_sc=False)


def _copy_rows(src_buf, dst, row0, nrows):
  for k in range(nrows // 128):
    pltpu.sync_copy(src_buf, dst.at[pl.ds(row0 + k * 128, 128)])


@functools.partial(
    pl.kernel,
    out_type=jax.ShapeDtypeStruct((NC, NPAD, DH), jnp.float32),
    mesh=_mesh,
    scratch_types=[
        pltpu.VMEM((KCH, LCH), jnp.int32),
        pltpu.VMEM((128, DH), jnp.float32),
        pltpu.VMEM((128, DH), jnp.float32),
        pltpu.VMEM_SHARED((NPAD, DH), jnp.float32),
    ],
    compiler_params=_sc_params,
)
def _deg_kernel(degidx_hbm, pat_hbm, cnt_out, idx_v, pa_v, zbuf, cnt_sh):
  cid = lax.axis_index("c")
  sid = lax.axis_index("s")

  pltpu.sync_copy(degidx_hbm.at[cid, sid], idx_v)
  pltpu.sync_copy(pat_hbm.at[0], zbuf)
  pltpu.sync_copy(pat_hbm.at[1], pa_v)

  row0 = sid * RPT
  _copy_rows(zbuf, cnt_sh, row0, RPT)
  plsc.subcore_barrier()

  def step(j, _):
    pltpu.sync_copy(pa_v, cnt_sh.at[idx_v.at[j]], add=True)
    return 0

  lax.fori_loop(0, KCH, step, 0)
  plsc.subcore_barrier()

  for k in range(RPT // 128):
    r = row0 + k * 128
    pltpu.sync_copy(cnt_sh.at[pl.ds(r, 128)], zbuf)
    pltpu.sync_copy(zbuf, cnt_out.at[cid, pl.ds(r, 128)])


@functools.partial(
    pl.kernel,
    out_type=jax.ShapeDtypeStruct((NC, NPAD, DH), jnp.float32),
    mesh=_mesh,
    scratch_types=[
        pltpu.VMEM((KCH + 1, LCH), jnp.int32),
        pltpu.VMEM((KCH, LCH), jnp.int32),
        pltpu.VMEM((128, DH), jnp.float32),
        pltpu.VMEM((128, DH), jnp.float32),
        pltpu.VMEM((128, DH), jnp.float32),
        pltpu.VMEM_SHARED((NPAD, DH), jnp.float32),
        pltpu.SemaphoreType.DMA,
        pltpu.SemaphoreType.DMA,
    ],
    compiler_params=_sc_params,
)
def _spmm_kernel(h_hbm, src_hbm, dst_hbm, zrow_hbm, y_out, src_v, dst_v,
                 buf0, buf1, zbuf, y_sh, sem0, sem1):
  cid = lax.axis_index("c")
  sid = lax.axis_index("s")

  pltpu.sync_copy(src_hbm.at[sid], src_v)
  pltpu.sync_copy(dst_hbm.at[sid], dst_v)
  pltpu.sync_copy(zrow_hbm, zbuf)

  row0 = sid * RPT
  _copy_rows(zbuf, y_sh, row0, RPT)
  plsc.subcore_barrier()

  table = h_hbm.at[cid]

  pltpu.async_copy(table.at[src_v.at[0]], buf0, sem0)

  def step(i, _):
    j0 = 2 * i
    pltpu.make_async_copy(zrow_hbm, buf0, sem0).wait()
    pltpu.async_copy(table.at[src_v.at[j0 + 1]], buf1, sem1)
    pltpu.sync_copy(buf0, y_sh.at[dst_v.at[j0]], add=True)
    pltpu.make_async_copy(zrow_hbm, buf1, sem1).wait()
    pltpu.async_copy(table.at[src_v.at[j0 + 2]], buf0, sem0)
    pltpu.sync_copy(buf1, y_sh.at[dst_v.at[j0 + 1]], add=True)
    return 0

  lax.fori_loop(0, KCH // 2, step, 0)
  pltpu.make_async_copy(zrow_hbm, buf0, sem0).wait()
  plsc.subcore_barrier()

  for k in range(RPT // 128):
    r = row0 + k * 128
    pltpu.sync_copy(y_sh.at[pl.ds(r, 128)], zbuf)
    pltpu.sync_copy(zbuf, y_out.at[cid, pl.ds(r, 128)])


def _norm_col0(c_ref):
  cnt = c_ref[:, 0]
  return jnp.where(cnt > 0.0, lax.rsqrt(jnp.maximum(cnt, 1e-30)), 0.0)


def _scale_body(x_ref, cs_ref, o_ref):
  ns = _norm_col0(cs_ref)
  o_ref[...] = (x_ref[0] * ns[:, None])[None]


def _scale_x(xsplit, cs):
  return pl.pallas_call(
      _scale_body,
      grid=(GRID, NC),
      in_specs=[
          pl.BlockSpec((1, RB, DH), lambda i, c: (c, i, 0)),
          pl.BlockSpec((RB, DH), lambda i, c: (i, 0)),
      ],
      out_specs=pl.BlockSpec((1, RB, DH), lambda i, c: (c, i, 0)),
      out_shape=jax.ShapeDtypeStruct((NC, NPAD, DH), jnp.float32),
  )(xsplit, cs)


def _dense_mid_body(y0_ref, y1_ref, cs_ref, cd_ref, w_ref, b_ref, o_ref):
  nd = _norm_col0(cd_ref)
  yn = jnp.concatenate([y0_ref[...], y1_ref[...]], axis=1) * nd[:, None]
  h = jnp.dot(yn, w_ref[0], preferred_element_type=jnp.float32)
  h = jnp.maximum(h + b_ref[0], 0.0)
  ns = _norm_col0(cs_ref)
  o_ref[...] = (h * ns[:, None])[None]


def _dense_mid(y, cs, cd, w, b):
  wsplit = w.reshape(D, NC, DH).transpose(1, 0, 2)
  bsplit = b.reshape(NC, 1, DH)
  return pl.pallas_call(
      _dense_mid_body,
      grid=(GRID, NC),
      in_specs=[
          pl.BlockSpec((RB, DH), lambda i, c: (i, 0)),
          pl.BlockSpec((RB, DH), lambda i, c: (i, 0)),
          pl.BlockSpec((RB, DH), lambda i, c: (i, 0)),
          pl.BlockSpec((RB, DH), lambda i, c: (i, 0)),
          pl.BlockSpec((1, D, DH), lambda i, c: (c, 0, 0)),
          pl.BlockSpec((1, 1, DH), lambda i, c: (c, 0, 0)),
      ],
      out_specs=pl.BlockSpec((1, RB, DH), lambda i, c: (c, i, 0)),
      out_shape=jax.ShapeDtypeStruct((NC, NPAD, DH), jnp.float32),
  )(y[0], y[1], cs, cd, wsplit, bsplit)


def _dense_last_body(y0_ref, y1_ref, cd_ref, w_ref, b_ref, o_ref):
  nd = _norm_col0(cd_ref)
  yn = jnp.concatenate([y0_ref[...], y1_ref[...]], axis=1) * nd[:, None]
  h = jnp.dot(yn, w_ref[...], preferred_element_type=jnp.float32)
  o_ref[...] = jnp.maximum(h + b_ref[...], 0.0)


def _dense_last(y, cd, w, b):
  return pl.pallas_call(
      _dense_last_body,
      grid=(GRID,),
      in_specs=[
          pl.BlockSpec((RB, DH), lambda i: (i, 0)),
          pl.BlockSpec((RB, DH), lambda i: (i, 0)),
          pl.BlockSpec((RB, DH), lambda i: (i, 0)),
          pl.BlockSpec((D, D), lambda i: (0, 0)),
          pl.BlockSpec((1, D), lambda i: (0, 0)),
      ],
      out_specs=pl.BlockSpec((RB, D), lambda i: (i, 0)),
      out_shape=jax.ShapeDtypeStruct((NPAD, D), jnp.float32),
  )(y[0], y[1], cd, w, b.reshape(1, D))


def kernel(x, edge_index, W1, b1, W2, b2, W3, b3):
  pad = jnp.full((EPAD - E,), N, jnp.int32)
  srcp = jnp.concatenate([edge_index[0], pad]).reshape(NS, KCH, LCH)
  dstp = jnp.concatenate([edge_index[1], pad]).reshape(NS, KCH, LCH)
  degidx = jnp.stack([srcp, dstp])
  srcx = jnp.concatenate(
      [srcp, jnp.full((NS, 1, LCH), N, jnp.int32)], axis=1)

  zrow = jnp.zeros((128, DH), jnp.float32)
  pat = jnp.stack([zrow, zrow.at[:, 0].set(1.0)])
  cnt = _deg_kernel(degidx, pat)
  cs, cd = cnt[0], cnt[1]

  xpad = jnp.pad(x, ((0, NPAD - N), (0, 0)))
  xsplit = xpad.reshape(NPAD, NC, DH).transpose(1, 0, 2)
  h = _scale_x(xsplit, cs)
  for w, b in ((W1, b1), (W2, b2)):
    y = _spmm_kernel(h, srcx, dstp, zrow)
    h = _dense_mid(y, cs, cd, w, b)
  y = _spmm_kernel(h, srcx, dstp, zrow)
  return _dense_last(y, cd, W3, b3)[:N]

# --- scband reference (transcript-rebuilt; emitter-appended) ---
"""Pipeline reference for scband-net-79482664780506 (READ-ONLY COPY).

The authoritative reference and input builder live on the scoring server;
editing this copy changes nothing except your own understanding.
"""

import jax, jax.numpy as jnp
import numpy as np

N = 10000
E = 320000
D_IN = 128
P = 128

def setup_inputs(seed: int = 0) -> dict:
    key = jax.random.key(seed)
    ks = jax.random.split(key, 8)
    x = jax.random.normal(ks[0], (N, D_IN), dtype=jnp.float32)
    edge_index = jax.random.randint(ks[1], (2, E), 0, N, dtype=jnp.int32)
    def lin(k, fan_in, fan_out):
        return jax.random.normal(k, (fan_in, fan_out), dtype=jnp.float32) / np.sqrt(fan_in)
    W1 = lin(ks[2], D_IN, P)
    b1 = jnp.zeros((P,), dtype=jnp.float32)
    W2 = lin(ks[3], P, P)
    b2 = jnp.zeros((P,), dtype=jnp.float32)
    W3 = lin(ks[4], P, P)
    b3 = jnp.zeros((P,), dtype=jnp.float32)
    return {"x": x, "edge_index": edge_index, "W1": W1, "b1": b1, "W2": W2, "b2": b2, "W3": W3, "b3": b3}

def _graph_conv(h, src, dst, norm_src, norm_dst, W, b):
    # DGL GraphConv with norm='both': D^{-1/2} A D^{-1/2} X W + b
    h = h * norm_src[:, None]
    msg = jnp.take(h, src, axis=0)
    agg = jax.ops.segment_sum(msg, dst, num_segments=N)
    agg = agg * norm_dst[:, None]
    return agg @ W + b

def reference(x, edge_index, W1, b1, W2, b2, W3, b3):
    src = edge_index[0]
    dst = edge_index[1]
    deg_out = jnp.zeros((N,), dtype=jnp.float32).at[src].add(1.0)
    deg_in = jnp.zeros((N,), dtype=jnp.float32).at[dst].add(1.0)
    norm_src = jnp.where(deg_out > 0, deg_out ** -0.5, 0.0)
    norm_dst = jnp.where(deg_in > 0, deg_in ** -0.5, 0.0)
    h = jax.nn.relu(_graph_conv(x, src, dst, norm_src, norm_dst, W1, b1))
    h = jax.nn.relu(_graph_conv(h, src, dst, norm_src, norm_dst, W2, b2))
    h = jax.nn.relu(_graph_conv(h, src, dst, norm_src, norm_dst, W3, b3))
    return h

if __name__ == "__main__":
    import jax
    _d = setup_inputs()
    print(jax.jit(kernel)(*tuple(_d.values())))

</pallas_src>

<mosaic_0001>
#map = affine_map<(d0, d1) -> (0, 0, 0, 0)>
#map1 = affine_map<(d0, d1) -> (0, 0, 0)>
module attributes {stable_mosaic.version = 14 : i64} {
  func.func @_deg_kernel(%arg0: i32, %arg1: i32, %arg2: memref<2x16x160x128xi32, #tpu.memory_space<hbm>>, %arg3: memref<2x128x64xf32, #tpu.memory_space<hbm>>, %arg4: memref<2x10240x64xf32, #tpu.memory_space<hbm>>, %arg5: memref<160x128xi32, #tpu.memory_space<vmem>>, %arg6: memref<128x64xf32, #tpu.memory_space<vmem>>, %arg7: memref<128x64xf32, #tpu.memory_space<vmem>>, %arg8: memref<10240x64xf32, #tpu.memory_space<vmem_shared>>) attributes {dimension_semantics = [#tpu.dimension_semantics<core_parallel>, #tpu.dimension_semantics<subcore_parallel>], iteration_bounds = array<i64: 2, 16>, scalar_prefetch = 0 : i64, scratch_operands = 4 : i64, tpu.core_type = #tpu.core_type<sc_vector_subcore>, window_params = [{transform_indices = #map}, {transform_indices = #map1}, {transform_indices = #map1}]} {
    "tpu.region"() ({
      %run_scoped3A_28 = tpu.sem_alloc : memref<!tpu.dma_semaphore, #tpu.memory_space<semaphore_mem>>
      %dma_start3A = arith.constant 0 : i32
      %dma_start3A_29 = arith.constant 0 : i32
      %dma_start3A_30 = tpu.memref_slice %arg2[%arg0, %arg1, %dma_start3A, %dma_start3A_29] : memref<2x16x160x128xi32, #tpu.memory_space<hbm>> -> memref<1x1x160x128xi32, #tpu.memory_space<hbm>>
      %dma_start3A_31 = tpu.memref_squeeze %dma_start3A_30 : memref<1x1x160x128xi32, #tpu.memory_space<hbm>> -> memref<160x128xi32, #tpu.memory_space<hbm>>
      %dma_start3A_32 = arith.constant 0 : i32
      %dma_start3A_33 = arith.constant 0 : i32
      %dma_start3A_34 = tpu.memref_slice %arg2[%arg0, %arg1, %dma_start3A_32, %dma_start3A_33] : memref<2x16x160x128xi32, #tpu.memory_space<hbm>> -> memref<1x1x160x128xi32, #tpu.memory_space<hbm>>
      %dma_start3A_35 = tpu.memref_squeeze %dma_start3A_34 : memref<1x1x160x128xi32, #tpu.memory_space<hbm>> -> memref<160x128xi32, #tpu.memory_space<hbm>>
      tpu.enqueue_dma source(%dma_start3A_35 : memref<160x128xi32, #tpu.memory_space<hbm>>) target(%arg5 : memref<160x128xi32, #tpu.memory_space<vmem>>) target_semaphore(%run_scoped3A_28 : memref<!tpu.dma_semaphore, #tpu.memory_space<semaphore_mem>>)
      %dma_wait3A = arith.constant 0 : i32
      %dma_wait3A_36 = arith.constant 0 : i32
      %dma_wait3A_37 = tpu.memref_slice %arg2[%arg0, %arg1, %dma_wait3A, %dma_wait3A_36] : memref<2x16x160x128xi32, #tpu.memory_space<hbm>> -> memref<1x1x160x128xi32, #tpu.memory_space<hbm>>
      %dma_wait3A_38 = tpu.memref_squeeze %dma_wait3A_37 : memref<1x1x160x128xi32, #tpu.memory_space<hbm>> -> memref<160x128xi32, #tpu.memory_space<hbm>>
      %dma_wait3A_39 = arith.constant 0 : i32
      %dma_wait3A_40 = arith.constant 0 : i32
      %dma_wait3A_41 = tpu.memref_slice %arg2[%arg0, %arg1, %dma_wait3A_39, %dma_wait3A_40] : memref<2x16x160x128xi32, #tpu.memory_space<hbm>> -> memref<1x1x160x128xi32, #tpu.memory_space<hbm>>
      %dma_wait3A_42 = tpu.memref_squeeze %dma_wait3A_41 : memref<1x1x160x128xi32, #tpu.memory_space<hbm>> -> memref<160x128xi32, #tpu.memory_space<hbm>>
      tpu.wait_dma2 semaphore(%run_scoped3A_28 : memref<!tpu.dma_semaphore, #tpu.memory_space<semaphore_mem>>) src(%dma_wait3A_42 : memref<160x128xi32, #tpu.memory_space<hbm>>) dst(%arg5 : memref<160x128xi32, #tpu.memory_space<vmem>>)
      tpu.yield
    }) : () -> ()
    %run_scoped3A = arith.constant 0 : i32
    "tpu.region"() ({
      %run_scoped3A_28 = tpu.sem_alloc : memref<!tpu.dma_semaphore, #tpu.memory_space<semaphore_mem>>
      %dma_start3A = arith.constant 0 : i32
      %dma_start3A_29 = arith.constant 0 : i32
      %dma_start3A_30 = tpu.memref_slice %arg3[%run_scoped3A, %dma_start3A, %dma_start3A_29] : memref<2x128x64xf32, #tpu.memory_space<hbm>> -> memref<1x128x64xf32, #tpu.memory_space<hbm>>
      %dma_start3A_31 = tpu.memref_squeeze %dma_start3A_30 : memref<1x128x64xf32, #tpu.memory_space<hbm>> -> memref<128x64xf32, #tpu.memory_space<hbm>>
      %dma_start3A_32 = arith.constant 0 : i32
      %dma_start3A_33 = arith.constant 0 : i32
      %dma_start3A_34 = tpu.memref_slice %arg3[%run_scoped3A, %dma_start3A_32, %dma_start3A_33] : memref<2x128x64xf32, #tpu.memory_space<hbm>> -> memref<1x128x64xf32, #tpu.memory_space<hbm>>
      %dma_start3A_35 = tpu.memref_squeeze %dma_start3A_34 : memref<1x128x64xf32, #tpu.memory_space<hbm>> -> memref<128x64xf32, #tpu.memory_space<hbm>>
      tpu.enqueue_dma source(%dma_start3A_35 : memref<128x64xf32, #tpu.memory_space<hbm>>) target(%arg7 : memref<128x64xf32, #tpu.memory_space<vmem>>) target_semaphore(%run_scoped3A_28 : memref<!tpu.dma_semaphore, #tpu.memory_space<semaphore_mem>>)
      %dma_wait3A = arith.constant 0 : i32
      %dma_wait3A_36 = arith.constant 0 : i32
      %dma_wait3A_37 = tpu.memref_slice %arg3[%run_scoped3A, %dma_wait3A, %dma_wait3A_36] : memref<2x128x64xf32, #tpu.memory_space<hbm>> -> memref<1x128x64xf32, #tpu.memory_space<hbm>>
      %dma_wait3A_38 = tpu.memref_squeeze %dma_wait3A_37 : memref<1x128x64xf32, #tpu.memory_space<hbm>> -> memref<128x64xf32, #tpu.memory_space<hbm>>
      %dma_wait3A_39 = arith.constant 0 : i32
      %dma_wait3A_40 = arith.constant 0 : i32
      %dma_wait3A_41 = tpu.memref_slice %arg3[%run_scoped3A, %dma_wait3A_39, %dma_wait3A_40] : memref<2x128x64xf32, #tpu.memory_space<hbm>> -> memref<1x128x64xf32, #tpu.memory_space<hbm>>
      %dma_wait3A_42 = tpu.memref_squeeze %dma_wait3A_41 : memref<1x128x64xf32, #tpu.memory_space<hbm>> -> memref<128x64xf32, #tpu.memory_space<hbm>>
      tpu.wait_dma2 semaphore(%run_scoped3A_28 : memref<!tpu.dma_semaphore, #tpu.memory_space<semaphore_mem>>) src(%dma_wait3A_42 : memref<128x64xf32, #tpu.memory_space<hbm>>) dst(%arg7 : memref<128x64xf32, #tpu.memory_space<vmem>>)
      tpu.yield
    }) : () -> ()
    %run_scoped3A_0 = arith.constant 1 : i32
    "tpu.region"() ({
      %run_scoped3A_28 = tpu.sem_alloc : memref<!tpu.dma_semaphore, #tpu.memory_space<semaphore_mem>>
      %dma_start3A = arith.constant 0 : i32
      %dma_start3A_29 = arith.constant 0 : i32
      %dma_start3A_30 = tpu.memref_slice %arg3[%run_scoped3A_0, %dma_start3A, %dma_start3A_29] : memref<2x128x64xf32, #tpu.memory_space<hbm>> -> memref<1x128x64xf32, #tpu.memory_space<hbm>>
      %dma_start3A_31 = tpu.memref_squeeze %dma_start3A_30 : memref<1x128x64xf32, #tpu.memory_space<hbm>> -> memref<128x64xf32, #tpu.memory_space<hbm>>
      %dma_start3A_32 = arith.constant 0 : i32
      %dma_start3A_33 = arith.constant 0 : i32
      %dma_start3A_34 = tpu.memref_slice %arg3[%run_scoped3A_0, %dma_start3A_32, %dma_start3A_33] : memref<2x128x64xf32, #tpu.memory_space<hbm>> -> memref<1x128x64xf32, #tpu.memory_space<hbm>>
      %dma_start3A_35 = tpu.memref_squeeze %dma_start3A_34 : memref<1x128x64xf32, #tpu.memory_space<hbm>> -> memref<128x64xf32, #tpu.memory_space<hbm>>
      tpu.enqueue_dma source(%dma_start3A_35 : memref<128x64xf32, #tpu.memory_space<hbm>>) target(%arg6 : memref<128x64xf32, #tpu.memory_space<vmem>>) target_semaphore(%run_scoped3A_28 : memref<!tpu.dma_semaphore, #tpu.memory_space<semaphore_mem>>)
      %dma_wait3A = arith.constant 0 : i32
      %dma_wait3A_36 = arith.constant 0 : i32
      %dma_wait3A_37 = tpu.memref_slice %arg3[%run_scoped3A_0, %dma_wait3A, %dma_wait3A_36] : memref<2x128x64xf32, #tpu.memory_space<hbm>> -> memref<1x128x64xf32, #tpu.memory_space<hbm>>
      %dma_wait3A_38 = tpu.memref_squeeze %dma_wait3A_37 : memref<1x128x64xf32, #tpu.memory_space<hbm>> -> memref<128x64xf32, #tpu.memory_space<hbm>>
      %dma_wait3A_39 = arith.constant 0 : i32
      %dma_wait3A_40 = arith.constant 0 : i32
      %dma_wait3A_41 = tpu.memref_slice %arg3[%run_scoped3A_0, %dma_wait3A_39, %dma_wait3A_40] : memref<2x128x64xf32, #tpu.memory_space<hbm>> -> memref<1x128x64xf32, #tpu.memory_space<hbm>>
      %dma_wait3A_42 = tpu.memref_squeeze %dma_wait3A_41 : memref<1x128x64xf32, #tpu.memory_space<hbm>> -> memref<128x64xf32, #tpu.memory_space<hbm>>
      tpu.wait_dma2 semaphore(%run_scoped3A_28 : memref<!tpu.dma_semaphore, #tpu.memory_space<semaphore_mem>>) src(%dma_wait3A_42 : memref<128x64xf32, #tpu.memory_space<hbm>>) dst(%arg6 : memref<128x64xf32, #tpu.memory_space<vmem>>)
      tpu.yield
    }) : () -> ()
    %mul3A = arith.constant 640 : i32
    %mul3A_1 = arith.muli %arg1, %mul3A : i32
    %add3A = arith.constant 0 : i32
    %add3A_2 = arith.addi %mul3A_1, %add3A : i32
    "tpu.region"() ({
      %run_scoped3A_28 = tpu.sem_alloc : memref<!tpu.dma_semaphore, #tpu.memory_space<semaphore_mem>>
      %dma_start3A = arith.constant 0 : i32
      %dma_start3A_29 = tpu.memref_slice %arg8[%add3A_2, %dma_start3A] : memref<10240x64xf32, #tpu.memory_space<vmem_shared>> -> memref<128x64xf32, #tpu.memory_space<vmem_shared>>
      %dma_start3A_30 = arith.constant 0 : i32
      %dma_start3A_31 = tpu.memref_slice %arg8[%add3A_2, %dma_start3A_30] : memref<10240x64xf32, #tpu.memory_space<vmem_shared>> -> memref<128x64xf32, #tpu.memory_space<vmem_shared>>
      tpu.enqueue_dma source(%arg7 : memref<128x64xf32, #tpu.memory_space<vmem>>) target(%dma_start3A_31 : memref<128x64xf32, #tpu.memory_space<vmem_shared>>) target_semaphore(%run_scoped3A_28 : memref<!tpu.dma_semaphore, #tpu.memory_space<semaphore_mem>>)
      %dma_wait3A = arith.constant 0 : i32
      %dma_wait3A_32 = tpu.memref_slice %arg8[%add3A_2, %dma_wait3A] : memref<10240x64xf32, #tpu.memory_space<vmem_shared>> -> memref<128x64xf32, #tpu.memory_space<vmem_shared>>
      %dma_wait3A_33 = arith.constant 0 : i32
      %dma_wait3A_34 = tpu.memref_slice %arg8[%add3A_2, %dma_wait3A_33] : memref<10240x64xf32, #tpu.memory_space<vmem_shared>> -> memref<128x64xf32, #tpu.memory_space<vmem_shared>>
      tpu.wait_dma2 semaphore(%run_scoped3A_28 : memref<!tpu.dma_semaphore, #tpu.memory_space<semaphore_mem>>) src(%arg7 : memref<128x64xf32, #tpu.memory_space<vmem>>) dst(%dma_wait3A_34 : memref<128x64xf32, #tpu.memory_space<vmem_shared>>)
      tpu.yield
    }) : () -> ()
    %add3A_3 = arith.constant 128 : i32
    %add3A_4 = arith.addi %mul3A_1, %add3A_3 : i32
    "tpu.region"() ({
      %run_scoped3A_28 = tpu.sem_alloc : memref<!tpu.dma_semaphore, #tpu.memory_space<semaphore_mem>>
      %dma_start3A = arith.constant 0 : i32
      %dma_start3A_29 = tpu.memref_slice %arg8[%add3A_4, %dma_start3A] : memref<10240x64xf32, #tpu.memory_space<vmem_shared>> -> memref<128x64xf32, #tpu.memory_space<vmem_shared>>
      %dma_start3A_30 = arith.constant 0 : i32
      %dma_start3A_31 = tpu.memref_slice %arg8[%add3A_4, %dma_start3A_30] : memref<10240x64xf32, #tpu.memory_space<vmem_shared>> -> memref<128x64xf32, #tpu.memory_space<vmem_shared>>
      tpu.enqueue_dma source(%arg7 : memref<128x64xf32, #tpu.memory_space<vmem>>) target(%dma_start3A_31 : memref<128x64xf32, #tpu.memory_space<vmem_shared>>) target_semaphore(%run_scoped3A_28 : memref<!tpu.dma_semaphore, #tpu.memory_space<semaphore_mem>>)
      %dma_wait3A = arith.constant 0 : i32
      %dma_wait3A_32 = tpu.memref_slice %arg8[%add3A_4, %dma_wait3A] : memref<10240x64xf32, #tpu.memory_space<vmem_shared>> -> memref<128x64xf32, #tpu.memory_space<vmem_shared>>
      %dma_wait3A_33 = arith.constant 0 : i32
      %dma_wait3A_34 = tpu.memref_slice %arg8[%add3A_4, %dma_wait3A_33] : memref<10240x64xf32, #tpu.memory_space<vmem_shared>> -> memref<128x64xf32, #tpu.memory_space<vmem_shared>>
      tpu.wait_dma2 semaphore(%run_scoped3A_28 : memref<!tpu.dma_semaphore, #tpu.memory_space<semaphore_mem>>) src(%arg7 : memref<128x64xf32, #tpu.memory_space<vmem>>) dst(%dma_wait3A_34 : memref<128x64xf32, #tpu.memory_space<vmem_shared>>)
      tpu.yield
    }) : () -> ()
    %add3A_5 = arith.constant 256 : i32
    %add3A_6 = arith.addi %mul3A_1, %add3A_5 : i32
    "tpu.region"() ({
      %run_scoped3A_28 = tpu.sem_alloc : memref<!tpu.dma_semaphore, #tpu.memory_space<semaphore_mem>>
      %dma_start3A = arith.constant 0 : i32
      %dma_start3A_29 = tpu.memref_slice %arg8[%add3A_6, %dma_start3A] : memref<10240x64xf32, #tpu.memory_space<vmem_shared>> -> memref<128x64xf32, #tpu.memory_space<vmem_shared>>
      %dma_start3A_30 = arith.constant 0 : i32
      %dma_start3A_31 = tpu.memref_slice %arg8[%add3A_6, %dma_start3A_30] : memref<10240x64xf32, #tpu.memory_space<vmem_shared>> -> memref<128x64xf32, #tpu.memory_space<vmem_shared>>
      tpu.enqueue_dma source(%arg7 : memref<128x64xf32, #tpu.memory_space<vmem>>) target(%dma_start3A_31 : memref<128x64xf32, #tpu.memory_space<vmem_shared>>) target_semaphore(%run_scoped3A_28 : memref<!tpu.dma_semaphore, #tpu.memory_space<semaphore_mem>>)
      %dma_wait3A = arith.constant 0 : i32
      %dma_wait3A_32 = tpu.memref_slice %arg8[%add3A_6, %dma_wait3A] : memref<10240x64xf32, #tpu.memory_space<vmem_shared>> -> memref<128x64xf32, #tpu.memory_space<vmem_shared>>
      %dma_wait3A_33 = arith.constant 0 : i32
      %dma_wait3A_34 = tpu.memref_slice %arg8[%add3A_6, %dma_wait3A_33] : memref<10240x64xf32, #tpu.memory_space<vmem_shared>> -> memref<128x64xf32, #tpu.memory_space<vmem_shared>>
      tpu.wait_dma2 semaphore(%run_scoped3A_28 : memref<!tpu.dma_semaphore, #tpu.memory_space<semaphore_mem>>) src(%arg7 : memref<128x64xf32, #tpu.memory_space<vmem>>) dst(%dma_wait3A_34 : memref<128x64xf32, #tpu.memory_space<vmem_shared>>)
      tpu.yield
    }) : () -> ()
    %add3A_7 = arith.constant 384 : i32
    %add3A_8 = arith.addi %mul3A_1, %add3A_7 : i32
    "tpu.region"() ({
      %run_scoped3A_28 = tpu.sem_alloc : memref<!tpu.dma_semaphore, #tpu.memory_space<semaphore_mem>>
      %dma_start3A = arith.constant 0 : i32
      %dma_start3A_29 = tpu.memref_slice %arg8[%add3A_8, %dma_start3A] : memref<10240x64xf32, #tpu.memory_space<vmem_shared>> -> memref<128x64xf32, #tpu.memory_space<vmem_shared>>
      %dma_start3A_30 = arith.constant 0 : i32
      %dma_start3A_31 = tpu.memref_slice %arg8[%add3A_8, %dma_start3A_30] : memref<10240x64xf32, #tpu.memory_space<vmem_shared>> -> memref<128x64xf32, #tpu.memory_space<vmem_shared>>
      tpu.enqueue_dma source(%arg7 : memref<128x64xf32, #tpu.memory_space<vmem>>) target(%dma_start3A_31 : memref<128x64xf32, #tpu.memory_space<vmem_shared>>) target_semaphore(%run_scoped3A_28 : memref<!tpu.dma_semaphore, #tpu.memory_space<semaphore_mem>>)
      %dma_wait3A = arith.constant 0 : i32
      %dma_wait3A_32 = tpu.memref_slice %arg8[%add3A_8, %dma_wait3A] : memref<10240x64xf32, #tpu.memory_space<vmem_shared>> -> memref<128x64xf32, #tpu.memory_space<vmem_shared>>
      %dma_wait3A_33 = arith.constant 0 : i32
      %dma_wait3A_34 = tpu.memref_slice %arg8[%add3A_8, %dma_wait3A_33] : memref<10240x64xf32, #tpu.memory_space<vmem_shared>> -> memref<128x64xf32, #tpu.memory_space<vmem_shared>>
      tpu.wait_dma2 semaphore(%run_scoped3A_28 : memref<!tpu.dma_semaphore, #tpu.memory_space<semaphore_mem>>) src(%arg7 : memref<128x64xf32, #tpu.memory_space<vmem>>) dst(%dma_wait3A_34 : memref<128x64xf32, #tpu.memory_space<vmem_shared>>)
      tpu.yield
    }) : () -> ()
    %add3A_9 = arith.constant 512 : i32
    %add3A_10 = arith.addi %mul3A_1, %add3A_9 : i32
    "tpu.region"() ({
      %run_scoped3A_28 = tpu.sem_alloc : memref<!tpu.dma_semaphore, #tpu.memory_space<semaphore_mem>>
      %dma_start3A = arith.constant 0 : i32
      %dma_start3A_29 = tpu.memref_slice %arg8[%add3A_10, %dma_start3A] : memref<10240x64xf32, #tpu.memory_space<vmem_shared>> -> memref<128x64xf32, #tpu.memory_space<vmem_shared>>
      %dma_start3A_30 = arith.constant 0 : i32
      %dma_start3A_31 = tpu.memref_slice %arg8[%add3A_10, %dma_start3A_30] : memref<10240x64xf32, #tpu.memory_space<vmem_shared>> -> memref<128x64xf32, #tpu.memory_space<vmem_shared>>
      tpu.enqueue_dma source(%arg7 : memref<128x64xf32, #tpu.memory_space<vmem>>) target(%dma_start3A_31 : memref<128x64xf32, #tpu.memory_space<vmem_shared>>) target_semaphore(%run_scoped3A_28 : memref<!tpu.dma_semaphore, #tpu.memory_space<semaphore_mem>>)
      %dma_wait3A = arith.constant 0 : i32
      %dma_wait3A_32 = tpu.memref_slice %arg8[%add3A_10, %dma_wait3A] : memref<10240x64xf32, #tpu.memory_space<vmem_shared>> -> memref<128x64xf32, #tpu.memory_space<vmem_shared>>
      %dma_wait3A_33 = arith.constant 0 : i32
      %dma_wait3A_34 = tpu.memref_slice %arg8[%add3A_10, %dma_wait3A_33] : memref<10240x64xf32, #tpu.memory_space<vmem_shared>> -> memref<128x64xf32, #tpu.memory_space<vmem_shared>>
      tpu.wait_dma2 semaphore(%run_scoped3A_28 : memref<!tpu.dma_semaphore, #tpu.memory_space<semaphore_mem>>) src(%arg7 : memref<128x64xf32, #tpu.memory_space<vmem>>) dst(%dma_wait3A_34 : memref<128x64xf32, #tpu.memory_space<vmem_shared>>)
      tpu.yield
    }) : () -> ()
    %barrier3A = arith.constant 0 : index
    tpu.barrier barrier_id(%barrier3A)
    %scan3A = arith.constant 0 : i32
    %scan3A_11 = arith.constant 0 : i32
    %scan3A_12 = arith.constant 160 : i32
    %scan3A_13 = arith.addi %scan3A_11, %scan3A_12 : i32
    %scan3A_14 = arith.constant 1 : i32
    %scan3A_15 = scf.for %scan3A_28 = %scan3A_11 to %scan3A_13 step %scan3A_14 iter_args(%scan3A_29 = %scan3A) -> (i32)  : i32 {
      "tpu.region"() ({
        %run_scoped3A_31 = tpu.sem_alloc : memref<!tpu.dma_semaphore, #tpu.memory_space<semaphore_mem>>
        %dma_start3A = arith.constant 0 : i32
        %dma_start3A_32 = tpu.memref_slice %arg5[%scan3A_28, %dma_start3A] : memref<160x128xi32, #tpu.memory_space<vmem>> -> memref<1x128xi32, #tpu.memory_space<vmem>>
        %dma_start3A_33 = tpu.memref_squeeze %dma_start3A_32 : memref<1x128xi32, #tpu.memory_space<vmem>> -> memref<128xi32, #tpu.memory_space<vmem>>
        %dma_start3A_34 = arith.constant 0 : i32
        %dma_start3A_35 = arith.constant 0 : i32
        %dma_start3A_36 = tpu.memref_slice %arg8[%dma_start3A_34, %dma_start3A_35] : memref<10240x64xf32, #tpu.memory_space<vmem_shared>> -> memref<10240x64xf32, #tpu.memory_space<vmem_shared>>
        tpu.enqueue_indirect_dma source(%arg6 : memref<128x64xf32, #tpu.memory_space<vmem>>) target(%dma_start3A_36 : memref<10240x64xf32, #tpu.memory_space<vmem_shared>>) offsets(%dma_start3A_33 : memref<128xi32, #tpu.memory_space<vmem>>) semaphore(%run_scoped3A_31 : memref<!tpu.dma_semaphore, #tpu.memory_space<semaphore_mem>>) {add = true}
        %dma_wait3A = arith.constant 0 : i32
        %dma_wait3A_37 = tpu.memref_slice %arg5[%scan3A_28, %dma_wait3A] : memref<160x128xi32, #tpu.memory_space<vmem>> -> memref<1x128xi32, #tpu.memory_space<vmem>>
        %dma_wait3A_38 = tpu.memref_squeeze %dma_wait3A_37 : memref<1x128xi32, #tpu.memory_space<vmem>> -> memref<128xi32, #tpu.memory_space<vmem>>
        %dma_wait3A_39 = arith.constant 0 : i32
        %dma_wait3A_40 = arith.constant 0 : i32
        %dma_wait3A_41 = tpu.memref_slice %arg8[%dma_wait3A_39, %dma_wait3A_40] : memref<10240x64xf32, #tpu.memory_space<vmem_shared>> -> memref<10240x64xf32, #tpu.memory_space<vmem_shared>>
        tpu.wait_indirect_dma semaphore(%run_scoped3A_31 : memref<!tpu.dma_semaphore, #tpu.memory_space<semaphore_mem>>) src(%arg6 : memref<128x64xf32, #tpu.memory_space<vmem>>) dst(%dma_wait3A_41 : memref<10240x64xf32, #tpu.memory_space<vmem_shared>>)
        tpu.yield
      }) : () -> ()
      %scan3A_30 = arith.constant 0 : i32
      scf.yield %scan3A_30 : i32
    }
    %scan3A_16 = arith.constant 160 : i32
    %barrier3A_17 = arith.constant 0 : index
    tpu.barrier barrier_id(%barrier3A_17)
    %add3A_18 = arith.constant 0 : i32
    %add3A_19 = arith.addi %mul3A_1, %add3A_18 : i32
    "tpu.region"() ({
      %run_scoped3A_28 = tpu.sem_alloc : memref<!tpu.dma_semaphore, #tpu.memory_space<semaphore_mem>>
      %dma_start3A = arith.constant 0 : i32
      %dma_start3A_29 = tpu.memref_slice %arg8[%add3A_19, %dma_start3A] : memref<10240x64xf32, #tpu.memory_space<vmem_shared>> -> memref<128x64xf32, #tpu.memory_space<vmem_shared>>
      %dma_start3A_30 = arith.constant 0 : i32
      %dma_start3A_31 = tpu.memref_slice %arg8[%add3A_19, %dma_start3A_30] : memref<10240x64xf32, #tpu.memory_space<vmem_shared>> -> memref<128x64xf32, #tpu.memory_space<vmem_shared>>
      tpu.enqueue_dma source(%dma_start3A_31 : memref<128x64xf32, #tpu.memory_space<vmem_shared>>) target(%arg7 : memref<128x64xf32, #tpu.memory_space<vmem>>) target_semaphore(%run_scoped3A_28 : memref<!tpu.dma_semaphore, #tpu.memory_space<semaphore_mem>>)
      %dma_wait3A = arith.constant 0 : i32
      %dma_wait3A_32 = tpu.memref_slice %arg8[%add3A_19, %dma_wait3A] : memref<10240x64xf32, #tpu.memory_space<vmem_shared>> -> memref<128x64xf32, #tpu.memory_space<vmem_shared>>
      %dma_wait3A_33 = arith.constant 0 : i32
      %dma_wait3A_34 = tpu.memref_slice %arg8[%add3A_19, %dma_wait3A_33] : memref<10240x64xf32, #tpu.memory_space<vmem_shared>> -> memref<128x64xf32, #tpu.memory_space<vmem_shared>>
      tpu.wait_dma2 semaphore(%run_scoped3A_28 : memref<!tpu.dma_semaphore, #tpu.memory_space<semaphore_mem>>) src(%dma_wait3A_34 : memref<128x64xf32, #tpu.memory_space<vmem_shared>>) dst(%arg7 : memref<128x64xf32, #tpu.memory_space<vmem>>)
      tpu.yield
    }) : () -> ()
    "tpu.region"() ({
      %run_scoped3A_28 = tpu.sem_alloc : memref<!tpu.dma_semaphore, #tpu.memory_space<semaphore_mem>>
      %dma_start3A = arith.constant 0 : i32
      %dma_start3A_29 = tpu.memref_slice %arg4[%arg0, %add3A_19, %dma_start3A] : memref<2x10240x64xf32, #tpu.memory_space<hbm>> -> memref<1x128x64xf32, #tpu.memory_space<hbm>>
      %dma_start3A_30 = tpu.memref_squeeze %dma_start3A_29 : memref<1x128x64xf32, #tpu.memory_space<hbm>> -> memref<128x64xf32, #tpu.memory_space<hbm>>
      %dma_start3A_31 = arith.constant 0 : i32
      %dma_start3A_32 = tpu.memref_slice %arg4[%arg0, %add3A_19, %dma_start3A_31] : memref<2x10240x64xf32, #tpu.memory_space<hbm>> -> memref<1x128x64xf32, #tpu.memory_space<hbm>>
      %dma_start3A_33 = tpu.memref_squeeze %dma_start3A_32 : memref<1x128x64xf32, #tpu.memory_space<hbm>> -> memref<128x64xf32, #tpu.memory_space<hbm>>
      tpu.enqueue_dma source(%arg7 : memref<128x64xf32, #tpu.memory_space<vmem>>) target(%dma_start3A_33 : memref<128x64xf32, #tpu.memory_space<hbm>>) target_semaphore(%run_scoped3A_28 : memref<!tpu.dma_semaphore, #tpu.memory_space<semaphore_mem>>)
      %dma_wait3A = arith.constant 0 : i32
      %dma_wait3A_34 = tpu.memref_slice %arg4[%arg0, %add3A_19, %dma_wait3A] : memref<2x10240x64xf32, #tpu.memory_space<hbm>> -> memref<1x128x64xf32, #tpu.memory_space<hbm>>
      %dma_wait3A_35 = tpu.memref_squeeze %dma_wait3A_34 : memref<1x128x64xf32, #tpu.memory_space<hbm>> -> memref<128x64xf32, #tpu.memory_space<hbm>>
      %dma_wait3A_36 = arith.constant 0 : i32
      %dma_wait3A_37 = tpu.memref_slice %arg4[%arg0, %add3A_19, %dma_wait3A_36] : memref<2x10240x64xf32, #tpu.memory_space<hbm>> -> memref<1x128x64xf32, #tpu.memory_space<hbm>>
      %dma_wait3A_38 = tpu.memref_squeeze %dma_wait3A_37 : memref<1x128x64xf32, #tpu.memory_space<hbm>> -> memref<128x64xf32, #tpu.memory_space<hbm>>
      tpu.wait_dma2 semaphore(%run_scoped3A_28 : memref<!tpu.dma_semaphore, #tpu.memory_space<semaphore_mem>>) src(%arg7 : memref<128x64xf32, #tpu.memory_space<vmem>>) dst(%dma_wait3A_38 : memref<128x64xf32, #tpu.memory_space<hbm>>)
      tpu.yield
    }) : () -> ()
    %add3A_20 = arith.constant 128 : i32
    %add3A_21 = arith.addi %mul3A_1, %add3A_20 : i32
    "tpu.region"() ({
      %run_scoped3A_28 = tpu.sem_alloc : memref<!tpu.dma_semaphore, #tpu.memory_space<semaphore_mem>>
      %dma_start3A = arith.constant 0 : i32
      %dma_start3A_29 = tpu.memref_slice %arg8[%add3A_21, %dma_start3A] : memref<10240x64xf32, #tpu.memory_space<vmem_shared>> -> memref<128x64xf32, #tpu.memory_space<vmem_shared>>
      %dma_start3A_30 = arith.constant 0 : i32
      %dma_start3A_31 = tpu.memref_slice %arg8[%add3A_21, %dma_start3A_30] : memref<10240x64xf32, #tpu.memory_space<vmem_shared>> -> memref<128x64xf32, #tpu.memory_space<vmem_shared>>
      tpu.enqueue_dma source(%dma_start3A_31 : memref<128x64xf32, #tpu.memory_space<vmem_shared>>) target(%arg7 : memref<128x64xf32, #tpu.memory_space<vmem>>) target_semaphore(%run_scoped3A_28 : memref<!tpu.dma_semaphore, #tpu.memory_space<semaphore_mem>>)
      %dma_wait3A = arith.constant 0 : i32
      %dma_wait3A_32 = tpu.memref_slice %arg8[%add3A_21, %dma_wait3A] : memref<10240x64xf32, #tpu.memory_space<vmem_shared>> -> memref<128x64xf32, #tpu.memory_space<vmem_shared>>
      %dma_wait3A_33 = arith.constant 0 : i32
      %dma_wait3A_34 = tpu.memref_slice %arg8[%add3A_21, %dma_wait3A_33] : memref<10240x64xf32, #tpu.memory_space<vmem_shared>> -> memref<128x64xf32, #tpu.memory_space<vmem_shared>>
      tpu.wait_dma2 semaphore(%run_scoped3A_28 : memref<!tpu.dma_semaphore, #tpu.memory_space<semaphore_mem>>) src(%dma_wait3A_34 : memref<128x64xf32, #tpu.memory_space<vmem_shared>>) dst(%arg7 : memref<128x64xf32, #tpu.memory_space<vmem>>)
      tpu.yield
    }) : () -> ()
    "tpu.region"() ({
      %run_scoped3A_28 = tpu.sem_alloc : memref<!tpu.dma_semaphore, #tpu.memory_space<semaphore_mem>>
      %dma_start3A = arith.constant 0 : i32
      %dma_start3A_29 = tpu.memref_slice %arg4[%arg0, %add3A_21, %dma_start3A] : memref<2x10240x64xf32, #tpu.memory_space<hbm>> -> memref<1x128x64xf32, #tpu.memory_space<hbm>>
      %dma_start3A_30 = tpu.memref_squeeze %dma_start3A_29 : memref<1x128x64xf32, #tpu.memory_space<hbm>> -> memref<128x64xf32, #tpu.memory_space<hbm>>
      %dma_start3A_31 = arith.constant 0 : i32
      %dma_start3A_32 = tpu.memref_slice %arg4[%arg0, %add3A_21, %dma_start3A_31] : memref<2x10240x64xf32, #tpu.memory_space<hbm>> -> memref<1x128x64xf32, #tpu.memory_space<hbm>>
      %dma_start3A_33 = tpu.memref_squeeze %dma_start3A_32 : memref<1x128x64xf32, #tpu.memory_space<hbm>> -> memref<128x64xf32, #tpu.memory_space<hbm>>
      tpu.enqueue_dma source(%arg7 : memref<128x64xf32, #tpu.memory_space<vmem>>) target(%dma_start3A_33 : memref<128x64xf32, #tpu.memory_space<hbm>>) target_semaphore(%run_scoped3A_28 : memref<!tpu.dma_semaphore, #tpu.memory_space<semaphore_mem>>)
      %dma_wait3A = arith.constant 0 : i32
      %dma_wait3A_34 = tpu.memref_slice %arg4[%arg0, %add3A_21, %dma_wait3A] : memref<2x10240x64xf32, #tpu.memory_space<hbm>> -> memref<1x128x64xf32, #tpu.memory_space<hbm>>
      %dma_wait3A_35 = tpu.memref_squeeze %dma_wait3A_34 : memref<1x128x64xf32, #tpu.memory_space<hbm>> -> memref<128x64xf32, #tpu.memory_space<hbm>>
      %dma_wait3A_36 = arith.constant 0 : i32
      %dma_wait3A_37 = tpu.memref_slice %arg4[%arg0, %add3A_21, %dma_wait3A_36] : memref<2x10240x64xf32, #tpu.memory_space<hbm>> -> memref<1x128x64xf32, #tpu.memory_space<hbm>>
      %dma_wait3A_38 = tpu.memref_squeeze %dma_wait3A_37 : memref<1x128x64xf32, #tpu.memory_space<hbm>> -> memref<128x64xf32, #tpu.memory_space<hbm>>
      tpu.wait_dma2 semaphore(%run_scoped3A_28 : memref<!tpu.dma_semaphore, #tpu.memory_space<semaphore_mem>>) src(%arg7 : memref<128x64xf32, #tpu.memory_space<vmem>>) dst(%dma_wait3A_38 : memref<128x64xf32, #tpu.memory_space<hbm>>)
      tpu.yield
    }) : () -> ()
    %add3A_22 = arith.constant 256 : i32
    %add3A_23 = arith.addi %mul3A_1, %add3A_22 : i32
    "tpu.region"() ({
      %run_scoped3A_28 = tpu.sem_alloc : memref<!tpu.dma_semaphore, #tpu.memory_space<semaphore_mem>>
      %dma_start3A = arith.constant 0 : i32
      %dma_start3A_29 = tpu.memref_slice %arg8[%add3A_23, %dma_start3A] : memref<10240x64xf32, #tpu.memory_space<vmem_shared>> -> memref<128x64xf32, #tpu.memory_space<vmem_shared>>
      %dma_start3A_30 = arith.constant 0 : i32
      %dma_start3A_31 = tpu.memref_slice %arg8[%add3A_23, %dma_start3A_30] : memref<10240x64xf32, #tpu.memory_space<vmem_shared>> -> memref<128x64xf32, #tpu.memory_space<vmem_shared>>
      tpu.enqueue_dma source(%dma_start3A_31 : memref<128x64xf32, #tpu.memory_space<vmem_shared>>) target(%arg7 : memref<128x64xf32, #tpu.memory_space<vmem>>) target_semaphore(%run_scoped3A_28 : memref<!tpu.dma_semaphore, #tpu.memory_space<semaphore_mem>>)
      %dma_wait3A = arith.constant 0 : i32
      %dma_wait3A_32 = tpu.memref_slice %arg8[%add3A_23, %dma_wait3A] : memref<10240x64xf32, #tpu.memory_space<vmem_shared>> -> memref<128x64xf32, #tpu.memory_space<vmem_shared>>
      %dma_wait3A_33 = arith.constant 0 : i32
      %dma_wait3A_34 = tpu.memref_slice %arg8[%add3A_23, %dma_wait3A_33] : memref<10240x64xf32, #tpu.memory_space<vmem_shared>> -> memref<128x64xf32, #tpu.memory_space<vmem_shared>>
      tpu.wait_dma2 semaphore(%run_scoped3A_28 : memref<!tpu.dma_semaphore, #tpu.memory_space<semaphore_mem>>) src(%dma_wait3A_34 : memref<128x64xf32, #tpu.memory_space<vmem_shared>>) dst(%arg7 : memref<128x64xf32, #tpu.memory_space<vmem>>)
      tpu.yield
    }) : () -> ()
    "tpu.region"() ({
      %run_scoped3A_28 = tpu.sem_alloc : memref<!tpu.dma_semaphore, #tpu.memory_space<semaphore_mem>>
      %dma_start3A = arith.constant 0 : i32
      %dma_start3A_29 = tpu.memref_slice %arg4[%arg0, %add3A_23, %dma_start3A] : memref<2x10240x64xf32, #tpu.memory_space<hbm>> -> memref<1x128x64xf32, #tpu.memory_space<hbm>>
      %dma_start3A_30 = tpu.memref_squeeze %dma_start3A_29 : memref<1x128x64xf32, #tpu.memory_space<hbm>> -> memref<128x64xf32, #tpu.memory_space<hbm>>
      %dma_start3A_31 = arith.constant 0 : i32
      %dma_start3A_32 = tpu.memref_slice %arg4[%arg0, %add3A_23, %dma_start3A_31] : memref<2x10240x64xf32, #tpu.memory_space<hbm>> -> memref<1x128x64xf32, #tpu.memory_space<hbm>>
      %dma_start3A_33 = tpu.memref_squeeze %dma_start3A_32 : memref<1x128x64xf32, #tpu.memory_space<hbm>> -> memref<128x64xf32, #tpu.memory_space<hbm>>
      tpu.enqueue_dma source(%arg7 : memref<128x64xf32, #tpu.memory_space<vmem>>) target(%dma_start3A_33 : memref<128x64xf32, #tpu.memory_space<hbm>>) target_semaphore(%run_scoped3A_28 : memref<!tpu.dma_semaphore, #tpu.memory_space<semaphore_mem>>)
      %dma_wait3A = arith.constant 0 : i32
      %dma_wait3A_34 = tpu.memref_slice %arg4[%arg0, %add3A_23, %dma_wait3A] : memref<2x10240x64xf32, #tpu.memory_space<hbm>> -> memref<1x128x64xf32, #tpu.memory_space<hbm>>
      %dma_wait3A_35 = tpu.memref_squeeze %dma_wait3A_34 : memref<1x128x64xf32, #tpu.memory_space<hbm>> -> memref<128x64xf32, #tpu.memory_space<hbm>>
      %dma_wait3A_36 = arith.constant 0 : i32
      %dma_wait3A_37 = tpu.memref_slice %arg4[%arg0, %add3A_23, %dma_wait3A_36] : memref<2x10240x64xf32, #tpu.memory_space<hbm>> -> memref<1x128x64xf32, #tpu.memory_space<hbm>>
      %dma_wait3A_38 = tpu.memref_squeeze %dma_wait3A_37 : memref<1x128x64xf32, #tpu.memory_space<hbm>> -> memref<128x64xf32, #tpu.memory_space<hbm>>
      tpu.wait_dma2 semaphore(%run_scoped3A_28 : memref<!tpu.dma_semaphore, #tpu.memory_space<semaphore_mem>>) src(%arg7 : memref<128x64xf32, #tpu.memory_space<vmem>>) dst(%dma_wait3A_38 : memref<128x64xf32, #tpu.memory_space<hbm>>)
      tpu.yield
    }) : () -> ()
    %add3A_24 = arith.constant 384 : i32
    %add3A_25 = arith.addi %mul3A_1, %add3A_24 : i32
    "tpu.region"() ({
      %run_scoped3A_28 = tpu.sem_alloc : memref<!tpu.dma_semaphore, #tpu.memory_space<semaphore_mem>>
      %dma_start3A = arith.constant 0 : i32
      %dma_start3A_29 = tpu.memref_slice %arg8[%add3A_25, %dma_start3A] : memref<10240x64xf32, #tpu.memory_space<vmem_shared>> -> memref<128x64xf32, #tpu.memory_space<vmem_shared>>
      %dma_start3A_30 = arith.constant 0 : i32
      %dma_start3A_31 = tpu.memref_slice %arg8[%add3A_25, %dma_start3A_30] : memref<10240x64xf32, #tpu.memory_space<vmem_shared>> -> memref<128x64xf32, #tpu.memory_space<vmem_shared>>
      tpu.enqueue_dma source(%dma_start3A_31 : memref<128x64xf32, #tpu.memory_space<vmem_shared>>) target(%arg7 : memref<128x64xf32, #tpu.memory_space<vmem>>) target_semaphore(%run_scoped3A_28 : memref<!tpu.dma_semaphore, #tpu.memory_space<semaphore_mem>>)
      %dma_wait3A = arith.constant 0 : i32
      %dma_wait3A_32 = tpu.memref_slice %arg8[%add3A_25, %dma_wait3A] : memref<10240x64xf32, #tpu.memory_space<vmem_shared>> -> memref<128x64xf32, #tpu.memory_space<vmem_shared>>
      %dma_wait3A_33 = arith.constant 0 : i32
      %dma_wait3A_34 = tpu.memref_slice %arg8[%add3A_25, %dma_wait3A_33] : memref<10240x64xf32, #tpu.memory_space<vmem_shared>> -> memref<128x64xf32, #tpu.memory_space<vmem_shared>>
      tpu.wait_dma2 semaphore(%run_scoped3A_28 : memref<!tpu.dma_semaphore, #tpu.memory_space<semaphore_mem>>) src(%dma_wait3A_34 : memref<128x64xf32, #tpu.memory_space<vmem_shared>>) dst(%arg7 : memref<128x64xf32, #tpu.memory_space<vmem>>)
      tpu.yield
    }) : () -> ()
    "tpu.region"() ({
      %run_scoped3A_28 = tpu.sem_alloc : memref<!tpu.dma_semaphore, #tpu.memory_space<semaphore_mem>>
      %dma_start3A = arith.constant 0 : i32
      %dma_start3A_29 = tpu.memref_slice %arg4[%arg0, %add3A_25, %dma_start3A] : memref<2x10240x64xf32, #tpu.memory_space<hbm>> -> memref<1x128x64xf32, #tpu.memory_space<hbm>>
      %dma_start3A_30 = tpu.memref_squeeze %dma_start3A_29 : memref<1x128x64xf32, #tpu.memory_space<hbm>> -> memref<128x64xf32, #tpu.memory_space<hbm>>
      %dma_start3A_31 = arith.constant 0 : i32
      %dma_start3A_32 = tpu.memref_slice %arg4[%arg0, %add3A_25, %dma_start3A_31] : memref<2x10240x64xf32, #tpu.memory_space<hbm>> -> memref<1x128x64xf32, #tpu.memory_space<hbm>>
      %dma_start3A_33 = tpu.memref_squeeze %dma_start3A_32 : memref<1x128x64xf32, #tpu.memory_space<hbm>> -> memref<128x64xf32, #tpu.memory_space<hbm>>
      tpu.enqueue_dma source(%arg7 : memref<128x64xf32, #tpu.memory_space<vmem>>) target(%dma_start3A_33 : memref<128x64xf32, #tpu.memory_space<hbm>>) target_semaphore(%run_scoped3A_28 : memref<!tpu.dma_semaphore, #tpu.memory_space<semaphore_mem>>)
      %dma_wait3A = arith.constant 0 : i32
      %dma_wait3A_34 = tpu.memref_slice %arg4[%arg0, %add3A_25, %dma_wait3A] : memref<2x10240x64xf32, #tpu.memory_space<hbm>> -> memref<1x128x64xf32, #tpu.memory_space<hbm>>
      %dma_wait3A_35 = tpu.memref_squeeze %dma_wait3A_34 : memref<1x128x64xf32, #tpu.memory_space<hbm>> -> memref<128x64xf32, #tpu.memory_space<hbm>>
      %dma_wait3A_36 = arith.constant 0 : i32
      %dma_wait3A_37 = tpu.memref_slice %arg4[%arg0, %add3A_25, %dma_wait3A_36] : memref<2x10240x64xf32, #tpu.memory_space<hbm>> -> memref<1x128x64xf32, #tpu.memory_space<hbm>>
      %dma_wait3A_38 = tpu.memref_squeeze %dma_wait3A_37 : memref<1x128x64xf32, #tpu.memory_space<hbm>> -> memref<128x64xf32, #tpu.memory_space<hbm>>
      tpu.wait_dma2 semaphore(%run_scoped3A_28 : memref<!tpu.dma_semaphore, #tpu.memory_space<semaphore_mem>>) src(%arg7 : memref<128x64xf32, #tpu.memory_space<vmem>>) dst(%dma_wait3A_38 : memref<128x64xf32, #tpu.memory_space<hbm>>)
      tpu.yield
    }) : () -> ()
    %add3A_26 = arith.constant 512 : i32
    %add3A_27 = arith.addi %mul3A_1, %add3A_26 : i32
    "tpu.region"() ({
      %run_scoped3A_28 = tpu.sem_alloc : memref<!tpu.dma_semaphore, #tpu.memory_space<semaphore_mem>>
      %dma_start3A = arith.constant 0 : i32
      %dma_start3A_29 = tpu.memref_slice %arg8[%add3A_27, %dma_start3A] : memref<10240x64xf32, #tpu.memory_space<vmem_shared>> -> memref<128x64xf32, #tpu.memory_space<vmem_shared>>
      %dma_start3A_30 = arith.constant 0 : i32
      %dma_start3A_31 = tpu.memref_slice %arg8[%add3A_27, %dma_start3A_30] : memref<10240x64xf32, #tpu.memory_space<vmem_shared>> -> memref<128x64xf32, #tpu.memory_space<vmem_shared>>
      tpu.enqueue_dma source(%dma_start3A_31 : memref<128x64xf32, #tpu.memory_space<vmem_shared>>) target(%arg7 : memref<128x64xf32, #tpu.memory_space<vmem>>) target_semaphore(%run_scoped3A_28 : memref<!tpu.dma_semaphore, #tpu.memory_space<semaphore_mem>>)
      %dma_wait3A = arith.constant 0 : i32
      %dma_wait3A_32 = tpu.memref_slice %arg8[%add3A_27, %dma_wait3A] : memref<10240x64xf32, #tpu.memory_space<vmem_shared>> -> memref<128x64xf32, #tpu.memory_space<vmem_shared>>
      %dma_wait3A_33 = arith.constant 0 : i32
      %dma_wait3A_34 = tpu.memref_slice %arg8[%add3A_27, %dma_wait3A_33] : memref<10240x64xf32, #tpu.memory_space<vmem_shared>> -> memref<128x64xf32, #tpu.memory_space<vmem_shared>>
      tpu.wait_dma2 semaphore(%run_scoped3A_28 : memref<!tpu.dma_semaphore, #tpu.memory_space<semaphore_mem>>) src(%dma_wait3A_34 : memref<128x64xf32, #tpu.memory_space<vmem_shared>>) dst(%arg7 : memref<128x64xf32, #tpu.memory_space<vmem>>)
      tpu.yield
    }) : () -> ()
    "tpu.region"() ({
      %run_scoped3A_28 = tpu.sem_alloc : memref<!tpu.dma_semaphore, #tpu.memory_space<semaphore_mem>>
      %dma_start3A = arith.constant 0 : i32
      %dma_start3A_29 = tpu.memref_slice %arg4[%arg0, %add3A_27, %dma_start3A] : memref<2x10240x64xf32, #tpu.memory_space<hbm>> -> memref<1x128x64xf32, #tpu.memory_space<hbm>>
      %dma_start3A_30 = tpu.memref_squeeze %dma_start3A_29 : memref<1x128x64xf32, #tpu.memory_space<hbm>> -> memref<128x64xf32, #tpu.memory_space<hbm>>
      %dma_start3A_31 = arith.constant 0 : i32
      %dma_start3A_32 = tpu.memref_slice %arg4[%arg0, %add3A_27, %dma_start3A_31] : memref<2x10240x64xf32, #tpu.memory_space<hbm>> -> memref<1x128x64xf32, #tpu.memory_space<hbm>>
      %dma_start3A_33 = tpu.memref_squeeze %dma_start3A_32 : memref<1x128x64xf32, #tpu.memory_space<hbm>> -> memref<128x64xf32, #tpu.memory_space<hbm>>
      tpu.enqueue_dma source(%arg7 : memref<128x64xf32, #tpu.memory_space<vmem>>) target(%dma_start3A_33 : memref<128x64xf32, #tpu.memory_space<hbm>>) target_semaphore(%run_scoped3A_28 : memref<!tpu.dma_semaphore, #tpu.memory_space<semaphore_mem>>)
      %dma_wait3A = arith.constant 0 : i32
      %dma_wait3A_34 = tpu.memref_slice %arg4[%arg0, %add3A_27, %dma_wait3A] : memref<2x10240x64xf32, #tpu.memory_space<hbm>> -> memref<1x128x64xf32, #tpu.memory_space<hbm>>
      %dma_wait3A_35 = tpu.memref_squeeze %dma_wait3A_34 : memref<1x128x64xf32, #tpu.memory_space<hbm>> -> memref<128x64xf32, #tpu.memory_space<hbm>>
      %dma_wait3A_36 = arith.constant 0 : i32
      %dma_wait3A_37 = tpu.memref_slice %arg4[%arg0, %add3A_27, %dma_wait3A_36] : memref<2x10240x64xf32, #tpu.memory_space<hbm>> -> memref<1x128x64xf32, #tpu.memory_space<hbm>>
      %dma_wait3A_38 = tpu.memref_squeeze %dma_wait3A_37 : memref<1x128x64xf32, #tpu.memory_space<hbm>> -> memref<128x64xf32, #tpu.memory_space<hbm>>
      tpu.wait_dma2 semaphore(%run_scoped3A_28 : memref<!tpu.dma_semaphore, #tpu.memory_space<semaphore_mem>>) src(%arg7 : memref<128x64xf32, #tpu.memory_space<vmem>>) dst(%dma_wait3A_38 : memref<128x64xf32, #tpu.memory_space<hbm>>)
      tpu.yield
    }) : () -> ()
    return
  }
}

#map = affine_map<(d0, d1) -> (0, 0, 0)>
#map1 = affine_map<(d0, d1) -> (0, 0)>
module attributes {stable_mosaic.version = 14 : i64} {
  func.func @_spmm_kernel(%arg0: i32, %arg1: i32, %arg2: memref<2x10240x64xf32, #tpu.memory_space<hbm>>, %arg3: memref<16x161x128xi32, #tpu.memory_space<hbm>>, %arg4: memref<16x160x128xi32, #tpu.memory_space<hbm>>, %arg5: memref<128x64xf32, #tpu.memory_space<hbm>>, %arg6: memref<2x10240x64xf32, #tpu.memory_space<hbm>>, %arg7: memref<161x128xi32, #tpu.memory_space<vmem>>, %arg8: memref<160x128xi32, #tpu.memory_space<vmem>>, %arg9: memref<128x64xf32, #tpu.memory_space<vmem>>, %arg10: memref<128x64xf32, #tpu.memory_space<vmem>>, %arg11: memref<128x64xf32, #tpu.memory_space<vmem>>, %arg12: memref<10240x64xf32, #tpu.memory_space<vmem_shared>>, %arg13: memref<!tpu.dma_semaphore, #tpu.memory_space<semaphore_mem>>, %arg14: memref<!tpu.dma_semaphore, #tpu.memory_space<semaphore_mem>>) attributes {dimension_semantics = [#tpu.dimension_semantics<core_parallel>, #tpu.dimension_semantics<subcore_parallel>], iteration_bounds = array<i64: 2, 16>, scalar_prefetch = 0 : i64, scratch_operands = 8 : i64, tpu.core_type = #tpu.core_type<sc_vector_subcore>, window_params = [{transform_indices = #map}, {transform_indices = #map}, {transform_indices = #map}, {transform_indices = #map1}, {transform_indices = #map}]} {
    "tpu.region"() ({
      %run_scoped3A = tpu.sem_alloc : memref<!tpu.dma_semaphore, #tpu.memory_space<semaphore_mem>>
      %dma_start3A_37 = arith.constant 0 : i32
      %dma_start3A_38 = arith.constant 0 : i32
      %dma_start3A_39 = tpu.memref_slice %arg3[%arg1, %dma_start3A_37, %dma_start3A_38] : memref<16x161x128xi32, #tpu.memory_space<hbm>> -> memref<1x161x128xi32, #tpu.memory_space<hbm>>
      %dma_start3A_40 = tpu.memref_squeeze %dma_start3A_39 : memref<1x161x128xi32, #tpu.memory_space<hbm>> -> memref<161x128xi32, #tpu.memory_space<hbm>>
      %dma_start3A_41 = arith.constant 0 : i32
      %dma_start3A_42 = arith.constant 0 : i32
      %dma_start3A_43 = tpu.memref_slice %arg3[%arg1, %dma_start3A_41, %dma_start3A_42] : memref<16x161x128xi32, #tpu.memory_space<hbm>> -> memref<1x161x128xi32, #tpu.memory_space<hbm>>
      %dma_start3A_44 = tpu.memref_squeeze %dma_start3A_43 : memref<1x161x128xi32, #tpu.memory_space<hbm>> -> memref<161x128xi32, #tpu.memory_space<hbm>>
      tpu.enqueue_dma source(%dma_start3A_44 : memref<161x128xi32, #tpu.memory_space<hbm>>) target(%arg7 : memref<161x128xi32, #tpu.memory_space<vmem>>) target_semaphore(%run_scoped3A : memref<!tpu.dma_semaphore, #tpu.memory_space<semaphore_mem>>)
      %dma_wait3A = arith.constant 0 : i32
      %dma_wait3A_45 = arith.constant 0 : i32
      %dma_wait3A_46 = tpu.memref_slice %arg3[%arg1, %dma_wait3A, %dma_wait3A_45] : memref<16x161x128xi32, #tpu.memory_space<hbm>> -> memref<1x161x128xi32, #tpu.memory_space<hbm>>
      %dma_wait3A_47 = tpu.memref_squeeze %dma_wait3A_46 : memref<1x161x128xi32, #tpu.memory_space<hbm>> -> memref<161x128xi32, #tpu.memory_space<hbm>>
      %dma_wait3A_48 = arith.constant 0 : i32
      %dma_wait3A_49 = arith.constant 0 : i32
      %dma_wait3A_50 = tpu.memref_slice %arg3[%arg1, %dma_wait3A_48, %dma_wait3A_49] : memref<16x161x128xi32, #tpu.memory_space<hbm>> -> memref<1x161x128xi32, #tpu.memory_space<hbm>>
      %dma_wait3A_51 = tpu.memref_squeeze %dma_wait3A_50 : memref<1x161x128xi32, #tpu.memory_space<hbm>> -> memref<161x128xi32, #tpu.memory_space<hbm>>
      tpu.wait_dma2 semaphore(%run_scoped3A : memref<!tpu.dma_semaphore, #tpu.memory_space<semaphore_mem>>) src(%dma_wait3A_51 : memref<161x128xi32, #tpu.memory_space<hbm>>) dst(%arg7 : memref<161x128xi32, #tpu.memory_space<vmem>>)
      tpu.yield
    }) : () -> ()
    "tpu.region"() ({
      %run_scoped3A = tpu.sem_alloc : memref<!tpu.dma_semaphore, #tpu.memory_space<semaphore_mem>>
      %dma_start3A_37 = arith.constant 0 : i32
      %dma_start3A_38 = arith.constant 0 : i32
      %dma_start3A_39 = tpu.memref_slice %arg4[%arg1, %dma_start3A_37, %dma_start3A_38] : memref<16x160x128xi32, #tpu.memory_space<hbm>> -> memref<1x160x128xi32, #tpu.memory_space<hbm>>
      %dma_start3A_40 = tpu.memref_squeeze %dma_start3A_39 : memref<1x160x128xi32, #tpu.memory_space<hbm>> -> memref<160x128xi32, #tpu.memory_space<hbm>>
      %dma_start3A_41 = arith.constant 0 : i32
      %dma_start3A_42 = arith.constant 0 : i32
      %dma_start3A_43 = tpu.memref_slice %arg4[%arg1, %dma_start3A_41, %dma_start3A_42] : memref<16x160x128xi32, #tpu.memory_space<hbm>> -> memref<1x160x128xi32, #tpu.memory_space<hbm>>
      %dma_start3A_44 = tpu.memref_squeeze %dma_start3A_43 : memref<1x160x128xi32, #tpu.memory_space<hbm>> -> memref<160x128xi32, #tpu.memory_space<hbm>>
      tpu.enqueue_dma source(%dma_start3A_44 : memref<160x128xi32, #tpu.memory_space<hbm>>) target(%arg8 : memref<160x128xi32, #tpu.memory_space<vmem>>) target_semaphore(%run_scoped3A : memref<!tpu.dma_semaphore, #tpu.memory_space<semaphore_mem>>)
      %dma_wait3A = arith.constant 0 : i32
      %dma_wait3A_45 = arith.constant 0 : i32
      %dma_wait3A_46 = tpu.memref_slice %arg4[%arg1, %dma_wait3A, %dma_wait3A_45] : memref<16x160x128xi32, #tpu.memory_space<hbm>> -> memref<1x160x128xi32, #tpu.memory_space<hbm>>
      %dma_wait3A_47 = tpu.memref_squeeze %dma_wait3A_46 : memref<1x160x128xi32, #tpu.memory_space<hbm>> -> memref<160x128xi32, #tpu.memory_space<hbm>>
      %dma_wait3A_48 = arith.constant 0 : i32
      %dma_wait3A_49 = arith.constant 0 : i32
      %dma_wait3A_50 = tpu.memref_slice %arg4[%arg1, %dma_wait3A_48, %dma_wait3A_49] : memref<16x160x128xi32, #tpu.memory_space<hbm>> -> memref<1x160x128xi32, #tpu.memory_space<hbm>>
      %dma_wait3A_51 = tpu.memref_squeeze %dma_wait3A_50 : memref<1x160x128xi32, #tpu.memory_space<hbm>> -> memref<160x128xi32, #tpu.memory_space<hbm>>
      tpu.wait_dma2 semaphore(%run_scoped3A : memref<!tpu.dma_semaphore, #tpu.memory_space<semaphore_mem>>) src(%dma_wait3A_51 : memref<160x128xi32, #tpu.memory_space<hbm>>) dst(%arg8 : memref<160x128xi32, #tpu.memory_space<vmem>>)
      tpu.yield
    }) : () -> ()
    "tpu.region"() ({
      %run_scoped3A = tpu.sem_alloc : memref<!tpu.dma_semaphore, #tpu.memory_space<semaphore_mem>>
      tpu.enqueue_dma source(%arg5 : memref<128x64xf32, #tpu.memory_space<hbm>>) target(%arg11 : memref<128x64xf32, #tpu.memory_space<vmem>>) target_semaphore(%run_scoped3A : memref<!tpu.dma_semaphore, #tpu.memory_space<semaphore_mem>>)
      tpu.wait_dma2 semaphore(%run_scoped3A : memref<!tpu.dma_semaphore, #tpu.memory_space<semaphore_mem>>) src(%arg5 : memref<128x64xf32, #tpu.memory_space<hbm>>) dst(%arg11 : memref<128x64xf32, #tpu.memory_space<vmem>>)
      tpu.yield
    }) : () -> ()
    %mul3A = arith.constant 640 : i32
    %mul3A_0 = arith.muli %arg1, %mul3A : i32
    %add3A = arith.constant 0 : i32
    %add3A_1 = arith.addi %mul3A_0, %add3A : i32
    "tpu.region"() ({
      %run_scoped3A = tpu.sem_alloc : memref<!tpu.dma_semaphore, #tpu.memory_space<semaphore_mem>>
      %dma_start3A_37 = arith.constant 0 : i32
      %dma_start3A_38 = tpu.memref_slice %arg12[%add3A_1, %dma_start3A_37] : memref<10240x64xf32, #tpu.memory_space<vmem_shared>> -> memref<128x64xf32, #tpu.memory_space<vmem_shared>>
      %dma_start3A_39 = arith.constant 0 : i32
      %dma_start3A_40 = tpu.memref_slice %arg12[%add3A_1, %dma_start3A_39] : memref<10240x64xf32, #tpu.memory_space<vmem_shared>> -> memref<128x64xf32, #tpu.memory_space<vmem_shared>>
      tpu.enqueue_dma source(%arg11 : memref<128x64xf32, #tpu.memory_space<vmem>>) target(%dma_start3A_40 : memref<128x64xf32, #tpu.memory_space<vmem_shared>>) target_semaphore(%run_scoped3A : memref<!tpu.dma_semaphore, #tpu.memory_space<semaphore_mem>>)
      %dma_wait3A = arith.constant 0 : i32
      %dma_wait3A_41 = tpu.memref_slice %arg12[%add3A_1, %dma_wait3A] : memref<10240x64xf32, #tpu.memory_space<vmem_shared>> -> memref<128x64xf32, #tpu.memory_space<vmem_shared>>
      %dma_wait3A_42 = arith.constant 0 : i32
      %dma_wait3A_43 = tpu.memref_slice %arg12[%add3A_1, %dma_wait3A_42] : memref<10240x64xf32, #tpu.memory_space<vmem_shared>> -> memref<128x64xf32, #tpu.memory_space<vmem_shared>>
      tpu.wait_dma2 semaphore(%run_scoped3A : memref<!tpu.dma_semaphore, #tpu.memory_space<semaphore_mem>>) src(%arg11 : memref<128x64xf32, #tpu.memory_space<vmem>>) dst(%dma_wait3A_43 : memref<128x64xf32, #tpu.memory_space<vmem_shared>>)
      tpu.yield
    }) : () -> ()
    %add3A_2 = arith.constant 128 : i32
    %add3A_3 = arith.addi %mul3A_0, %add3A_2 : i32
    "tpu.region"() ({
      %run_scoped3A = tpu.sem_alloc : memref<!tpu.dma_semaphore, #tpu.memory_space<semaphore_mem>>
      %dma_start3A_37 = arith.constant 0 : i32
      %dma_start3A_38 = tpu.memref_slice %arg12[%add3A_3, %dma_start3A_37] : memref<10240x64xf32, #tpu.memory_space<vmem_shared>> -> memref<128x64xf32, #tpu.memory_space<vmem_shared>>
      %dma_start3A_39 = arith.constant 0 : i32
      %dma_start3A_40 = tpu.memref_slice %arg12[%add3A_3, %dma_start3A_39] : memref<10240x64xf32, #tpu.memory_space<vmem_shared>> -> memref<128x64xf32, #tpu.memory_space<vmem_shared>>
      tpu.enqueue_dma source(%arg11 : memref<128x64xf32, #tpu.memory_space<vmem>>) target(%dma_start3A_40 : memref<128x64xf32, #tpu.memory_space<vmem_shared>>) target_semaphore(%run_scoped3A : memref<!tpu.dma_semaphore, #tpu.memory_space<semaphore_mem>>)
      %dma_wait3A = arith.constant 0 : i32
      %dma_wait3A_41 = tpu.memref_slice %arg12[%add3A_3, %dma_wait3A] : memref<10240x64xf32, #tpu.memory_space<vmem_shared>> -> memref<128x64xf32, #tpu.memory_space<vmem_shared>>
      %dma_wait3A_42 = arith.constant 0 : i32
      %dma_wait3A_43 = tpu.memref_slice %arg12[%add3A_3, %dma_wait3A_42] : memref<10240x64xf32, #tpu.memory_space<vmem_shared>> -> memref<128x64xf32, #tpu.memory_space<vmem_shared>>
      tpu.wait_dma2 semaphore(%run_scoped3A : memref<!tpu.dma_semaphore, #tpu.memory_space<semaphore_mem>>) src(%arg11 : memref<128x64xf32, #tpu.memory_space<vmem>>) dst(%dma_wait3A_43 : memref<128x64xf32, #tpu.memory_space<vmem_shared>>)
      tpu.yield
    }) : () -> ()
    %add3A_4 = arith.constant 256 : i32
    %add3A_5 = arith.addi %mul3A_0, %add3A_4 : i32
    "tpu.region"() ({
      %run_scoped3A = tpu.sem_alloc : memref<!tpu.dma_semaphore, #tpu.memory_space<semaphore_mem>>
      %dma_start3A_37 = arith.constant 0 : i32
      %dma_start3A_38 = tpu.memref_slice %arg12[%add3A_5, %dma_start3A_37] : memref<10240x64xf32, #tpu.memory_space<vmem_shared>> -> memref<128x64xf32, #tpu.memory_space<vmem_shared>>
      %dma_start3A_39 = arith.constant 0 : i32
      %dma_start3A_40 = tpu.memref_slice %arg12[%add3A_5, %dma_start3A_39] : memref<10240x64xf32, #tpu.memory_space<vmem_shared>> -> memref<128x64xf32, #tpu.memory_space<vmem_shared>>
      tpu.enqueue_dma source(%arg11 : memref<128x64xf32, #tpu.memory_space<vmem>>) target(%dma_start3A_40 : memref<128x64xf32, #tpu.memory_space<vmem_shared>>) target_semaphore(%run_scoped3A : memref<!tpu.dma_semaphore, #tpu.memory_space<semaphore_mem>>)
      %dma_wait3A = arith.constant 0 : i32
      %dma_wait3A_41 = tpu.memref_slice %arg12[%add3A_5, %dma_wait3A] : memref<10240x64xf32, #tpu.memory_space<vmem_shared>> -> memref<128x64xf32, #tpu.memory_space<vmem_shared>>
      %dma_wait3A_42 = arith.constant 0 : i32
      %dma_wait3A_43 = tpu.memref_slice %arg12[%add3A_5, %dma_wait3A_42] : memref<10240x64xf32, #tpu.memory_space<vmem_shared>> -> memref<128x64xf32, #tpu.memory_space<vmem_shared>>
      tpu.wait_dma2 semaphore(%run_scoped3A : memref<!tpu.dma_semaphore, #tpu.memory_space<semaphore_mem>>) src(%arg11 : memref<128x64xf32, #tpu.memory_space<vmem>>) dst(%dma_wait3A_43 : memref<128x64xf32, #tpu.memory_space<vmem_shared>>)
      tpu.yield
    }) : () -> ()
    %add3A_6 = arith.constant 384 : i32
    %add3A_7 = arith.addi %mul3A_0, %add3A_6 : i32
    "tpu.region"() ({
      %run_scoped3A = tpu.sem_alloc : memref<!tpu.dma_semaphore, #tpu.memory_space<semaphore_mem>>
      %dma_start3A_37 = arith.constant 0 : i32
      %dma_start3A_38 = tpu.memref_slice %arg12[%add3A_7, %dma_start3A_37] : memref<10240x64xf32, #tpu.memory_space<vmem_shared>> -> memref<128x64xf32, #tpu.memory_space<vmem_shared>>
      %dma_start3A_39 = arith.constant 0 : i32
      %dma_start3A_40 = tpu.memref_slice %arg12[%add3A_7, %dma_start3A_39] : memref<10240x64xf32, #tpu.memory_space<vmem_shared>> -> memref<128x64xf32, #tpu.memory_space<vmem_shared>>
      tpu.enqueue_dma source(%arg11 : memref<128x64xf32, #tpu.memory_space<vmem>>) target(%dma_start3A_40 : memref<128x64xf32, #tpu.memory_space<vmem_shared>>) target_semaphore(%run_scoped3A : memref<!tpu.dma_semaphore, #tpu.memory_space<semaphore_mem>>)
      %dma_wait3A = arith.constant 0 : i32
      %dma_wait3A_41 = tpu.memref_slice %arg12[%add3A_7, %dma_wait3A] : memref<10240x64xf32, #tpu.memory_space<vmem_shared>> -> memref<128x64xf32, #tpu.memory_space<vmem_shared>>
      %dma_wait3A_42 = arith.constant 0 : i32
      %dma_wait3A_43 = tpu.memref_slice %arg12[%add3A_7, %dma_wait3A_42] : memref<10240x64xf32, #tpu.memory_space<vmem_shared>> -> memref<128x64xf32, #tpu.memory_space<vmem_shared>>
      tpu.wait_dma2 semaphore(%run_scoped3A : memref<!tpu.dma_semaphore, #tpu.memory_space<semaphore_mem>>) src(%arg11 : memref<128x64xf32, #tpu.memory_space<vmem>>) dst(%dma_wait3A_43 : memref<128x64xf32, #tpu.memory_space<vmem_shared>>)
      tpu.yield
    }) : () -> ()
    %add3A_8 = arith.constant 512 : i32
    %add3A_9 = arith.addi %mul3A_0, %add3A_8 : i32
    "tpu.region"() ({
      %run_scoped3A = tpu.sem_alloc : memref<!tpu.dma_semaphore, #tpu.memory_space<semaphore_mem>>
      %dma_start3A_37 = arith.constant 0 : i32
      %dma_start3A_38 = tpu.memref_slice %arg12[%add3A_9, %dma_start3A_37] : memref<10240x64xf32, #tpu.memory_space<vmem_shared>> -> memref<128x64xf32, #tpu.memory_space<vmem_shared>>
      %dma_start3A_39 = arith.constant 0 : i32
      %dma_start3A_40 = tpu.memref_slice %arg12[%add3A_9, %dma_start3A_39] : memref<10240x64xf32, #tpu.memory_space<vmem_shared>> -> memref<128x64xf32, #tpu.memory_space<vmem_shared>>
      tpu.enqueue_dma source(%arg11 : memref<128x64xf32, #tpu.memory_space<vmem>>) target(%dma_start3A_40 : memref<128x64xf32, #tpu.memory_space<vmem_shared>>) target_semaphore(%run_scoped3A : memref<!tpu.dma_semaphore, #tpu.memory_space<semaphore_mem>>)
      %dma_wait3A = arith.constant 0 : i32
      %dma_wait3A_41 = tpu.memref_slice %arg12[%add3A_9, %dma_wait3A] : memref<10240x64xf32, #tpu.memory_space<vmem_shared>> -> memref<128x64xf32, #tpu.memory_space<vmem_shared>>
      %dma_wait3A_42 = arith.constant 0 : i32
      %dma_wait3A_43 = tpu.memref_slice %arg12[%add3A_9, %dma_wait3A_42] : memref<10240x64xf32, #tpu.memory_space<vmem_shared>> -> memref<128x64xf32, #tpu.memory_space<vmem_shared>>
      tpu.wait_dma2 semaphore(%run_scoped3A : memref<!tpu.dma_semaphore, #tpu.memory_space<semaphore_mem>>) src(%arg11 : memref<128x64xf32, #tpu.memory_space<vmem>>) dst(%dma_wait3A_43 : memref<128x64xf32, #tpu.memory_space<vmem_shared>>)
      tpu.yield
    }) : () -> ()
    %barrier3A = arith.constant 0 : index
    tpu.barrier barrier_id(%barrier3A)
    %dma_start3A = arith.constant 0 : i32
    %dma_start3A_10 = arith.constant 0 : i32
    %dma_start3A_11 = tpu.memref_slice %arg7[%dma_start3A, %dma_start3A_10] : memref<161x128xi32, #tpu.memory_space<vmem>> -> memref<1x128xi32, #tpu.memory_space<vmem>>
    %dma_start3A_12 = tpu.memref_squeeze %dma_start3A_11 : memref<1x128xi32, #tpu.memory_space<vmem>> -> memref<128xi32, #tpu.memory_space<vmem>>
    %dma_start3A_13 = arith.constant 0 : i32
    %dma_start3A_14 = arith.constant 0 : i32
    %dma_start3A_15 = tpu.memref_slice %arg2[%arg0, %dma_start3A_13, %dma_start3A_14] : memref<2x10240x64xf32, #tpu.memory_space<hbm>> -> memref<1x10240x64xf32, #tpu.memory_space<hbm>>
    %dma_start3A_16 = tpu.memref_squeeze %dma_start3A_15 : memref<1x10240x64xf32, #tpu.memory_space<hbm>> -> memref<10240x64xf32, #tpu.memory_space<hbm>>
    %dma_start3A_17 = arith.constant 0 : i32
    %dma_start3A_18 = arith.constant 0 : i32
    %dma_start3A_19 = tpu.memref_slice %dma_start3A_16[%dma_start3A_17, %dma_start3A_18] : memref<10240x64xf32, #tpu.memory_space<hbm>> -> memref<10240x64xf32, #tpu.memory_space<hbm>>
    tpu.enqueue_indirect_dma source(%dma_start3A_19 : memref<10240x64xf32, #tpu.memory_space<hbm>>) target(%arg9 : memref<128x64xf32, #tpu.memory_space<vmem>>) offsets(%dma_start3A_12 : memref<128xi32, #tpu.memory_space<vmem>>) semaphore(%arg13 : memref<!tpu.dma_semaphore, #tpu.memory_space<semaphore_mem>>)
    %scan3A = arith.constant 0 : i32
    %scan3A_20 = arith.constant 0 : i32
    %scan3A_21 = arith.constant 80 : i32
    %scan3A_22 = arith.addi %scan3A_20, %scan3A_21 : i32
    %scan3A_23 = arith.constant 1 : i32
    %scan3A_24 = scf.for %scan3A_37 = %scan3A_20 to %scan3A_22 step %scan3A_23 iter_args(%scan3A_38 = %scan3A) -> (i32)  : i32 {
      %mul3A_39 = arith.constant 2 : i32
      %mul3A_40 = arith.muli %mul3A_39, %scan3A_37 : i32
      tpu.wait_dma2 semaphore(%arg13 : memref<!tpu.dma_semaphore, #tpu.memory_space<semaphore_mem>>) src(%arg5 : memref<128x64xf32, #tpu.memory_space<hbm>>) dst(%arg9 : memref<128x64xf32, #tpu.memory_space<vmem>>)
      %add3A_41 = arith.constant 1 : i32
      %add3A_42 = arith.addi %mul3A_40, %add3A_41 : i32
      %dma_start3A_43 = arith.constant 0 : i32
      %dma_start3A_44 = tpu.memref_slice %arg7[%add3A_42, %dma_start3A_43] : memref<161x128xi32, #tpu.memory_space<vmem>> -> memref<1x128xi32, #tpu.memory_space<vmem>>
      %dma_start3A_45 = tpu.memref_squeeze %dma_start3A_44 : memref<1x128xi32, #tpu.memory_space<vmem>> -> memref<128xi32, #tpu.memory_space<vmem>>
      %dma_start3A_46 = arith.constant 0 : i32
      %dma_start3A_47 = arith.constant 0 : i32
      %dma_start3A_48 = tpu.memref_slice %arg2[%arg0, %dma_start3A_46, %dma_start3A_47] : memref<2x10240x64xf32, #tpu.memory_space<hbm>> -> memref<1x10240x64xf32, #tpu.memory_space<hbm>>
      %dma_start3A_49 = tpu.memref_squeeze %dma_start3A_48 : memref<1x10240x64xf32, #tpu.memory_space<hbm>> -> memref<10240x64xf32, #tpu.memory_space<hbm>>
      %dma_start3A_50 = arith.constant 0 : i32
      %dma_start3A_51 = arith.constant 0 : i32
      %dma_start3A_52 = tpu.memref_slice %dma_start3A_49[%dma_start3A_50, %dma_start3A_51] : memref<10240x64xf32, #tpu.memory_space<hbm>> -> memref<10240x64xf32, #tpu.memory_space<hbm>>
      tpu.enqueue_indirect_dma source(%dma_start3A_52 : memref<10240x64xf32, #tpu.memory_space<hbm>>) target(%arg10 : memref<128x64xf32, #tpu.memory_space<vmem>>) offsets(%dma_start3A_45 : memref<128xi32, #tpu.memory_space<vmem>>) semaphore(%arg14 : memref<!tpu.dma_semaphore, #tpu.memory_space<semaphore_mem>>)
      "tpu.region"() ({
        %run_scoped3A = tpu.sem_alloc : memref<!tpu.dma_semaphore, #tpu.memory_space<semaphore_mem>>
        %dma_start3A_68 = arith.constant 0 : i32
        %dma_start3A_69 = tpu.memref_slice %arg8[%mul3A_40, %dma_start3A_68] : memref<160x128xi32, #tpu.memory_space<vmem>> -> memref<1x128xi32, #tpu.memory_space<vmem>>
        %dma_start3A_70 = tpu.memref_squeeze %dma_start3A_69 : memref<1x128xi32, #tpu.memory_space<vmem>> -> memref<128xi32, #tpu.memory_space<vmem>>
        %dma_start3A_71 = arith.constant 0 : i32
        %dma_start3A_72 = arith.constant 0 : i32
        %dma_start3A_73 = tpu.memref_slice %arg12[%dma_start3A_71, %dma_start3A_72] : memref<10240x64xf32, #tpu.memory_space<vmem_shared>> -> memref<10240x64xf32, #tpu.memory_space<vmem_shared>>
        tpu.enqueue_indirect_dma source(%arg9 : memref<128x64xf32, #tpu.memory_space<vmem>>) target(%dma_start3A_73 : memref<10240x64xf32, #tpu.memory_space<vmem_shared>>) offsets(%dma_start3A_70 : memref<128xi32, #tpu.memory_space<vmem>>) semaphore(%run_scoped3A : memref<!tpu.dma_semaphore, #tpu.memory_space<semaphore_mem>>) {add = true}
        %dma_wait3A = arith.constant 0 : i32
        %dma_wait3A_74 = tpu.memref_slice %arg8[%mul3A_40, %dma_wait3A] : memref<160x128xi32, #tpu.memory_space<vmem>> -> memref<1x128xi32, #tpu.memory_space<vmem>>
        %dma_wait3A_75 = tpu.memref_squeeze %dma_wait3A_74 : memref<1x128xi32, #tpu.memory_space<vmem>> -> memref<128xi32, #tpu.memory_space<vmem>>
        %dma_wait3A_76 = arith.constant 0 : i32
        %dma_wait3A_77 = arith.constant 0 : i32
        %dma_wait3A_78 = tpu.memref_slice %arg12[%dma_wait3A_76, %dma_wait3A_77] : memref<10240x64xf32, #tpu.memory_space<vmem_shared>> -> memref<10240x64xf32, #tpu.memory_space<vmem_shared>>
        tpu.wait_indirect_dma semaphore(%run_scoped3A : memref<!tpu.dma_semaphore, #tpu.memory_space<semaphore_mem>>) src(%arg9 : memref<128x64xf32, #tpu.memory_space<vmem>>) dst(%dma_wait3A_78 : memref<10240x64xf32, #tpu.memory_space<vmem_shared>>)
        tpu.yield
      }) : () -> ()
      tpu.wait_dma2 semaphore(%arg14 : memref<!tpu.dma_semaphore, #tpu.memory_space<semaphore_mem>>) src(%arg5 : memref<128x64xf32, #tpu.memory_space<hbm>>) dst(%arg10 : memref<128x64xf32, #tpu.memory_space<vmem>>)
      %add3A_53 = arith.constant 2 : i32
      %add3A_54 = arith.addi %mul3A_40, %add3A_53 : i32
      %dma_start3A_55 = arith.constant 0 : i32
      %dma_start3A_56 = tpu.memref_slice %arg7[%add3A_54, %dma_start3A_55] : memref<161x128xi32, #tpu.memory_space<vmem>> -> memref<1x128xi32, #tpu.memory_space<vmem>>
      %dma_start3A_57 = tpu.memref_squeeze %dma_start3A_56 : memref<1x128xi32, #tpu.memory_space<vmem>> -> memref<128xi32, #tpu.memory_space<vmem>>
      %dma_start3A_58 = arith.constant 0 : i32
      %dma_start3A_59 = arith.constant 0 : i32
      %dma_start3A_60 = tpu.memref_slice %arg2[%arg0, %dma_start3A_58, %dma_start3A_59] : memref<2x10240x64xf32, #tpu.memory_space<hbm>> -> memref<1x10240x64xf32, #tpu.memory_space<hbm>>
      %dma_start3A_61 = tpu.memref_squeeze %dma_start3A_60 : memref<1x10240x64xf32, #tpu.memory_space<hbm>> -> memref<10240x64xf32, #tpu.memory_space<hbm>>
      %dma_start3A_62 = arith.constant 0 : i32
      %dma_start3A_63 = arith.constant 0 : i32
      %dma_start3A_64 = tpu.memref_slice %dma_start3A_61[%dma_start3A_62, %dma_start3A_63] : memref<10240x64xf32, #tpu.memory_space<hbm>> -> memref<10240x64xf32, #tpu.memory_space<hbm>>
      tpu.enqueue_indirect_dma source(%dma_start3A_64 : memref<10240x64xf32, #tpu.memory_space<hbm>>) target(%arg9 : memref<128x64xf32, #tpu.memory_space<vmem>>) offsets(%dma_start3A_57 : memref<128xi32, #tpu.memory_space<vmem>>) semaphore(%arg13 : memref<!tpu.dma_semaphore, #tpu.memory_space<semaphore_mem>>)
      %add3A_65 = arith.constant 1 : i32
      %add3A_66 = arith.addi %mul3A_40, %add3A_65 : i32
      "tpu.region"() ({
        %run_scoped3A = tpu.sem_alloc : memref<!tpu.dma_semaphore, #tpu.memory_space<semaphore_mem>>
        %dma_start3A_68 = arith.constant 0 : i32
        %dma_start3A_69 = tpu.memref_slice %arg8[%add3A_66, %dma_start3A_68] : memref<160x128xi32, #tpu.memory_space<vmem>> -> memref<1x128xi32, #tpu.memory_space<vmem>>
        %dma_start3A_70 = tpu.memref_squeeze %dma_start3A_69 : memref<1x128xi32, #tpu.memory_space<vmem>> -> memref<128xi32, #tpu.memory_space<vmem>>
        %dma_start3A_71 = arith.constant 0 : i32
        %dma_start3A_72 = arith.constant 0 : i32
        %dma_start3A_73 = tpu.memref_slice %arg12[%dma_start3A_71, %dma_start3A_72] : memref<10240x64xf32, #tpu.memory_space<vmem_shared>> -> memref<10240x64xf32, #tpu.memory_space<vmem_shared>>
        tpu.enqueue_indirect_dma source(%arg10 : memref<128x64xf32, #tpu.memory_space<vmem>>) target(%dma_start3A_73 : memref<10240x64xf32, #tpu.memory_space<vmem_shared>>) offsets(%dma_start3A_70 : memref<128xi32, #tpu.memory_space<vmem>>) semaphore(%run_scoped3A : memref<!tpu.dma_semaphore, #tpu.memory_space<semaphore_mem>>) {add = true}
        %dma_wait3A = arith.constant 0 : i32
        %dma_wait3A_74 = tpu.memref_slice %arg8[%add3A_66, %dma_wait3A] : memref<160x128xi32, #tpu.memory_space<vmem>> -> memref<1x128xi32, #tpu.memory_space<vmem>>
        %dma_wait3A_75 = tpu.memref_squeeze %dma_wait3A_74 : memref<1x128xi32, #tpu.memory_space<vmem>> -> memref<128xi32, #tpu.memory_space<vmem>>
        %dma_wait3A_76 = arith.constant 0 : i32
        %dma_wait3A_77 = arith.constant 0 : i32
        %dma_wait3A_78 = tpu.memref_slice %arg12[%dma_wait3A_76, %dma_wait3A_77] : memref<10240x64xf32, #tpu.memory_space<vmem_shared>> -> memref<10240x64xf32, #tpu.memory_space<vmem_shared>>
        tpu.wait_indirect_dma semaphore(%run_scoped3A : memref<!tpu.dma_semaphore, #tpu.memory_space<semaphore_mem>>) src(%arg10 : memref<128x64xf32, #tpu.memory_space<vmem>>) dst(%dma_wait3A_78 : memref<10240x64xf32, #tpu.memory_space<vmem_shared>>)
        tpu.yield
      }) : () -> ()
      %scan3A_67 = arith.constant 0 : i32
      scf.yield %scan3A_67 : i32
    }
    %scan3A_25 = arith.constant 80 : i32
    tpu.wait_dma2 semaphore(%arg13 : memref<!tpu.dma_semaphore, #tpu.memory_space<semaphore_mem>>) src(%arg5 : memref<128x64xf32, #tpu.memory_space<hbm>>) dst(%arg9 : memref<128x64xf32, #tpu.memory_space<vmem>>)
    %barrier3A_26 = arith.constant 0 : index
    tpu.barrier barrier_id(%barrier3A_26)
    %add3A_27 = arith.constant 0 : i32
    %add3A_28 = arith.addi %mul3A_0, %add3A_27 : i32
    "tpu.region"() ({
      %run_scoped3A = tpu.sem_alloc : memref<!tpu.dma_semaphore, #tpu.memory_space<semaphore_mem>>
      %dma_start3A_37 = arith.constant 0 : i32
      %dma_start3A_38 = tpu.memref_slice %arg12[%add3A_28, %dma_start3A_37] : memref<10240x64xf32, #tpu.memory_space<vmem_shared>> -> memref<128x64xf32, #tpu.memory_space<vmem_shared>>
      %dma_start3A_39 = arith.constant 0 : i32
      %dma_start3A_40 = tpu.memref_slice %arg12[%add3A_28, %dma_start3A_39] : memref<10240x64xf32, #tpu.memory_space<vmem_shared>> -> memref<128x64xf32, #tpu.memory_space<vmem_shared>>
      tpu.enqueue_dma source(%dma_start3A_40 : memref<128x64xf32, #tpu.memory_space<vmem_shared>>) target(%arg11 : memref<128x64xf32, #tpu.memory_space<vmem>>) target_semaphore(%run_scoped3A : memref<!tpu.dma_semaphore, #tpu.memory_space<semaphore_mem>>)
      %dma_wait3A = arith.constant 0 : i32
      %dma_wait3A_41 = tpu.memref_slice %arg12[%add3A_28, %dma_wait3A] : memref<10240x64xf32, #tpu.memory_space<vmem_shared>> -> memref<128x64xf32, #tpu.memory_space<vmem_shared>>
      %dma_wait3A_42 = arith.constant 0 : i32
      %dma_wait3A_43 = tpu.memref_slice %arg12[%add3A_28, %dma_wait3A_42] : memref<10240x64xf32, #tpu.memory_space<vmem_shared>> -> memref<128x64xf32, #tpu.memory_space<vmem_shared>>
      tpu.wait_dma2 semaphore(%run_scoped3A : memref<!tpu.dma_semaphore, #tpu.memory_space<semaphore_mem>>) src(%dma_wait3A_43 : memref<128x64xf32, #tpu.memory_space<vmem_shared>>) dst(%arg11 : memref<128x64xf32, #tpu.memory_space<vmem>>)
      tpu.yield
    }) : () -> ()
    "tpu.region"() ({
      %run_scoped3A = tpu.sem_alloc : memref<!tpu.dma_semaphore, #tpu.memory_space<semaphore_mem>>
      %dma_start3A_37 = arith.constant 0 : i32
      %dma_start3A_38 = tpu.memref_slice %arg6[%arg0, %add3A_28, %dma_start3A_37] : memref<2x10240x64xf32, #tpu.memory_space<hbm>> -> memref<1x128x64xf32, #tpu.memory_space<hbm>>
      %dma_start3A_39 = tpu.memref_squeeze %dma_start3A_38 : memref<1x128x64xf32, #tpu.memory_space<hbm>> -> memref<128x64xf32, #tpu.memory_space<hbm>>
      %dma_start3A_40 = arith.constant 0 : i32
      %dma_start3A_41 = tpu.memref_slice %arg6[%arg0, %add3A_28, %dma_start3A_40] : memref<2x10240x64xf32, #tpu.memory_space<hbm>> -> memref<1x128x64xf32, #tpu.memory_space<hbm>>
      %dma_start3A_42 = tpu.memref_squeeze %dma_start3A_41 : memref<1x128x64xf32, #tpu.memory_space<hbm>> -> memref<128x64xf32, #tpu.memory_space<hbm>>
      tpu.enqueue_dma source(%arg11 : memref<128x64xf32, #tpu.memory_space<vmem>>) target(%dma_start3A_42 : memref<128x64xf32, #tpu.memory_space<hbm>>) target_semaphore(%run_scoped3A : memref<!tpu.dma_semaphore, #tpu.memory_space<semaphore_mem>>)
      %dma_wait3A = arith.constant 0 : i32
      %dma_wait3A_43 = tpu.memref_slice %arg6[%arg0, %add3A_28, %dma_wait3A] : memref<2x10240x64xf32, #tpu.memory_space<hbm>> -> memref<1x128x64xf32, #tpu.memory_space<hbm>>
      %dma_wait3A_44 = tpu.memref_squeeze %dma_wait3A_43 : memref<1x128x64xf32, #tpu.memory_space<hbm>> -> memref<128x64xf32, #tpu.memory_space<hbm>>
      %dma_wait3A_45 = arith.constant 0 : i32
      %dma_wait3A_46 = tpu.memref_slice %arg6[%arg0, %add3A_28, %dma_wait3A_45] : memref<2x10240x64xf32, #tpu.memory_space<hbm>> -> memref<1x128x64xf32, #tpu.memory_space<hbm>>
      %dma_wait3A_47 = tpu.memref_squeeze %dma_wait3A_46 : memref<1x128x64xf32, #tpu.memory_space<hbm>> -> memref<128x64xf32, #tpu.memory_space<hbm>>
      tpu.wait_dma2 semaphore(%run_scoped3A : memref<!tpu.dma_semaphore, #tpu.memory_space<semaphore_mem>>) src(%arg11 : memref<128x64xf32, #tpu.memory_space<vmem>>) dst(%dma_wait3A_47 : memref<128x64xf32, #tpu.memory_space<hbm>>)
      tpu.yield
    }) : () -> ()
    %add3A_29 = arith.constant 128 : i32
    %add3A_30 = arith.addi %mul3A_0, %add3A_29 : i32
    "tpu.region"() ({
      %run_scoped3A = tpu.sem_alloc : memref<!tpu.dma_semaphore, #tpu.memory_space<semaphore_mem>>
      %dma_start3A_37 = arith.constant 0 : i32
      %dma_start3A_38 = tpu.memref_slice %arg12[%add3A_30, %dma_start3A_37] : memref<10240x64xf32, #tpu.memory_space<vmem_shared>> -> memref<128x64xf32, #tpu.memory_space<vmem_shared>>
      %dma_start3A_39 = arith.constant 0 : i32
      %dma_start3A_40 = tpu.memref_slice %arg12[%add3A_30, %dma_start3A_39] : memref<10240x64xf32, #tpu.memory_space<vmem_shared>> -> memref<128x64xf32, #tpu.memory_space<vmem_shared>>
      tpu.enqueue_dma source(%dma_start3A_40 : memref<128x64xf32, #tpu.memory_space<vmem_shared>>) target(%arg11 : memref<128x64xf32, #tpu.memory_space<vmem>>) target_semaphore(%run_scoped3A : memref<!tpu.dma_semaphore, #tpu.memory_space<semaphore_mem>>)
      %dma_wait3A = arith.constant 0 : i32
      %dma_wait3A_41 = tpu.memref_slice %arg12[%add3A_30, %dma_wait3A] : memref<10240x64xf32, #tpu.memory_space<vmem_shared>> -> memref<128x64xf32, #tpu.memory_space<vmem_shared>>
      %dma_wait3A_42 = arith.constant 0 : i32
      %dma_wait3A_43 = tpu.memref_slice %arg12[%add3A_30, %dma_wait3A_42] : memref<10240x64xf32, #tpu.memory_space<vmem_shared>> -> memref<128x64xf32, #tpu.memory_space<vmem_shared>>
      tpu.wait_dma2 semaphore(%run_scoped3A : memref<!tpu.dma_semaphore, #tpu.memory_space<semaphore_mem>>) src(%dma_wait3A_43 : memref<128x64xf32, #tpu.memory_space<vmem_shared>>) dst(%arg11 : memref<128x64xf32, #tpu.memory_space<vmem>>)
      tpu.yield
    }) : () -> ()
    "tpu.region"() ({
      %run_scoped3A = tpu.sem_alloc : memref<!tpu.dma_semaphore, #tpu.memory_space<semaphore_mem>>
      %dma_start3A_37 = arith.constant 0 : i32
      %dma_start3A_38 = tpu.memref_slice %arg6[%arg0, %add3A_30, %dma_start3A_37] : memref<2x10240x64xf32, #tpu.memory_space<hbm>> -> memref<1x128x64xf32, #tpu.memory_space<hbm>>
      %dma_start3A_39 = tpu.memref_squeeze %dma_start3A_38 : memref<1x128x64xf32, #tpu.memory_space<hbm>> -> memref<128x64xf32, #tpu.memory_space<hbm>>
      %dma_start3A_40 = arith.constant 0 : i32
      %dma_start3A_41 = tpu.memref_slice %arg6[%arg0, %add3A_30, %dma_start3A_40] : memref<2x10240x64xf32, #tpu.memory_space<hbm>> -> memref<1x128x64xf32, #tpu.memory_space<hbm>>
      %dma_start3A_42 = tpu.memref_squeeze %dma_start3A_41 : memref<1x128x64xf32, #tpu.memory_space<hbm>> -> memref<128x64xf32, #tpu.memory_space<hbm>>
      tpu.enqueue_dma source(%arg11 : memref<128x64xf32, #tpu.memory_space<vmem>>) target(%dma_start3A_42 : memref<128x64xf32, #tpu.memory_space<hbm>>) target_semaphore(%run_scoped3A : memref<!tpu.dma_semaphore, #tpu.memory_space<semaphore_mem>>)
      %dma_wait3A = arith.constant 0 : i32
      %dma_wait3A_43 = tpu.memref_slice %arg6[%arg0, %add3A_30, %dma_wait3A] : memref<2x10240x64xf32, #tpu.memory_space<hbm>> -> memref<1x128x64xf32, #tpu.memory_space<hbm>>
      %dma_wait3A_44 = tpu.memref_squeeze %dma_wait3A_43 : memref<1x128x64xf32, #tpu.memory_space<hbm>> -> memref<128x64xf32, #tpu.memory_space<hbm>>
      %dma_wait3A_45 = arith.constant 0 : i32
      %dma_wait3A_46 = tpu.memref_slice %arg6[%arg0, %add3A_30, %dma_wait3A_45] : memref<2x10240x64xf32, #tpu.memory_space<hbm>> -> memref<1x128x64xf32, #tpu.memory_space<hbm>>
      %dma_wait3A_47 = tpu.memref_squeeze %dma_wait3A_46 : memref<1x128x64xf32, #tpu.memory_space<hbm>> -> memref<128x64xf32, #tpu.memory_space<hbm>>
      tpu.wait_dma2 semaphore(%run_scoped3A : memref<!tpu.dma_semaphore, #tpu.memory_space<semaphore_mem>>) src(%arg11 : memref<128x64xf32, #tpu.memory_space<vmem>>) dst(%dma_wait3A_47 : memref<128x64xf32, #tpu.memory_space<hbm>>)
      tpu.yield
    }) : () -> ()
    %add3A_31 = arith.constant 256 : i32
    %add3A_32 = arith.addi %mul3A_0, %add3A_31 : i32
    "tpu.region"() ({
      %run_scoped3A = tpu.sem_alloc : memref<!tpu.dma_semaphore, #tpu.memory_space<semaphore_mem>>
      %dma_start3A_37 = arith.constant 0 : i32
      %dma_start3A_38 = tpu.memref_slice %arg12[%add3A_32, %dma_start3A_37] : memref<10240x64xf32, #tpu.memory_space<vmem_shared>> -> memref<128x64xf32, #tpu.memory_space<vmem_shared>>
      %dma_start3A_39 = arith.constant 0 : i32
      %dma_start3A_40 = tpu.memref_slice %arg12[%add3A_32, %dma_start3A_39] : memref<10240x64xf32, #tpu.memory_space<vmem_shared>> -> memref<128x64xf32, #tpu.memory_space<vmem_shared>>
      tpu.enqueue_dma source(%dma_start3A_40 : memref<128x64xf32, #tpu.memory_space<vmem_shared>>) target(%arg11 : memref<128x64xf32, #tpu.memory_space<vmem>>) target_semaphore(%run_scoped3A : memref<!tpu.dma_semaphore, #tpu.memory_space<semaphore_mem>>)
      %dma_wait3A = arith.constant 0 : i32
      %dma_wait3A_41 = tpu.memref_slice %arg12[%add3A_32, %dma_wait3A] : memref<10240x64xf32, #tpu.memory_space<vmem_shared>> -> memref<128x64xf32, #tpu.memory_space<vmem_shared>>
      %dma_wait3A_42 = arith.constant 0 : i32
      %dma_wait3A_43 = tpu.memref_slice %arg12[%add3A_32, %dma_wait3A_42] : memref<10240x64xf32, #tpu.memory_space<vmem_shared>> -> memref<128x64xf32, #tpu.memory_space<vmem_shared>>
      tpu.wait_dma2 semaphore(%run_scoped3A : memref<!tpu.dma_semaphore, #tpu.memory_space<semaphore_mem>>) src(%dma_wait3A_43 : memref<128x64xf32, #tpu.memory_space<vmem_shared>>) dst(%arg11 : memref<128x64xf32, #tpu.memory_space<vmem>>)
      tpu.yield
    }) : () -> ()
    "tpu.region"() ({
      %run_scoped3A = tpu.sem_alloc : memref<!tpu.dma_semaphore, #tpu.memory_space<semaphore_mem>>
      %dma_start3A_37 = arith.constant 0 : i32
      %dma_start3A_38 = tpu.memref_slice %arg6[%arg0, %add3A_32, %dma_start3A_37] : memref<2x10240x64xf32, #tpu.memory_space<hbm>> -> memref<1x128x64xf32, #tpu.memory_space<hbm>>
      %dma_start3A_39 = tpu.memref_squeeze %dma_start3A_38 : memref<1x128x64xf32, #tpu.memory_space<hbm>> -> memref<128x64xf32, #tpu.memory_space<hbm>>
      %dma_start3A_40 = arith.constant 0 : i32
      %dma_start3A_41 = tpu.memref_slice %arg6[%arg0, %add3A_32, %dma_start3A_40] : memref<2x10240x64xf32, #tpu.memory_space<hbm>> -> memref<1x128x64xf32, #tpu.memory_space<hbm>>
      %dma_start3A_42 = tpu.memref_squeeze %dma_start3A_41 : memref<1x128x64xf32, #tpu.memory_space<hbm>> -> memref<128x64xf32, #tpu.memory_space<hbm>>
      tpu.enqueue_dma source(%arg11 : memref<128x64xf32, #tpu.memory_space<vmem>>) target(%dma_start3A_42 : memref<128x64xf32, #tpu.memory_space<hbm>>) target_semaphore(%run_scoped3A : memref<!tpu.dma_semaphore, #tpu.memory_space<semaphore_mem>>)
      %dma_wait3A = arith.constant 0 : i32
      %dma_wait3A_43 = tpu.memref_slice %arg6[%arg0, %add3A_32, %dma_wait3A] : memref<2x10240x64xf32, #tpu.memory_space<hbm>> -> memref<1x128x64xf32, #tpu.memory_space<hbm>>
      %dma_wait3A_44 = tpu.memref_squeeze %dma_wait3A_43 : memref<1x128x64xf32, #tpu.memory_space<hbm>> -> memref<128x64xf32, #tpu.memory_space<hbm>>
      %dma_wait3A_45 = arith.constant 0 : i32
      %dma_wait3A_46 = tpu.memref_slice %arg6[%arg0, %add3A_32, %dma_wait3A_45] : memref<2x10240x64xf32, #tpu.memory_space<hbm>> -> memref<1x128x64xf32, #tpu.memory_space<hbm>>
      %dma_wait3A_47 = tpu.memref_squeeze %dma_wait3A_46 : memref<1x128x64xf32, #tpu.memory_space<hbm>> -> memref<128x64xf32, #tpu.memory_space<hbm>>
      tpu.wait_dma2 semaphore(%run_scoped3A : memref<!tpu.dma_semaphore, #tpu.memory_space<semaphore_mem>>) src(%arg11 : memref<128x64xf32, #tpu.memory_space<vmem>>) dst(%dma_wait3A_47 : memref<128x64xf32, #tpu.memory_space<hbm>>)
      tpu.yield
    }) : () -> ()
    %add3A_33 = arith.constant 384 : i32
    %add3A_34 = arith.addi %mul3A_0, %add3A_33 : i32
    "tpu.region"() ({
      %run_scoped3A = tpu.sem_alloc : memref<!tpu.dma_semaphore, #tpu.memory_space<semaphore_mem>>
      %dma_start3A_37 = arith.constant 0 : i32
      %dma_start3A_38 = tpu.memref_slice %arg12[%add3A_34, %dma_start3A_37] : memref<10240x64xf32, #tpu.memory_space<vmem_shared>> -> memref<128x64xf32, #tpu.memory_space<vmem_shared>>
      %dma_start3A_39 = arith.constant 0 : i32
      %dma_start3A_40 = tpu.memref_slice %arg12[%add3A_34, %dma_start3A_39] : memref<10240x64xf32, #tpu.memory_space<vmem_shared>> -> memref<128x64xf32, #tpu.memory_space<vmem_shared>>
      tpu.enqueue_dma source(%dma_start3A_40 : memref<128x64xf32, #tpu.memory_space<vmem_shared>>) target(%arg11 : memref<128x64xf32, #tpu.memory_space<vmem>>) target_semaphore(%run_scoped3A : memref<!tpu.dma_semaphore, #tpu.memory_space<semaphore_mem>>)
      %dma_wait3A = arith.constant 0 : i32
      %dma_wait3A_41 = tpu.memref_slice %arg12[%add3A_34, %dma_wait3A] : memref<10240x64xf32, #tpu.memory_space<vmem_shared>> -> memref<128x64xf32, #tpu.memory_space<vmem_shared>>
      %dma_wait3A_42 = arith.constant 0 : i32
      %dma_wait3A_43 = tpu.memref_slice %arg12[%add3A_34, %dma_wait3A_42] : memref<10240x64xf32, #tpu.memory_space<vmem_shared>> -> memref<128x64xf32, #tpu.memory_space<vmem_shared>>
      tpu.wait_dma2 semaphore(%run_scoped3A : memref<!tpu.dma_semaphore, #tpu.memory_space<semaphore_mem>>) src(%dma_wait3A_43 : memref<128x64xf32, #tpu.memory_space<vmem_shared>>) dst(%arg11 : memref<128x64xf32, #tpu.memory_space<vmem>>)
      tpu.yield
    }) : () -> ()
    "tpu.region"() ({
      %run_scoped3A = tpu.sem_alloc : memref<!tpu.dma_semaphore, #tpu.memory_space<semaphore_mem>>
      %dma_start3A_37 = arith.constant 0 : i32
      %dma_start3A_38 = tpu.memref_slice %arg6[%arg0, %add3A_34, %dma_start3A_37] : memref<2x10240x64xf32, #tpu.memory_space<hbm>> -> memref<1x128x64xf32, #tpu.memory_space<hbm>>
      %dma_start3A_39 = tpu.memref_squeeze %dma_start3A_38 : memref<1x128x64xf32, #tpu.memory_space<hbm>> -> memref<128x64xf32, #tpu.memory_space<hbm>>
      %dma_start3A_40 = arith.constant 0 : i32
      %dma_start3A_41 = tpu.memref_slice %arg6[%arg0, %add3A_34, %dma_start3A_40] : memref<2x10240x64xf32, #tpu.memory_space<hbm>> -> memref<1x128x64xf32, #tpu.memory_space<hbm>>
      %dma_start3A_42 = tpu.memref_squeeze %dma_start3A_41 : memref<1x128x64xf32, #tpu.memory_space<hbm>> -> memref<128x64xf32, #tpu.memory_space<hbm>>
      tpu.enqueue_dma source(%arg11 : memref<128x64xf32, #tpu.memory_space<vmem>>) target(%dma_start3A_42 : memref<128x64xf32, #tpu.memory_space<hbm>>) target_semaphore(%run_scoped3A : memref<!tpu.dma_semaphore, #tpu.memory_space<semaphore_mem>>)
      %dma_wait3A = arith.constant 0 : i32
      %dma_wait3A_43 = tpu.memref_slice %arg6[%arg0, %add3A_34, %dma_wait3A] : memref<2x10240x64xf32, #tpu.memory_space<hbm>> -> memref<1x128x64xf32, #tpu.memory_space<hbm>>
      %dma_wait3A_44 = tpu.memref_squeeze %dma_wait3A_43 : memref<1x128x64xf32, #tpu.memory_space<hbm>> -> memref<128x64xf32, #tpu.memory_space<hbm>>
      %dma_wait3A_45 = arith.constant 0 : i32
      %dma_wait3A_46 = tpu.memref_slice %arg6[%arg0, %add3A_34, %dma_wait3A_45] : memref<2x10240x64xf32, #tpu.memory_space<hbm>> -> memref<1x128x64xf32, #tpu.memory_space<hbm>>
      %dma_wait3A_47 = tpu.memref_squeeze %dma_wait3A_46 : memref<1x128x64xf32, #tpu.memory_space<hbm>> -> memref<128x64xf32, #tpu.memory_space<hbm>>
      tpu.wait_dma2 semaphore(%run_scoped3A : memref<!tpu.dma_semaphore, #tpu.memory_space<semaphore_mem>>) src(%arg11 : memref<128x64xf32, #tpu.memory_space<vmem>>) dst(%dma_wait3A_47 : memref<128x64xf32, #tpu.memory_space<hbm>>)
      tpu.yield
    }) : () -> ()
    %add3A_35 = arith.constant 512 : i32
    %add3A_36 = arith.addi %mul3A_0, %add3A_35 : i32
    "tpu.region"() ({
      %run_scoped3A = tpu.sem_alloc : memref<!tpu.dma_semaphore, #tpu.memory_space<semaphore_mem>>
      %dma_start3A_37 = arith.constant 0 : i32
      %dma_start3A_38 = tpu.memref_slice %arg12[%add3A_36, %dma_start3A_37] : memref<10240x64xf32, #tpu.memory_space<vmem_shared>> -> memref<128x64xf32, #tpu.memory_space<vmem_shared>>
      %dma_start3A_39 = arith.constant 0 : i32
      %dma_start3A_40 = tpu.memref_slice %arg12[%add3A_36, %dma_start3A_39] : memref<10240x64xf32, #tpu.memory_space<vmem_shared>> -> memref<128x64xf32, #tpu.memory_space<vmem_shared>>
      tpu.enqueue_dma source(%dma_start3A_40 : memref<128x64xf32, #tpu.memory_space<vmem_shared>>) target(%arg11 : memref<128x64xf32, #tpu.memory_space<vmem>>) target_semaphore(%run_scoped3A : memref<!tpu.dma_semaphore, #tpu.memory_space<semaphore_mem>>)
      %dma_wait3A = arith.constant 0 : i32
      %dma_wait3A_41 = tpu.memref_slice %arg12[%add3A_36, %dma_wait3A] : memref<10240x64xf32, #tpu.memory_space<vmem_shared>> -> memref<128x64xf32, #tpu.memory_space<vmem_shared>>
      %dma_wait3A_42 = arith.constant 0 : i32
      %dma_wait3A_43 = tpu.memref_slice %arg12[%add3A_36, %dma_wait3A_42] : memref<10240x64xf32, #tpu.memory_space<vmem_shared>> -> memref<128x64xf32, #tpu.memory_space<vmem_shared>>
      tpu.wait_dma2 semaphore(%run_scoped3A : memref<!tpu.dma_semaphore, #tpu.memory_space<semaphore_mem>>) src(%dma_wait3A_43 : memref<128x64xf32, #tpu.memory_space<vmem_shared>>) dst(%arg11 : memref<128x64xf32, #tpu.memory_space<vmem>>)
      tpu.yield
    }) : () -> ()
    "tpu.region"() ({
      %run_scoped3A = tpu.sem_alloc : memref<!tpu.dma_semaphore, #tpu.memory_space<semaphore_mem>>
      %dma_start3A_37 = arith.constant 0 : i32
      %dma_start3A_38 = tpu.memref_slice %arg6[%arg0, %add3A_36, %dma_start3A_37] : memref<2x10240x64xf32, #tpu.memory_space<hbm>> -> memref<1x128x64xf32, #tpu.memory_space<hbm>>
      %dma_start3A_39 = tpu.memref_squeeze %dma_start3A_38 : memref<1x128x64xf32, #tpu.memory_space<hbm>> -> memref<128x64xf32, #tpu.memory_space<hbm>>
      %dma_start3A_40 = arith.constant 0 : i32
      %dma_start3A_41 = tpu.memref_slice %arg6[%arg0, %add3A_36, %dma_start3A_40] : memref<2x10240x64xf32, #tpu.memory_space<hbm>> -> memref<1x128x64xf32, #tpu.memory_space<hbm>>
      %dma_start3A_42 = tpu.memref_squeeze %dma_start3A_41 : memref<1x128x64xf32, #tpu.memory_space<hbm>> -> memref<128x64xf32, #tpu.memory_space<hbm>>
      tpu.enqueue_dma source(%arg11 : memref<128x64xf32, #tpu.memory_space<vmem>>) target(%dma_start3A_42 : memref<128x64xf32, #tpu.memory_space<hbm>>) target_semaphore(%run_scoped3A : memref<!tpu.dma_semaphore, #tpu.memory_space<semaphore_mem>>)
      %dma_wait3A = arith.constant 0 : i32
      %dma_wait3A_43 = tpu.memref_slice %arg6[%arg0, %add3A_36, %dma_wait3A] : memref<2x10240x64xf32, #tpu.memory_space<hbm>> -> memref<1x128x64xf32, #tpu.memory_space<hbm>>
      %dma_wait3A_44 = tpu.memref_squeeze %dma_wait3A_43 : memref<1x128x64xf32, #tpu.memory_space<hbm>> -> memref<128x64xf32, #tpu.memory_space<hbm>>
      %dma_wait3A_45 = arith.constant 0 : i32
      %dma_wait3A_46 = tpu.memref_slice %arg6[%arg0, %add3A_36, %dma_wait3A_45] : memref<2x10240x64xf32, #tpu.memory_space<hbm>> -> memref<1x128x64xf32, #tpu.memory_space<hbm>>
      %dma_wait3A_47 = tpu.memref_squeeze %dma_wait3A_46 : memref<1x128x64xf32, #tpu.memory_space<hbm>> -> memref<128x64xf32, #tpu.memory_space<hbm>>
      tpu.wait_dma2 semaphore(%run_scoped3A : memref<!tpu.dma_semaphore, #tpu.memory_space<semaphore_mem>>) src(%arg11 : memref<128x64xf32, #tpu.memory_space<vmem>>) dst(%dma_wait3A_47 : memref<128x64xf32, #tpu.memory_space<hbm>>)
      tpu.yield
    }) : () -> ()
    return
  }
}

#map = affine_map<(d0, d1) -> (0, 0, 0)>
#map1 = affine_map<(d0, d1) -> (0, 0)>
module attributes {stable_mosaic.version = 14 : i64} {
  func.func @_spmm_kernel(%arg0: i32, %arg1: i32, %arg2: memref<2x10240x64xf32, #tpu.memory_space<hbm>>, %arg3: memref<16x161x128xi32, #tpu.memory_space<hbm>>, %arg4: memref<16x160x128xi32, #tpu.memory_space<hbm>>, %arg5: memref<128x64xf32, #tpu.memory_space<hbm>>, %arg6: memref<2x10240x64xf32, #tpu.memory_space<hbm>>, %arg7: memref<161x128xi32, #tpu.memory_space<vmem>>, %arg8: memref<160x128xi32, #tpu.memory_space<vmem>>, %arg9: memref<128x64xf32, #tpu.memory_space<vmem>>, %arg10: memref<128x64xf32, #tpu.memory_space<vmem>>, %arg11: memref<128x64xf32, #tpu.memory_space<vmem>>, %arg12: memref<10240x64xf32, #tpu.memory_space<vmem_shared>>, %arg13: memref<!tpu.dma_semaphore, #tpu.memory_space<semaphore_mem>>, %arg14: memref<!tpu.dma_semaphore, #tpu.memory_space<semaphore_mem>>) attributes {dimension_semantics = [#tpu.dimension_semantics<core_parallel>, #tpu.dimension_semantics<subcore_parallel>], iteration_bounds = array<i64: 2, 16>, scalar_prefetch = 0 : i64, scratch_operands = 8 : i64, tpu.core_type = #tpu.core_type<sc_vector_subcore>, window_params = [{transform_indices = #map}, {transform_indices = #map}, {transform_indices = #map}, {transform_indices = #map1}, {transform_indices = #map}]} {
    "tpu.region"() ({
      %run_scoped3A = tpu.sem_alloc : memref<!tpu.dma_semaphore, #tpu.memory_space<semaphore_mem>>
      %dma_start3A_37 = arith.constant 0 : i32
      %dma_start3A_38 = arith.constant 0 : i32
      %dma_start3A_39 = tpu.memref_slice %arg3[%arg1, %dma_start3A_37, %dma_start3A_38] : memref<16x161x128xi32, #tpu.memory_space<hbm>> -> memref<1x161x128xi32, #tpu.memory_space<hbm>>
      %dma_start3A_40 = tpu.memref_squeeze %dma_start3A_39 : memref<1x161x128xi32, #tpu.memory_space<hbm>> -> memref<161x128xi32, #tpu.memory_space<hbm>>
      %dma_start3A_41 = arith.constant 0 : i32
      %dma_start3A_42 = arith.constant 0 : i32
      %dma_start3A_43 = tpu.memref_slice %arg3[%arg1, %dma_start3A_41, %dma_start3A_42] : memref<16x161x128xi32, #tpu.memory_space<hbm>> -> memref<1x161x128xi32, #tpu.memory_space<hbm>>
      %dma_start3A_44 = tpu.memref_squeeze %dma_start3A_43 : memref<1x161x128xi32, #tpu.memory_space<hbm>> -> memref<161x128xi32, #tpu.memory_space<hbm>>
      tpu.enqueue_dma source(%dma_start3A_44 : memref<161x128xi32, #tpu.memory_space<hbm>>) target(%arg7 : memref<161x128xi32, #tpu.memory_space<vmem>>) target_semaphore(%run_scoped3A : memref<!tpu.dma_semaphore, #tpu.memory_space<semaphore_mem>>)
      %dma_wait3A = arith.constant 0 : i32
      %dma_wait3A_45 = arith.constant 0 : i32
      %dma_wait3A_46 = tpu.memref_slice %arg3[%arg1, %dma_wait3A, %dma_wait3A_45] : memref<16x161x128xi32, #tpu.memory_space<hbm>> -> memref<1x161x128xi32, #tpu.memory_space<hbm>>
      %dma_wait3A_47 = tpu.memref_squeeze %dma_wait3A_46 : memref<1x161x128xi32, #tpu.memory_space<hbm>> -> memref<161x128xi32, #tpu.memory_space<hbm>>
      %dma_wait3A_48 = arith.constant 0 : i32
      %dma_wait3A_49 = arith.constant 0 : i32
      %dma_wait3A_50 = tpu.memref_slice %arg3[%arg1, %dma_wait3A_48, %dma_wait3A_49] : memref<16x161x128xi32, #tpu.memory_space<hbm>> -> memref<1x161x128xi32, #tpu.memory_space<hbm>>
      %dma_wait3A_51 = tpu.memref_squeeze %dma_wait3A_50 : memref<1x161x128xi32, #tpu.memory_space<hbm>> -> memref<161x128xi32, #tpu.memory_space<hbm>>
      tpu.wait_dma2 semaphore(%run_scoped3A : memref<!tpu.dma_semaphore, #tpu.memory_space<semaphore_mem>>) src(%dma_wait3A_51 : memref<161x128xi32, #tpu.memory_space<hbm>>) dst(%arg7 : memref<161x128xi32, #tpu.memory_space<vmem>>)
      tpu.yield
    }) : () -> ()
    "tpu.region"() ({
      %run_scoped3A = tpu.sem_alloc : memref<!tpu.dma_semaphore, #tpu.memory_space<semaphore_mem>>
      %dma_start3A_37 = arith.constant 0 : i32
      %dma_start3A_38 = arith.constant 0 : i32
      %dma_start3A_39 = tpu.memref_slice %arg4[%arg1, %dma_start3A_37, %dma_start3A_38] : memref<16x160x128xi32, #tpu.memory_space<hbm>> -> memref<1x160x128xi32, #tpu.memory_space<hbm>>
      %dma_start3A_40 = tpu.memref_squeeze %dma_start3A_39 : memref<1x160x128xi32, #tpu.memory_space<hbm>> -> memref<160x128xi32, #tpu.memory_space<hbm>>
      %dma_start3A_41 = arith.constant 0 : i32
      %dma_start3A_42 = arith.constant 0 : i32
      %dma_start3A_43 = tpu.memref_slice %arg4[%arg1, %dma_start3A_41, %dma_start3A_42] : memref<16x160x128xi32, #tpu.memory_space<hbm>> -> memref<1x160x128xi32, #tpu.memory_space<hbm>>
      %dma_start3A_44 = tpu.memref_squeeze %dma_start3A_43 : memref<1x160x128xi32, #tpu.memory_space<hbm>> -> memref<160x128xi32, #tpu.memory_space<hbm>>
      tpu.enqueue_dma source(%dma_start3A_44 : memref<160x128xi32, #tpu.memory_space<hbm>>) target(%arg8 : memref<160x128xi32, #tpu.memory_space<vmem>>) target_semaphore(%run_scoped3A : memref<!tpu.dma_semaphore, #tpu.memory_space<semaphore_mem>>)
      %dma_wait3A = arith.constant 0 : i32
      %dma_wait3A_45 = arith.constant 0 : i32
      %dma_wait3A_46 = tpu.memref_slice %arg4[%arg1, %dma_wait3A, %dma_wait3A_45] : memref<16x160x128xi32, #tpu.memory_space<hbm>> -> memref<1x160x128xi32, #tpu.memory_space<hbm>>
      %dma_wait3A_47 = tpu.memref_squeeze %dma_wait3A_46 : memref<1x160x128xi32, #tpu.memory_space<hbm>> -> memref<160x128xi32, #tpu.memory_space<hbm>>
      %dma_wait3A_48 = arith.constant 0 : i32
      %dma_wait3A_49 = arith.constant 0 : i32
      %dma_wait3A_50 = tpu.memref_slice %arg4[%arg1, %dma_wait3A_48, %dma_wait3A_49] : memref<16x160x128xi32, #tpu.memory_space<hbm>> -> memref<1x160x128xi32, #tpu.memory_space<hbm>>
      %dma_wait3A_51 = tpu.memref_squeeze %dma_wait3A_50 : memref<1x160x128xi32, #tpu.memory_space<hbm>> -> memref<160x128xi32, #tpu.memory_space<hbm>>
      tpu.wait_dma2 semaphore(%run_scoped3A : memref<!tpu.dma_semaphore, #tpu.memory_space<semaphore_mem>>) src(%dma_wait3A_51 : memref<160x128xi32, #tpu.memory_space<hbm>>) dst(%arg8 : memref<160x128xi32, #tpu.memory_space<vmem>>)
      tpu.yield
    }) : () -> ()
    "tpu.region"() ({
      %run_scoped3A = tpu.sem_alloc : memref<!tpu.dma_semaphore, #tpu.memory_space<semaphore_mem>>
      tpu.enqueue_dma source(%arg5 : memref<128x64xf32, #tpu.memory_space<hbm>>) target(%arg11 : memref<128x64xf32, #tpu.memory_space<vmem>>) target_semaphore(%run_scoped3A : memref<!tpu.dma_semaphore, #tpu.memory_space<semaphore_mem>>)
      tpu.wait_dma2 semaphore(%run_scoped3A : memref<!tpu.dma_semaphore, #tpu.memory_space<semaphore_mem>>) src(%arg5 : memref<128x64xf32, #tpu.memory_space<hbm>>) dst(%arg11 : memref<128x64xf32, #tpu.memory_space<vmem>>)
      tpu.yield
    }) : () -> ()
    %mul3A = arith.constant 640 : i32
    %mul3A_0 = arith.muli %arg1, %mul3A : i32
    %add3A = arith.constant 0 : i32
    %add3A_1 = arith.addi %mul3A_0, %add3A : i32
    "tpu.region"() ({
      %run_scoped3A = tpu.sem_alloc : memref<!tpu.dma_semaphore, #tpu.memory_space<semaphore_mem>>
      %dma_start3A_37 = arith.constant 0 : i32
      %dma_start3A_38 = tpu.memref_slice %arg12[%add3A_1, %dma_start3A_37] : memref<10240x64xf32, #tpu.memory_space<vmem_shared>> -> memref<128x64xf32, #tpu.memory_space<vmem_shared>>
      %dma_start3A_39 = arith.constant 0 : i32
      %dma_start3A_40 = tpu.memref_slice %arg12[%add3A_1, %dma_start3A_39] : memref<10240x64xf32, #tpu.memory_space<vmem_shared>> -> memref<128x64xf32, #tpu.memory_space<vmem_shared>>
      tpu.enqueue_dma source(%arg11 : memref<128x64xf32, #tpu.memory_space<vmem>>) target(%dma_start3A_40 : memref<128x64xf32, #tpu.memory_space<vmem_shared>>) target_semaphore(%run_scoped3A : memref<!tpu.dma_semaphore, #tpu.memory_space<semaphore_mem>>)
      %dma_wait3A = arith.constant 0 : i32
      %dma_wait3A_41 = tpu.memref_slice %arg12[%add3A_1, %dma_wait3A] : memref<10240x64xf32, #tpu.memory_space<vmem_shared>> -> memref<128x64xf32, #tpu.memory_space<vmem_shared>>
      %dma_wait3A_42 = arith.constant 0 : i32
      %dma_wait3A_43 = tpu.memref_slice %arg12[%add3A_1, %dma_wait3A_42] : memref<10240x64xf32, #tpu.memory_space<vmem_shared>> -> memref<128x64xf32, #tpu.memory_space<vmem_shared>>
      tpu.wait_dma2 semaphore(%run_scoped3A : memref<!tpu.dma_semaphore, #tpu.memory_space<semaphore_mem>>) src(%arg11 : memref<128x64xf32, #tpu.memory_space<vmem>>) dst(%dma_wait3A_43 : memref<128x64xf32, #tpu.memory_space<vmem_shared>>)
      tpu.yield
    }) : () -> ()
    %add3A_2 = arith.constant 128 : i32
    %add3A_3 = arith.addi %mul3A_0, %add3A_2 : i32
    "tpu.region"() ({
      %run_scoped3A = tpu.sem_alloc : memref<!tpu.dma_semaphore, #tpu.memory_space<semaphore_mem>>
      %dma_start3A_37 = arith.constant 0 : i32
      %dma_start3A_38 = tpu.memref_slice %arg12[%add3A_3, %dma_start3A_37] : memref<10240x64xf32, #tpu.memory_space<vmem_shared>> -> memref<128x64xf32, #tpu.memory_space<vmem_shared>>
      %dma_start3A_39 = arith.constant 0 : i32
      %dma_start3A_40 = tpu.memref_slice %arg12[%add3A_3, %dma_start3A_39] : memref<10240x64xf32, #tpu.memory_space<vmem_shared>> -> memref<128x64xf32, #tpu.memory_space<vmem_shared>>
      tpu.enqueue_dma source(%arg11 : memref<128x64xf32, #tpu.memory_space<vmem>>) target(%dma_start3A_40 : memref<128x64xf32, #tpu.memory_space<vmem_shared>>) target_semaphore(%run_scoped3A : memref<!tpu.dma_semaphore, #tpu.memory_space<semaphore_mem>>)
      %dma_wait3A = arith.constant 0 : i32
      %dma_wait3A_41 = tpu.memref_slice %arg12[%add3A_3, %dma_wait3A] : memref<10240x64xf32, #tpu.memory_space<vmem_shared>> -> memref<128x64xf32, #tpu.memory_space<vmem_shared>>
      %dma_wait3A_42 = arith.constant 0 : i32
      %dma_wait3A_43 = tpu.memref_slice %arg12[%add3A_3, %dma_wait3A_42] : memref<10240x64xf32, #tpu.memory_space<vmem_shared>> -> memref<128x64xf32, #tpu.memory_space<vmem_shared>>
      tpu.wait_dma2 semaphore(%run_scoped3A : memref<!tpu.dma_semaphore, #tpu.memory_space<semaphore_mem>>) src(%arg11 : memref<128x64xf32, #tpu.memory_space<vmem>>) dst(%dma_wait3A_43 : memref<128x64xf32, #tpu.memory_space<vmem_shared>>)
      tpu.yield
    }) : () -> ()
    %add3A_4 = arith.constant 256 : i32
    %add3A_5 = arith.addi %mul3A_0, %add3A_4 : i32
    "tpu.region"() ({
      %run_scoped3A = tpu.sem_alloc : memref<!tpu.dma_semaphore, #tpu.memory_space<semaphore_mem>>
      %dma_start3A_37 = arith.constant 0 : i32
      %dma_start3A_38 = tpu.memref_slice %arg12[%add3A_5, %dma_start3A_37] : memref<10240x64xf32, #tpu.memory_space<vmem_shared>> -> memref<128x64xf32, #tpu.memory_space<vmem_shared>>
      %dma_start3A_39 = arith.constant 0 : i32
      %dma_start3A_40 = tpu.memref_slice %arg12[%add3A_5, %dma_start3A_39] : memref<10240x64xf32, #tpu.memory_space<vmem_shared>> -> memref<128x64xf32, #tpu.memory_space<vmem_shared>>
      tpu.enqueue_dma source(%arg11 : memref<128x64xf32, #tpu.memory_space<vmem>>) target(%dma_start3A_40 : memref<128x64xf32, #tpu.memory_space<vmem_shared>>) target_semaphore(%run_scoped3A : memref<!tpu.dma_semaphore, #tpu.memory_space<semaphore_mem>>)
      %dma_wait3A = arith.constant 0 : i32
      %dma_wait3A_41 = tpu.memref_slice %arg12[%add3A_5, %dma_wait3A] : memref<10240x64xf32, #tpu.memory_space<vmem_shared>> -> memref<128x64xf32, #tpu.memory_space<vmem_shared>>
      %dma_wait3A_42 = arith.constant 0 : i32
      %dma_wait3A_43 = tpu.memref_slice %arg12[%add3A_5, %dma_wait3A_42] : memref<10240x64xf32, #tpu.memory_space<vmem_shared>> -> memref<128x64xf32, #tpu.memory_space<vmem_shared>>
      tpu.wait_dma2 semaphore(%run_scoped3A : memref<!tpu.dma_semaphore, #tpu.memory_space<semaphore_mem>>) src(%arg11 : memref<128x64xf32, #tpu.memory_space<vmem>>) dst(%dma_wait3A_43 : memref<128x64xf32, #tpu.memory_space<vmem_shared>>)
      tpu.yield
    }) : () -> ()
    %add3A_6 = arith.constant 384 : i32
    %add3A_7 = arith.addi %mul3A_0, %add3A_6 : i32
    "tpu.region"() ({
      %run_scoped3A = tpu.sem_alloc : memref<!tpu.dma_semaphore, #tpu.memory_space<semaphore_mem>>
      %dma_start3A_37 = arith.constant 0 : i32
      %dma_start3A_38 = tpu.memref_slice %arg12[%add3A_7, %dma_start3A_37] : memref<10240x64xf32, #tpu.memory_space<vmem_shared>> -> memref<128x64xf32, #tpu.memory_space<vmem_shared>>
      %dma_start3A_39 = arith.constant 0 : i32
      %dma_start3A_40 = tpu.memref_slice %arg12[%add3A_7, %dma_start3A_39] : memref<10240x64xf32, #tpu.memory_space<vmem_shared>> -> memref<128x64xf32, #tpu.memory_space<vmem_shared>>
      tpu.enqueue_dma source(%arg11 : memref<128x64xf32, #tpu.memory_space<vmem>>) target(%dma_start3A_40 : memref<128x64xf32, #tpu.memory_space<vmem_shared>>) target_semaphore(%run_scoped3A : memref<!tpu.dma_semaphore, #tpu.memory_space<semaphore_mem>>)
      %dma_wait3A = arith.constant 0 : i32
      %dma_wait3A_41 = tpu.memref_slice %arg12[%add3A_7, %dma_wait3A] : memref<10240x64xf32, #tpu.memory_space<vmem_shared>> -> memref<128x64xf32, #tpu.memory_space<vmem_shared>>
      %dma_wait3A_42 = arith.constant 0 : i32
      %dma_wait3A_43 = tpu.memref_slice %arg12[%add3A_7, %dma_wait3A_42] : memref<10240x64xf32, #tpu.memory_space<vmem_shared>> -> memref<128x64xf32, #tpu.memory_space<vmem_shared>>
      tpu.wait_dma2 semaphore(%run_scoped3A : memref<!tpu.dma_semaphore, #tpu.memory_space<semaphore_mem>>) src(%arg11 : memref<128x64xf32, #tpu.memory_space<vmem>>) dst(%dma_wait3A_43 : memref<128x64xf32, #tpu.memory_space<vmem_shared>>)
      tpu.yield
    }) : () -> ()
    %add3A_8 = arith.constant 512 : i32
    %add3A_9 = arith.addi %mul3A_0, %add3A_8 : i32
    "tpu.region"() ({
      %run_scoped3A = tpu.sem_alloc : memref<!tpu.dma_semaphore, #tpu.memory_space<semaphore_mem>>
      %dma_start3A_37 = arith.constant 0 : i32
      %dma_start3A_38 = tpu.memref_slice %arg12[%add3A_9, %dma_start3A_37] : memref<10240x64xf32, #tpu.memory_space<vmem_shared>> -> memref<128x64xf32, #tpu.memory_space<vmem_shared>>
      %dma_start3A_39 = arith.constant 0 : i32
      %dma_start3A_40 = tpu.memref_slice %arg12[%add3A_9, %dma_start3A_39] : memref<10240x64xf32, #tpu.memory_space<vmem_shared>> -> memref<128x64xf32, #tpu.memory_space<vmem_shared>>
      tpu.enqueue_dma source(%arg11 : memref<128x64xf32, #tpu.memory_space<vmem>>) target(%dma_start3A_40 : memref<128x64xf32, #tpu.memory_space<vmem_shared>>) target_semaphore(%run_scoped3A : memref<!tpu.dma_semaphore, #tpu.memory_space<semaphore_mem>>)
      %dma_wait3A = arith.constant 0 : i32
      %dma_wait3A_41 = tpu.memref_slice %arg12[%add3A_9, %dma_wait3A] : memref<10240x64xf32, #tpu.memory_space<vmem_shared>> -> memref<128x64xf32, #tpu.memory_space<vmem_shared>>
      %dma_wait3A_42 = arith.constant 0 : i32
      %dma_wait3A_43 = tpu.memref_slice %arg12[%add3A_9, %dma_wait3A_42] : memref<10240x64xf32, #tpu.memory_space<vmem_shared>> -> memref<128x64xf32, #tpu.memory_space<vmem_shared>>
      tpu.wait_dma2 semaphore(%run_scoped3A : memref<!tpu.dma_semaphore, #tpu.memory_space<semaphore_mem>>) src(%arg11 : memref<128x64xf32, #tpu.memory_space<vmem>>) dst(%dma_wait3A_43 : memref<128x64xf32, #tpu.memory_space<vmem_shared>>)
      tpu.yield
    }) : () -> ()
    %barrier3A = arith.constant 0 : index
    tpu.barrier barrier_id(%barrier3A)
    %dma_start3A = arith.constant 0 : i32
    %dma_start3A_10 = arith.constant 0 : i32
    %dma_start3A_11 = tpu.memref_slice %arg7[%dma_start3A, %dma_start3A_10] : memref<161x128xi32, #tpu.memory_space<vmem>> -> memref<1x128xi32, #tpu.memory_space<vmem>>
    %dma_start3A_12 = tpu.memref_squeeze %dma_start3A_11 : memref<1x128xi32, #tpu.memory_space<vmem>> -> memref<128xi32, #tpu.memory_space<vmem>>
    %dma_start3A_13 = arith.constant 0 : i32
    %dma_start3A_14 = arith.constant 0 : i32
    %dma_start3A_15 = tpu.memref_slice %arg2[%arg0, %dma_start3A_13, %dma_start3A_14] : memref<2x10240x64xf32, #tpu.memory_space<hbm>> -> memref<1x10240x64xf32, #tpu.memory_space<hbm>>
    %dma_start3A_16 = tpu.memref_squeeze %dma_start3A_15 : memref<1x10240x64xf32, #tpu.memory_space<hbm>> -> memref<10240x64xf32, #tpu.memory_space<hbm>>
    %dma_start3A_17 = arith.constant 0 : i32
    %dma_start3A_18 = arith.constant 0 : i32
    %dma_start3A_19 = tpu.memref_slice %dma_start3A_16[%dma_start3A_17, %dma_start3A_18] : memref<10240x64xf32, #tpu.memory_space<hbm>> -> memref<10240x64xf32, #tpu.memory_space<hbm>>
    tpu.enqueue_indirect_dma source(%dma_start3A_19 : memref<10240x64xf32, #tpu.memory_space<hbm>>) target(%arg9 : memref<128x64xf32, #tpu.memory_space<vmem>>) offsets(%dma_start3A_12 : memref<128xi32, #tpu.memory_space<vmem>>) semaphore(%arg13 : memref<!tpu.dma_semaphore, #tpu.memory_space<semaphore_mem>>)
    %scan3A = arith.constant 0 : i32
    %scan3A_20 = arith.constant 0 : i32
    %scan3A_21 = arith.constant 80 : i32
    %scan3A_22 = arith.addi %scan3A_20, %scan3A_21 : i32
    %scan3A_23 = arith.constant 1 : i32
    %scan3A_24 = scf.for %scan3A_37 = %scan3A_20 to %scan3A_22 step %scan3A_23 iter_args(%scan3A_38 = %scan3A) -> (i32)  : i32 {
      %mul3A_39 = arith.constant 2 : i32
      %mul3A_40 = arith.muli %mul3A_39, %scan3A_37 : i32
      tpu.wait_dma2 semaphore(%arg13 : memref<!tpu.dma_semaphore, #tpu.memory_space<semaphore_mem>>) src(%arg5 : memref<128x64xf32, #tpu.memory_space<hbm>>) dst(%arg9 : memref<128x64xf32, #tpu.memory_space<vmem>>)
      %add3A_41 = arith.constant 1 : i32
      %add3A_42 = arith.addi %mul3A_40, %add3A_41 : i32
      %dma_start3A_43 = arith.constant 0 : i32
      %dma_start3A_44 = tpu.memref_slice %arg7[%add3A_42, %dma_start3A_43] : memref<161x128xi32, #tpu.memory_space<vmem>> -> memref<1x128xi32, #tpu.memory_space<vmem>>
      %dma_start3A_45 = tpu.memref_squeeze %dma_start3A_44 : memref<1x128xi32, #tpu.memory_space<vmem>> -> memref<128xi32, #tpu.memory_space<vmem>>
      %dma_start3A_46 = arith.constant 0 : i32
      %dma_start3A_47 = arith.constant 0 : i32
      %dma_start3A_48 = tpu.memref_slice %arg2[%arg0, %dma_start3A_46, %dma_start3A_47] : memref<2x10240x64xf32, #tpu.memory_space<hbm>> -> memref<1x10240x64xf32, #tpu.memory_space<hbm>>
      %dma_start3A_49 = tpu.memref_squeeze %dma_start3A_48 : memref<1x10240x64xf32, #tpu.memory_space<hbm>> -> memref<10240x64xf32, #tpu.memory_space<hbm>>
      %dma_start3A_50 = arith.constant 0 : i32
      %dma_start3A_51 = arith.constant 0 : i32
      %dma_start3A_52 = tpu.memref_slice %dma_start3A_49[%dma_start3A_50, %dma_start3A_51] : memref<10240x64xf32, #tpu.memory_space<hbm>> -> memref<10240x64xf32, #tpu.memory_space<hbm>>
      tpu.enqueue_indirect_dma source(%dma_start3A_52 : memref<10240x64xf32, #tpu.memory_space<hbm>>) target(%arg10 : memref<128x64xf32, #tpu.memory_space<vmem>>) offsets(%dma_start3A_45 : memref<128xi32, #tpu.memory_space<vmem>>) semaphore(%arg14 : memref<!tpu.dma_semaphore, #tpu.memory_space<semaphore_mem>>)
      "tpu.region"() ({
        %run_scoped3A = tpu.sem_alloc : memref<!tpu.dma_semaphore, #tpu.memory_space<semaphore_mem>>
        %dma_start3A_68 = arith.constant 0 : i32
        %dma_start3A_69 = tpu.memref_slice %arg8[%mul3A_40, %dma_start3A_68] : memref<160x128xi32, #tpu.memory_space<vmem>> -> memref<1x128xi32, #tpu.memory_space<vmem>>
        %dma_start3A_70 = tpu.memref_squeeze %dma_start3A_69 : memref<1x128xi32, #tpu.memory_space<vmem>> -> memref<128xi32, #tpu.memory_space<vmem>>
        %dma_start3A_71 = arith.constant 0 : i32
        %dma_start3A_72 = arith.constant 0 : i32
        %dma_start3A_73 = tpu.memref_slice %arg12[%dma_start3A_71, %dma_start3A_72] : memref<10240x64xf32, #tpu.memory_space<vmem_shared>> -> memref<10240x64xf32, #tpu.memory_space<vmem_shared>>
        tpu.enqueue_indirect_dma source(%arg9 : memref<128x64xf32, #tpu.memory_space<vmem>>) target(%dma_start3A_73 : memref<10240x64xf32, #tpu.memory_space<vmem_shared>>) offsets(%dma_start3A_70 : memref<128xi32, #tpu.memory_space<vmem>>) semaphore(%run_scoped3A : memref<!tpu.dma_semaphore, #tpu.memory_space<semaphore_mem>>) {add = true}
        %dma_wait3A = arith.constant 0 : i32
        %dma_wait3A_74 = tpu.memref_slice %arg8[%mul3A_40, %dma_wait3A] : memref<160x128xi32, #tpu.memory_space<vmem>> -> memref<1x128xi32, #tpu.memory_space<vmem>>
        %dma_wait3A_75 = tpu.memref_squeeze %dma_wait3A_74 : memref<1x128xi32, #tpu.memory_space<vmem>> -> memref<128xi32, #tpu.memory_space<vmem>>
        %dma_wait3A_76 = arith.constant 0 : i32
        %dma_wait3A_77 = arith.constant 0 : i32
        %dma_wait3A_78 = tpu.memref_slice %arg12[%dma_wait3A_76, %dma_wait3A_77] : memref<10240x64xf32, #tpu.memory_space<vmem_shared>> -> memref<10240x64xf32, #tpu.memory_space<vmem_shared>>
        tpu.wait_indirect_dma semaphore(%run_scoped3A : memref<!tpu.dma_semaphore, #tpu.memory_space<semaphore_mem>>) src(%arg9 : memref<128x64xf32, #tpu.memory_space<vmem>>) dst(%dma_wait3A_78 : memref<10240x64xf32, #tpu.memory_space<vmem_shared>>)
        tpu.yield
      }) : () -> ()
      tpu.wait_dma2 semaphore(%arg14 : memref<!tpu.dma_semaphore, #tpu.memory_space<semaphore_mem>>) src(%arg5 : memref<128x64xf32, #tpu.memory_space<hbm>>) dst(%arg10 : memref<128x64xf32, #tpu.memory_space<vmem>>)
      %add3A_53 = arith.constant 2 : i32
      %add3A_54 = arith.addi %mul3A_40, %add3A_53 : i32
      %dma_start3A_55 = arith.constant 0 : i32
      %dma_start3A_56 = tpu.memref_slice %arg7[%add3A_54, %dma_start3A_55] : memref<161x128xi32, #tpu.memory_space<vmem>> -> memref<1x128xi32, #tpu.memory_space<vmem>>
      %dma_start3A_57 = tpu.memref_squeeze %dma_start3A_56 : memref<1x128xi32, #tpu.memory_space<vmem>> -> memref<128xi32, #tpu.memory_space<vmem>>
      %dma_start3A_58 = arith.constant 0 : i32
      %dma_start3A_59 = arith.constant 0 : i32
      %dma_start3A_60 = tpu.memref_slice %arg2[%arg0, %dma_start3A_58, %dma_start3A_59] : memref<2x10240x64xf32, #tpu.memory_space<hbm>> -> memref<1x10240x64xf32, #tpu.memory_space<hbm>>
      %dma_start3A_61 = tpu.memref_squeeze %dma_start3A_60 : memref<1x10240x64xf32, #tpu.memory_space<hbm>> -> memref<10240x64xf32, #tpu.memory_space<hbm>>
      %dma_start3A_62 = arith.constant 0 : i32
      %dma_start3A_63 = arith.constant 0 : i32
      %dma_start3A_64 = tpu.memref_slice %dma_start3A_61[%dma_start3A_62, %dma_start3A_63] : memref<10240x64xf32, #tpu.memory_space<hbm>> -> memref<10240x64xf32, #tpu.memory_space<hbm>>
      tpu.enqueue_indirect_dma source(%dma_start3A_64 : memref<10240x64xf32, #tpu.memory_space<hbm>>) target(%arg9 : memref<128x64xf32, #tpu.memory_space<vmem>>) offsets(%dma_start3A_57 : memref<128xi32, #tpu.memory_space<vmem>>) semaphore(%arg13 : memref<!tpu.dma_semaphore, #tpu.memory_space<semaphore_mem>>)
      %add3A_65 = arith.constant 1 : i32
      %add3A_66 = arith.addi %mul3A_40, %add3A_65 : i32
      "tpu.region"() ({
        %run_scoped3A = tpu.sem_alloc : memref<!tpu.dma_semaphore, #tpu.memory_space<semaphore_mem>>
        %dma_start3A_68 = arith.constant 0 : i32
        %dma_start3A_69 = tpu.memref_slice %arg8[%add3A_66, %dma_start3A_68] : memref<160x128xi32, #tpu.memory_space<vmem>> -> memref<1x128xi32, #tpu.memory_space<vmem>>
        %dma_start3A_70 = tpu.memref_squeeze %dma_start3A_69 : memref<1x128xi32, #tpu.memory_space<vmem>> -> memref<128xi32, #tpu.memory_space<vmem>>
        %dma_start3A_71 = arith.constant 0 : i32
        %dma_start3A_72 = arith.constant 0 : i32
        %dma_start3A_73 = tpu.memref_slice %arg12[%dma_start3A_71, %dma_start3A_72] : memref<10240x64xf32, #tpu.memory_space<vmem_shared>> -> memref<10240x64xf32, #tpu.memory_space<vmem_shared>>
        tpu.enqueue_indirect_dma source(%arg10 : memref<128x64xf32, #tpu.memory_space<vmem>>) target(%dma_start3A_73 : memref<10240x64xf32, #tpu.memory_space<vmem_shared>>) offsets(%dma_start3A_70 : memref<128xi32, #tpu.memory_space<vmem>>) semaphore(%run_scoped3A : memref<!tpu.dma_semaphore, #tpu.memory_space<semaphore_mem>>) {add = true}
        %dma_wait3A = arith.constant 0 : i32
        %dma_wait3A_74 = tpu.memref_slice %arg8[%add3A_66, %dma_wait3A] : memref<160x128xi32, #tpu.memory_space<vmem>> -> memref<1x128xi32, #tpu.memory_space<vmem>>
        %dma_wait3A_75 = tpu.memref_squeeze %dma_wait3A_74 : memref<1x128xi32, #tpu.memory_space<vmem>> -> memref<128xi32, #tpu.memory_space<vmem>>
        %dma_wait3A_76 = arith.constant 0 : i32
        %dma_wait3A_77 = arith.constant 0 : i32
        %dma_wait3A_78 = tpu.memref_slice %arg12[%dma_wait3A_76, %dma_wait3A_77] : memref<10240x64xf32, #tpu.memory_space<vmem_shared>> -> memref<10240x64xf32, #tpu.memory_space<vmem_shared>>
        tpu.wait_indirect_dma semaphore(%run_scoped3A : memref<!tpu.dma_semaphore, #tpu.memory_space<semaphore_mem>>) src(%arg10 : memref<128x64xf32, #tpu.memory_space<vmem>>) dst(%dma_wait3A_78 : memref<10240x64xf32, #tpu.memory_space<vmem_shared>>)
        tpu.yield
      }) : () -> ()
      %scan3A_67 = arith.constant 0 : i32
      scf.yield %scan3A_67 : i32
    }
    %scan3A_25 = arith.constant 80 : i32
    tpu.wait_dma2 semaphore(%arg13 : memref<!tpu.dma_semaphore, #tpu.memory_space<semaphore_mem>>) src(%arg5 : memref<128x64xf32, #tpu.memory_space<hbm>>) dst(%arg9 : memref<128x64xf32, #tpu.memory_space<vmem>>)
    %barrier3A_26 = arith.constant 0 : index
    tpu.barrier barrier_id(%barrier3A_26)
    %add3A_27 = arith.constant 0 : i32
    %add3A_28 = arith.addi %mul3A_0, %add3A_27 : i32
    "tpu.region"() ({
      %run_scoped3A = tpu.sem_alloc : memref<!tpu.dma_semaphore, #tpu.memory_space<semaphore_mem>>
      %dma_start3A_37 = arith.constant 0 : i32
      %dma_start3A_38 = tpu.memref_slice %arg12[%add3A_28, %dma_start3A_37] : memref<10240x64xf32, #tpu.memory_space<vmem_shared>> -> memref<128x64xf32, #tpu.memory_space<vmem_shared>>
      %dma_start3A_39 = arith.constant 0 : i32
      %dma_start3A_40 = tpu.memref_slice %arg12[%add3A_28, %dma_start3A_39] : memref<10240x64xf32, #tpu.memory_space<vmem_shared>> -> memref<128x64xf32, #tpu.memory_space<vmem_shared>>
      tpu.enqueue_dma source(%dma_start3A_40 : memref<128x64xf32, #tpu.memory_space<vmem_shared>>) target(%arg11 : memref<128x64xf32, #tpu.memory_space<vmem>>) target_semaphore(%run_scoped3A : memref<!tpu.dma_semaphore, #tpu.memory_space<semaphore_mem>>)
      %dma_wait3A = arith.constant 0 : i32
      %dma_wait3A_41 = tpu.memref_slice %arg12[%add3A_28, %dma_wait3A] : memref<10240x64xf32, #tpu.memory_space<vmem_shared>> -> memref<128x64xf32, #tpu.memory_space<vmem_shared>>
      %dma_wait3A_42 = arith.constant 0 : i32
      %dma_wait3A_43 = tpu.memref_slice %arg12[%add3A_28, %dma_wait3A_42] : memref<10240x64xf32, #tpu.memory_space<vmem_shared>> -> memref<128x64xf32, #tpu.memory_space<vmem_shared>>
      tpu.wait_dma2 semaphore(%run_scoped3A : memref<!tpu.dma_semaphore, #tpu.memory_space<semaphore_mem>>) src(%dma_wait3A_43 : memref<128x64xf32, #tpu.memory_space<vmem_shared>>) dst(%arg11 : memref<128x64xf32, #tpu.memory_space<vmem>>)
      tpu.yield
    }) : () -> ()
    "tpu.region"() ({
      %run_scoped3A = tpu.sem_alloc : memref<!tpu.dma_semaphore, #tpu.memory_space<semaphore_mem>>
      %dma_start3A_37 = arith.constant 0 : i32
      %dma_start3A_38 = tpu.memref_slice %arg6[%arg0, %add3A_28, %dma_start3A_37] : memref<2x10240x64xf32, #tpu.memory_space<hbm>> -> memref<1x128x64xf32, #tpu.memory_space<hbm>>
      %dma_start3A_39 = tpu.memref_squeeze %dma_start3A_38 : memref<1x128x64xf32, #tpu.memory_space<hbm>> -> memref<128x64xf32, #tpu.memory_space<hbm>>
      %dma_start3A_40 = arith.constant 0 : i32
      %dma_start3A_41 = tpu.memref_slice %arg6[%arg0, %add3A_28, %dma_start3A_40] : memref<2x10240x64xf32, #tpu.memory_space<hbm>> -> memref<1x128x64xf32, #tpu.memory_space<hbm>>
      %dma_start3A_42 = tpu.memref_squeeze %dma_start3A_41 : memref<1x128x64xf32, #tpu.memory_space<hbm>> -> memref<128x64xf32, #tpu.memory_space<hbm>>
      tpu.enqueue_dma source(%arg11 : memref<128x64xf32, #tpu.memory_space<vmem>>) target(%dma_start3A_42 : memref<128x64xf32, #tpu.memory_space<hbm>>) target_semaphore(%run_scoped3A : memref<!tpu.dma_semaphore, #tpu.memory_space<semaphore_mem>>)
      %dma_wait3A = arith.constant 0 : i32
      %dma_wait3A_43 = tpu.memref_slice %arg6[%arg0, %add3A_28, %dma_wait3A] : memref<2x10240x64xf32, #tpu.memory_space<hbm>> -> memref<1x128x64xf32, #tpu.memory_space<hbm>>
      %dma_wait3A_44 = tpu.memref_squeeze %dma_wait3A_43 : memref<1x128x64xf32, #tpu.memory_space<hbm>> -> memref<128x64xf32, #tpu.memory_space<hbm>>
      %dma_wait3A_45 = arith.constant 0 : i32
      %dma_wait3A_46 = tpu.memref_slice %arg6[%arg0, %add3A_28, %dma_wait3A_45] : memref<2x10240x64xf32, #tpu.memory_space<hbm>> -> memref<1x128x64xf32, #tpu.memory_space<hbm>>
      %dma_wait3A_47 = tpu.memref_squeeze %dma_wait3A_46 : memref<1x128x64xf32, #tpu.memory_space<hbm>> -> memref<128x64xf32, #tpu.memory_space<hbm>>
      tpu.wait_dma2 semaphore(%run_scoped3A : memref<!tpu.dma_semaphore, #tpu.memory_space<semaphore_mem>>) src(%arg11 : memref<128x64xf32, #tpu.memory_space<vmem>>) dst(%dma_wait3A_47 : memref<128x64xf32, #tpu.memory_space<hbm>>)
      tpu.yield
    }) : () -> ()
    %add3A_29 = arith.constant 128 : i32
    %add3A_30 = arith.addi %mul3A_0, %add3A_29 : i32
    "tpu.region"() ({
      %run_scoped3A = tpu.sem_alloc : memref<!tpu.dma_semaphore, #tpu.memory_space<semaphore_mem>>
      %dma_start3A_37 = arith.constant 0 : i32
      %dma_start3A_38 = tpu.memref_slice %arg12[%add3A_30, %dma_start3A_37] : memref<10240x64xf32, #tpu.memory_space<vmem_shared>> -> memref<128x64xf32, #tpu.memory_space<vmem_shared>>
      %dma_start3A_39 = arith.constant 0 : i32
      %dma_start3A_40 = tpu.memref_slice %arg12[%add3A_30, %dma_start3A_39] : memref<10240x64xf32, #tpu.memory_space<vmem_shared>> -> memref<128x64xf32, #tpu.memory_space<vmem_shared>>
      tpu.enqueue_dma source(%dma_start3A_40 : memref<128x64xf32, #tpu.memory_space<vmem_shared>>) target(%arg11 : memref<128x64xf32, #tpu.memory_space<vmem>>) target_semaphore(%run_scoped3A : memref<!tpu.dma_semaphore, #tpu.memory_space<semaphore_mem>>)
      %dma_wait3A = arith.constant 0 : i32
      %dma_wait3A_41 = tpu.memref_slice %arg12[%add3A_30, %dma_wait3A] : memref<10240x64xf32, #tpu.memory_space<vmem_shared>> -> memref<128x64xf32, #tpu.memory_space<vmem_shared>>
      %dma_wait3A_42 = arith.constant 0 : i32
      %dma_wait3A_43 = tpu.memref_slice %arg12[%add3A_30, %dma_wait3A_42] : memref<10240x64xf32, #tpu.memory_space<vmem_shared>> -> memref<128x64xf32, #tpu.memory_space<vmem_shared>>
      tpu.wait_dma2 semaphore(%run_scoped3A : memref<!tpu.dma_semaphore, #tpu.memory_space<semaphore_mem>>) src(%dma_wait3A_43 : memref<128x64xf32, #tpu.memory_space<vmem_shared>>) dst(%arg11 : memref<128x64xf32, #tpu.memory_space<vmem>>)
      tpu.yield
    }) : () -> ()
    "tpu.region"() ({
      %run_scoped3A = tpu.sem_alloc : memref<!tpu.dma_semaphore, #tpu.memory_space<semaphore_mem>>
      %dma_start3A_37 = arith.constant 0 : i32
      %dma_start3A_38 = tpu.memref_slice %arg6[%arg0, %add3A_30, %dma_start3A_37] : memref<2x10240x64xf32, #tpu.memory_space<hbm>> -> memref<1x128x64xf32, #tpu.memory_space<hbm>>
      %dma_start3A_39 = tpu.memref_squeeze %dma_start3A_38 : memref<1x128x64xf32, #tpu.memory_space<hbm>> -> memref<128x64xf32, #tpu.memory_space<hbm>>
      %dma_start3A_40 = arith.constant 0 : i32
      %dma_start3A_41 = tpu.memref_slice %arg6[%arg0, %add3A_30, %dma_start3A_40] : memref<2x10240x64xf32, #tpu.memory_space<hbm>> -> memref<1x128x64xf32, #tpu.memory_space<hbm>>
      %dma_start3A_42 = tpu.memref_squeeze %dma_start3A_41 : memref<1x128x64xf32, #tpu.memory_space<hbm>> -> memref<128x64xf32, #tpu.memory_space<hbm>>
      tpu.enqueue_dma source(%arg11 : memref<128x64xf32, #tpu.memory_space<vmem>>) target(%dma_start3A_42 : memref<128x64xf32, #tpu.memory_space<hbm>>) target_semaphore(%run_scoped3A : memref<!tpu.dma_semaphore, #tpu.memory_space<semaphore_mem>>)
      %dma_wait3A = arith.constant 0 : i32
      %dma_wait3A_43 = tpu.memref_slice %arg6[%arg0, %add3A_30, %dma_wait3A] : memref<2x10240x64xf32, #tpu.memory_space<hbm>> -> memref<1x128x64xf32, #tpu.memory_space<hbm>>
      %dma_wait3A_44 = tpu.memref_squeeze %dma_wait3A_43 : memref<1x128x64xf32, #tpu.memory_space<hbm>> -> memref<128x64xf32, #tpu.memory_space<hbm>>
      %dma_wait3A_45 = arith.constant 0 : i32
      %dma_wait3A_46 = tpu.memref_slice %arg6[%arg0, %add3A_30, %dma_wait3A_45] : memref<2x10240x64xf32, #tpu.memory_space<hbm>> -> memref<1x128x64xf32, #tpu.memory_space<hbm>>
      %dma_wait3A_47 = tpu.memref_squeeze %dma_wait3A_46 : memref<1x128x64xf32, #tpu.memory_space<hbm>> -> memref<128x64xf32, #tpu.memory_space<hbm>>
      tpu.wait_dma2 semaphore(%run_scoped3A : memref<!tpu.dma_semaphore, #tpu.memory_space<semaphore_mem>>) src(%arg11 : memref<128x64xf32, #tpu.memory_space<vmem>>) dst(%dma_wait3A_47 : memref<128x64xf32, #tpu.memory_space<hbm>>)
      tpu.yield
    }) : () -> ()
    %add3A_31 = arith.constant 256 : i32
    %add3A_32 = arith.addi %mul3A_0, %add3A_31 : i32
    "tpu.region"() ({
      %run_scoped3A = tpu.sem_alloc : memref<!tpu.dma_semaphore, #tpu.memory_space<semaphore_mem>>
      %dma_start3A_37 = arith.constant 0 : i32
      %dma_start3A_38 = tpu.memref_slice %arg12[%add3A_32, %dma_start3A_37] : memref<10240x64xf32, #tpu.memory_space<vmem_shared>> -> memref<128x64xf32, #tpu.memory_space<vmem_shared>>
      %dma_start3A_39 = arith.constant 0 : i32
      %dma_start3A_40 = tpu.memref_slice %arg12[%add3A_32, %dma_start3A_39] : memref<10240x64xf32, #tpu.memory_space<vmem_shared>> -> memref<128x64xf32, #tpu.memory_space<vmem_shared>>
      tpu.enqueue_dma source(%dma_start3A_40 : memref<128x64xf32, #tpu.memory_space<vmem_shared>>) target(%arg11 : memref<128x64xf32, #tpu.memory_space<vmem>>) target_semaphore(%run_scoped3A : memref<!tpu.dma_semaphore, #tpu.memory_space<semaphore_mem>>)
      %dma_wait3A = arith.constant 0 : i32
      %dma_wait3A_41 = tpu.memref_slice %arg12[%add3A_32, %dma_wait3A] : memref<10240x64xf32, #tpu.memory_space<vmem_shared>> -> memref<128x64xf32, #tpu.memory_space<vmem_shared>>
      %dma_wait3A_42 = arith.constant 0 : i32
      %dma_wait3A_43 = tpu.memref_slice %arg12[%add3A_32, %dma_wait3A_42] : memref<10240x64xf32, #tpu.memory_space<vmem_shared>> -> memref<128x64xf32, #tpu.memory_space<vmem_shared>>
      tpu.wait_dma2 semaphore(%run_scoped3A : memref<!tpu.dma_semaphore, #tpu.memory_space<semaphore_mem>>) src(%dma_wait3A_43 : memref<128x64xf32, #tpu.memory_space<vmem_shared>>) dst(%arg11 : memref<128x64xf32, #tpu.memory_space<vmem>>)
      tpu.yield
    }) : () -> ()
    "tpu.region"() ({
      %run_scoped3A = tpu.sem_alloc : memref<!tpu.dma_semaphore, #tpu.memory_space<semaphore_mem>>
      %dma_start3A_37 = arith.constant 0 : i32
      %dma_start3A_38 = tpu.memref_slice %arg6[%arg0, %add3A_32, %dma_start3A_37] : memref<2x10240x64xf32, #tpu.memory_space<hbm>> -> memref<1x128x64xf32, #tpu.memory_space<hbm>>
      %dma_start3A_39 = tpu.memref_squeeze %dma_start3A_38 : memref<1x128x64xf32, #tpu.memory_space<hbm>> -> memref<128x64xf32, #tpu.memory_space<hbm>>
      %dma_start3A_40 = arith.constant 0 : i32
      %dma_start3A_41 = tpu.memref_slice %arg6[%arg0, %add3A_32, %dma_start3A_40] : memref<2x10240x64xf32, #tpu.memory_space<hbm>> -> memref<1x128x64xf32, #tpu.memory_space<hbm>>
      %dma_start3A_42 = tpu.memref_squeeze %dma_start3A_41 : memref<1x128x64xf32, #tpu.memory_space<hbm>> -> memref<128x64xf32, #tpu.memory_space<hbm>>
      tpu.enqueue_dma source(%arg11 : memref<128x64xf32, #tpu.memory_space<vmem>>) target(%dma_start3A_42 : memref<128x64xf32, #tpu.memory_space<hbm>>) target_semaphore(%run_scoped3A : memref<!tpu.dma_semaphore, #tpu.memory_space<semaphore_mem>>)
      %dma_wait3A = arith.constant 0 : i32
      %dma_wait3A_43 = tpu.memref_slice %arg6[%arg0, %add3A_32, %dma_wait3A] : memref<2x10240x64xf32, #tpu.memory_space<hbm>> -> memref<1x128x64xf32, #tpu.memory_space<hbm>>
      %dma_wait3A_44 = tpu.memref_squeeze %dma_wait3A_43 : memref<1x128x64xf32, #tpu.memory_space<hbm>> -> memref<128x64xf32, #tpu.memory_space<hbm>>
      %dma_wait3A_45 = arith.constant 0 : i32
      %dma_wait3A_46 = tpu.memref_slice %arg6[%arg0, %add3A_32, %dma_wait3A_45] : memref<2x10240x64xf32, #tpu.memory_space<hbm>> -> memref<1x128x64xf32, #tpu.memory_space<hbm>>
      %dma_wait3A_47 = tpu.memref_squeeze %dma_wait3A_46 : memref<1x128x64xf32, #tpu.memory_space<hbm>> -> memref<128x64xf32, #tpu.memory_space<hbm>>
      tpu.wait_dma2 semaphore(%run_scoped3A : memref<!tpu.dma_semaphore, #tpu.memory_space<semaphore_mem>>) src(%arg11 : memref<128x64xf32, #tpu.memory_space<vmem>>) dst(%dma_wait3A_47 : memref<128x64xf32, #tpu.memory_space<hbm>>)
      tpu.yield
    }) : () -> ()
    %add3A_33 = arith.constant 384 : i32
    %add3A_34 = arith.addi %mul3A_0, %add3A_33 : i32
    "tpu.region"() ({
      %run_scoped3A = tpu.sem_alloc : memref<!tpu.dma_semaphore, #tpu.memory_space<semaphore_mem>>
      %dma_start3A_37 = arith.constant 0 : i32
      %dma_start3A_38 = tpu.memref_slice %arg12[%add3A_34, %dma_start3A_37] : memref<10240x64xf32, #tpu.memory_space<vmem_shared>> -> memref<128x64xf32, #tpu.memory_space<vmem_shared>>
      %dma_start3A_39 = arith.constant 0 : i32
      %dma_start3A_40 = tpu.memref_slice %arg12[%add3A_34, %dma_start3A_39] : memref<10240x64xf32, #tpu.memory_space<vmem_shared>> -> memref<128x64xf32, #tpu.memory_space<vmem_shared>>
      tpu.enqueue_dma source(%dma_start3A_40 : memref<128x64xf32, #tpu.memory_space<vmem_shared>>) target(%arg11 : memref<128x64xf32, #tpu.memory_space<vmem>>) target_semaphore(%run_scoped3A : memref<!tpu.dma_semaphore, #tpu.memory_space<semaphore_mem>>)
      %dma_wait3A = arith.constant 0 : i32
      %dma_wait3A_41 = tpu.memref_slice %arg12[%add3A_34, %dma_wait3A] : memref<10240x64xf32, #tpu.memory_space<vmem_shared>> -> memref<128x64xf32, #tpu.memory_space<vmem_shared>>
      %dma_wait3A_42 = arith.constant 0 : i32
      %dma_wait3A_43 = tpu.memref_slice %arg12[%add3A_34, %dma_wait3A_42] : memref<10240x64xf32, #tpu.memory_space<vmem_shared>> -> memref<128x64xf32, #tpu.memory_space<vmem_shared>>
      tpu.wait_dma2 semaphore(%run_scoped3A : memref<!tpu.dma_semaphore, #tpu.memory_space<semaphore_mem>>) src(%dma_wait3A_43 : memref<128x64xf32, #tpu.memory_space<vmem_shared>>) dst(%arg11 : memref<128x64xf32, #tpu.memory_space<vmem>>)
      tpu.yield
    }) : () -> ()
    "tpu.region"() ({
      %run_scoped3A = tpu.sem_alloc : memref<!tpu.dma_semaphore, #tpu.memory_space<semaphore_mem>>
      %dma_start3A_37 = arith.constant 0 : i32
      %dma_start3A_38 = tpu.memref_slice %arg6[%arg0, %add3A_34, %dma_start3A_37] : memref<2x10240x64xf32, #tpu.memory_space<hbm>> -> memref<1x128x64xf32, #tpu.memory_space<hbm>>
      %dma_start3A_39 = tpu.memref_squeeze %dma_start3A_38 : memref<1x128x64xf32, #tpu.memory_space<hbm>> -> memref<128x64xf32, #tpu.memory_space<hbm>>
      %dma_start3A_40 = arith.constant 0 : i32
      %dma_start3A_41 = tpu.memref_slice %arg6[%arg0, %add3A_34, %dma_start3A_40] : memref<2x10240x64xf32, #tpu.memory_space<hbm>> -> memref<1x128x64xf32, #tpu.memory_space<hbm>>
      %dma_start3A_42 = tpu.memref_squeeze %dma_start3A_41 : memref<1x128x64xf32, #tpu.memory_space<hbm>> -> memref<128x64xf32, #tpu.memory_space<hbm>>
      tpu.enqueue_dma source(%arg11 : memref<128x64xf32, #tpu.memory_space<vmem>>) target(%dma_start3A_42 : memref<128x64xf32, #tpu.memory_space<hbm>>) target_semaphore(%run_scoped3A : memref<!tpu.dma_semaphore, #tpu.memory_space<semaphore_mem>>)
      %dma_wait3A = arith.constant 0 : i32
      %dma_wait3A_43 = tpu.memref_slice %arg6[%arg0, %add3A_34, %dma_wait3A] : memref<2x10240x64xf32, #tpu.memory_space<hbm>> -> memref<1x128x64xf32, #tpu.memory_space<hbm>>
      %dma_wait3A_44 = tpu.memref_squeeze %dma_wait3A_43 : memref<1x128x64xf32, #tpu.memory_space<hbm>> -> memref<128x64xf32, #tpu.memory_space<hbm>>
      %dma_wait3A_45 = arith.constant 0 : i32
      %dma_wait3A_46 = tpu.memref_slice %arg6[%arg0, %add3A_34, %dma_wait3A_45] : memref<2x10240x64xf32, #tpu.memory_space<hbm>> -> memref<1x128x64xf32, #tpu.memory_space<hbm>>
      %dma_wait3A_47 = tpu.memref_squeeze %dma_wait3A_46 : memref<1x128x64xf32, #tpu.memory_space<hbm>> -> memref<128x64xf32, #tpu.memory_space<hbm>>
      tpu.wait_dma2 semaphore(%run_scoped3A : memref<!tpu.dma_semaphore, #tpu.memory_space<semaphore_mem>>) src(%arg11 : memref<128x64xf32, #tpu.memory_space<vmem>>) dst(%dma_wait3A_47 : memref<128x64xf32, #tpu.memory_space<hbm>>)
      tpu.yield
    }) : () -> ()
    %add3A_35 = arith.constant 512 : i32
    %add3A_36 = arith.addi %mul3A_0, %add3A_35 : i32
    "tpu.region"() ({
      %run_scoped3A = tpu.sem_alloc : memref<!tpu.dma_semaphore, #tpu.memory_space<semaphore_mem>>
      %dma_start3A_37 = arith.constant 0 : i32
      %dma_start3A_38 = tpu.memref_slice %arg12[%add3A_36, %dma_start3A_37] : memref<10240x64xf32, #tpu.memory_space<vmem_shared>> -> memref<128x64xf32, #tpu.memory_space<vmem_shared>>
      %dma_start3A_39 = arith.constant 0 : i32
      %dma_start3A_40 = tpu.memref_slice %arg12[%add3A_36, %dma_start3A_39] : memref<10240x64xf32, #tpu.memory_space<vmem_shared>> -> memref<128x64xf32, #tpu.memory_space<vmem_shared>>
      tpu.enqueue_dma source(%dma_start3A_40 : memref<128x64xf32, #tpu.memory_space<vmem_shared>>) target(%arg11 : memref<128x64xf32, #tpu.memory_space<vmem>>) target_semaphore(%run_scoped3A : memref<!tpu.dma_semaphore, #tpu.memory_space<semaphore_mem>>)
      %dma_wait3A = arith.constant 0 : i32
      %dma_wait3A_41 = tpu.memref_slice %arg12[%add3A_36, %dma_wait3A] : memref<10240x64xf32, #tpu.memory_space<vmem_shared>> -> memref<128x64xf32, #tpu.memory_space<vmem_shared>>
      %dma_wait3A_42 = arith.constant 0 : i32
      %dma_wait3A_43 = tpu.memref_slice %arg12[%add3A_36, %dma_wait3A_42] : memref<10240x64xf32, #tpu.memory_space<vmem_shared>> -> memref<128x64xf32, #tpu.memory_space<vmem_shared>>
      tpu.wait_dma2 semaphore(%run_scoped3A : memref<!tpu.dma_semaphore, #tpu.memory_space<semaphore_mem>>) src(%dma_wait3A_43 : memref<128x64xf32, #tpu.memory_space<vmem_shared>>) dst(%arg11 : memref<128x64xf32, #tpu.memory_space<vmem>>)
      tpu.yield
    }) : () -> ()
    "tpu.region"() ({
      %run_scoped3A = tpu.sem_alloc : memref<!tpu.dma_semaphore, #tpu.memory_space<semaphore_mem>>
      %dma_start3A_37 = arith.constant 0 : i32
      %dma_start3A_38 = tpu.memref_slice %arg6[%arg0, %add3A_36, %dma_start3A_37] : memref<2x10240x64xf32, #tpu.memory_space<hbm>> -> memref<1x128x64xf32, #tpu.memory_space<hbm>>
      %dma_start3A_39 = tpu.memref_squeeze %dma_start3A_38 : memref<1x128x64xf32, #tpu.memory_space<hbm>> -> memref<128x64xf32, #tpu.memory_space<hbm>>
      %dma_start3A_40 = arith.constant 0 : i32
      %dma_start3A_41 = tpu.memref_slice %arg6[%arg0, %add3A_36, %dma_start3A_40] : memref<2x10240x64xf32, #tpu.memory_space<hbm>> -> memref<1x128x64xf32, #tpu.memory_space<hbm>>
      %dma_start3A_42 = tpu.memref_squeeze %dma_start3A_41 : memref<1x128x64xf32, #tpu.memory_space<hbm>> -> memref<128x64xf32, #tpu.memory_space<hbm>>
      tpu.enqueue_dma source(%arg11 : memref<128x64xf32, #tpu.memory_space<vmem>>) target(%dma_start3A_42 : memref<128x64xf32, #tpu.memory_space<hbm>>) target_semaphore(%run_scoped3A : memref<!tpu.dma_semaphore, #tpu.memory_space<semaphore_mem>>)
      %dma_wait3A = arith.constant 0 : i32
      %dma_wait3A_43 = tpu.memref_slice %arg6[%arg0, %add3A_36, %dma_wait3A] : memref<2x10240x64xf32, #tpu.memory_space<hbm>> -> memref<1x128x64xf32, #tpu.memory_space<hbm>>
      %dma_wait3A_44 = tpu.memref_squeeze %dma_wait3A_43 : memref<1x128x64xf32, #tpu.memory_space<hbm>> -> memref<128x64xf32, #tpu.memory_space<hbm>>
      %dma_wait3A_45 = arith.constant 0 : i32
      %dma_wait3A_46 = tpu.memref_slice %arg6[%arg0, %add3A_36, %dma_wait3A_45] : memref<2x10240x64xf32, #tpu.memory_space<hbm>> -> memref<1x128x64xf32, #tpu.memory_space<hbm>>
      %dma_wait3A_47 = tpu.memref_squeeze %dma_wait3A_46 : memref<1x128x64xf32, #tpu.memory_space<hbm>> -> memref<128x64xf32, #tpu.memory_space<hbm>>
      tpu.wait_dma2 semaphore(%run_scoped3A : memref<!tpu.dma_semaphore, #tpu.memory_space<semaphore_mem>>) src(%arg11 : memref<128x64xf32, #tpu.memory_space<vmem>>) dst(%dma_wait3A_47 : memref<128x64xf32, #tpu.memory_space<hbm>>)
      tpu.yield
    }) : () -> ()
    return
  }
}

#map = affine_map<(d0, d1) -> (0, 0, 0)>
#map1 = affine_map<(d0, d1) -> (0, 0)>
module attributes {stable_mosaic.version = 14 : i64} {
  func.func @_spmm_kernel(%arg0: i32, %arg1: i32, %arg2: memref<2x10240x64xf32, #tpu.memory_space<hbm>>, %arg3: memref<16x161x128xi32, #tpu.memory_space<hbm>>, %arg4: memref<16x160x128xi32, #tpu.memory_space<hbm>>, %arg5: memref<128x64xf32, #tpu.memory_space<hbm>>, %arg6: memref<2x10240x64xf32, #tpu.memory_space<hbm>>, %arg7: memref<161x128xi32, #tpu.memory_space<vmem>>, %arg8: memref<160x128xi32, #tpu.memory_space<vmem>>, %arg9: memref<128x64xf32, #tpu.memory_space<vmem>>, %arg10: memref<128x64xf32, #tpu.memory_space<vmem>>, %arg11: memref<128x64xf32, #tpu.memory_space<vmem>>, %arg12: memref<10240x64xf32, #tpu.memory_space<vmem_shared>>, %arg13: memref<!tpu.dma_semaphore, #tpu.memory_space<semaphore_mem>>, %arg14: memref<!tpu.dma_semaphore, #tpu.memory_space<semaphore_mem>>) attributes {dimension_semantics = [#tpu.dimension_semantics<core_parallel>, #tpu.dimension_semantics<subcore_parallel>], iteration_bounds = array<i64: 2, 16>, scalar_prefetch = 0 : i64, scratch_operands = 8 : i64, tpu.core_type = #tpu.core_type<sc_vector_subcore>, window_params = [{transform_indices = #map}, {transform_indices = #map}, {transform_indices = #map}, {transform_indices = #map1}, {transform_indices = #map}]} {
    "tpu.region"() ({
      %run_scoped3A = tpu.sem_alloc : memref<!tpu.dma_semaphore, #tpu.memory_space<semaphore_mem>>
      %dma_start3A_37 = arith.constant 0 : i32
      %dma_start3A_38 = arith.constant 0 : i32
      %dma_start3A_39 = tpu.memref_slice %arg3[%arg1, %dma_start3A_37, %dma_start3A_38] : memref<16x161x128xi32, #tpu.memory_space<hbm>> -> memref<1x161x128xi32, #tpu.memory_space<hbm>>
      %dma_start3A_40 = tpu.memref_squeeze %dma_start3A_39 : memref<1x161x128xi32, #tpu.memory_space<hbm>> -> memref<161x128xi32, #tpu.memory_space<hbm>>
      %dma_start3A_41 = arith.constant 0 : i32
      %dma_start3A_42 = arith.constant 0 : i32
      %dma_start3A_43 = tpu.memref_slice %arg3[%arg1, %dma_start3A_41, %dma_start3A_42] : memref<16x161x128xi32, #tpu.memory_space<hbm>> -> memref<1x161x128xi32, #tpu.memory_space<hbm>>
      %dma_start3A_44 = tpu.memref_squeeze %dma_start3A_43 : memref<1x161x128xi32, #tpu.memory_space<hbm>> -> memref<161x128xi32, #tpu.memory_space<hbm>>
      tpu.enqueue_dma source(%dma_start3A_44 : memref<161x128xi32, #tpu.memory_space<hbm>>) target(%arg7 : memref<161x128xi32, #tpu.memory_space<vmem>>) target_semaphore(%run_scoped3A : memref<!tpu.dma_semaphore, #tpu.memory_space<semaphore_mem>>)
      %dma_wait3A = arith.constant 0 : i32
      %dma_wait3A_45 = arith.constant 0 : i32
      %dma_wait3A_46 = tpu.memref_slice %arg3[%arg1, %dma_wait3A, %dma_wait3A_45] : memref<16x161x128xi32, #tpu.memory_space<hbm>> -> memref<1x161x128xi32, #tpu.memory_space<hbm>>
      %dma_wait3A_47 = tpu.memref_squeeze %dma_wait3A_46 : memref<1x161x128xi32, #tpu.memory_space<hbm>> -> memref<161x128xi32, #tpu.memory_space<hbm>>
      %dma_wait3A_48 = arith.constant 0 : i32
      %dma_wait3A_49 = arith.constant 0 : i32
      %dma_wait3A_50 = tpu.memref_slice %arg3[%arg1, %dma_wait3A_48, %dma_wait3A_49] : memref<16x161x128xi32, #tpu.memory_space<hbm>> -> memref<1x161x128xi32, #tpu.memory_space<hbm>>
      %dma_wait3A_51 = tpu.memref_squeeze %dma_wait3A_50 : memref<1x161x128xi32, #tpu.memory_space<hbm>> -> memref<161x128xi32, #tpu.memory_space<hbm>>
      tpu.wait_dma2 semaphore(%run_scoped3A : memref<!tpu.dma_semaphore, #tpu.memory_space<semaphore_mem>>) src(%dma_wait3A_51 : memref<161x128xi32, #tpu.memory_space<hbm>>) dst(%arg7 : memref<161x128xi32, #tpu.memory_space<vmem>>)
      tpu.yield
    }) : () -> ()
    "tpu.region"() ({
      %run_scoped3A = tpu.sem_alloc : memref<!tpu.dma_semaphore, #tpu.memory_space<semaphore_mem>>
      %dma_start3A_37 = arith.constant 0 : i32
      %dma_start3A_38 = arith.constant 0 : i32
      %dma_start3A_39 = tpu.memref_slice %arg4[%arg1, %dma_start3A_37, %dma_start3A_38] : memref<16x160x128xi32, #tpu.memory_space<hbm>> -> memref<1x160x128xi32, #tpu.memory_space<hbm>>
      %dma_start3A_40 = tpu.memref_squeeze %dma_start3A_39 : memref<1x160x128xi32, #tpu.memory_space<hbm>> -> memref<160x128xi32, #tpu.memory_space<hbm>>
      %dma_start3A_41 = arith.constant 0 : i32
      %dma_start3A_42 = arith.constant 0 : i32
      %dma_start3A_43 = tpu.memref_slice %arg4[%arg1, %dma_start3A_41, %dma_start3A_42] : memref<16x160x128xi32, #tpu.memory_space<hbm>> -> memref<1x160x128xi32, #tpu.memory_space<hbm>>
      %dma_start3A_44 = tpu.memref_squeeze %dma_start3A_43 : memref<1x160x128xi32, #tpu.memory_space<hbm>> -> memref<160x128xi32, #tpu.memory_space<hbm>>
      tpu.enqueue_dma source(%dma_start3A_44 : memref<160x128xi32, #tpu.memory_space<hbm>>) target(%arg8 : memref<160x128xi32, #tpu.memory_space<vmem>>) target_semaphore(%run_scoped3A : memref<!tpu.dma_semaphore, #tpu.memory_space<semaphore_mem>>)
      %dma_wait3A = arith.constant 0 : i32
      %dma_wait3A_45 = arith.constant 0 : i32
      %dma_wait3A_46 = tpu.memref_slice %arg4[%arg1, %dma_wait3A, %dma_wait3A_45] : memref<16x160x128xi32, #tpu.memory_space<hbm>> -> memref<1x160x128xi32, #tpu.memory_space<hbm>>
      %dma_wait3A_47 = tpu.memref_squeeze %dma_wait3A_46 : memref<1x160x128xi32, #tpu.memory_space<hbm>> -> memref<160x128xi32, #tpu.memory_space<hbm>>
      %dma_wait3A_48 = arith.constant 0 : i32
      %dma_wait3A_49 = arith.constant 0 : i32
      %dma_wait3A_50 = tpu.memref_slice %arg4[%arg1, %dma_wait3A_48, %dma_wait3A_49] : memref<16x160x128xi32, #tpu.memory_space<hbm>> -> memref<1x160x128xi32, #tpu.memory_space<hbm>>
      %dma_wait3A_51 = tpu.memref_squeeze %dma_wait3A_50 : memref<1x160x128xi32, #tpu.memory_space<hbm>> -> memref<160x128xi32, #tpu.memory_space<hbm>>
      tpu.wait_dma2 semaphore(%run_scoped3A : memref<!tpu.dma_semaphore, #tpu.memory_space<semaphore_mem>>) src(%dma_wait3A_51 : memref<160x128xi32, #tpu.memory_space<hbm>>) dst(%arg8 : memref<160x128xi32, #tpu.memory_space<vmem>>)
      tpu.yield
    }) : () -> ()
    "tpu.region"() ({
      %run_scoped3A = tpu.sem_alloc : memref<!tpu.dma_semaphore, #tpu.memory_space<semaphore_mem>>
      tpu.enqueue_dma source(%arg5 : memref<128x64xf32, #tpu.memory_space<hbm>>) target(%arg11 : memref<128x64xf32, #tpu.memory_space<vmem>>) target_semaphore(%run_scoped3A : memref<!tpu.dma_semaphore, #tpu.memory_space<semaphore_mem>>)
      tpu.wait_dma2 semaphore(%run_scoped3A : memref<!tpu.dma_semaphore, #tpu.memory_space<semaphore_mem>>) src(%arg5 : memref<128x64xf32, #tpu.memory_space<hbm>>) dst(%arg11 : memref<128x64xf32, #tpu.memory_space<vmem>>)
      tpu.yield
    }) : () -> ()
    %mul3A = arith.constant 640 : i32
    %mul3A_0 = arith.muli %arg1, %mul3A : i32
    %add3A = arith.constant 0 : i32
    %add3A_1 = arith.addi %mul3A_0, %add3A : i32
    "tpu.region"() ({
      %run_scoped3A = tpu.sem_alloc : memref<!tpu.dma_semaphore, #tpu.memory_space<semaphore_mem>>
      %dma_start3A_37 = arith.constant 0 : i32
      %dma_start3A_38 = tpu.memref_slice %arg12[%add3A_1, %dma_start3A_37] : memref<10240x64xf32, #tpu.memory_space<vmem_shared>> -> memref<128x64xf32, #tpu.memory_space<vmem_shared>>
      %dma_start3A_39 = arith.constant 0 : i32
      %dma_start3A_40 = tpu.memref_slice %arg12[%add3A_1, %dma_start3A_39] : memref<10240x64xf32, #tpu.memory_space<vmem_shared>> -> memref<128x64xf32, #tpu.memory_space<vmem_shared>>
      tpu.enqueue_dma source(%arg11 : memref<128x64xf32, #tpu.memory_space<vmem>>) target(%dma_start3A_40 : memref<128x64xf32, #tpu.memory_space<vmem_shared>>) target_semaphore(%run_scoped3A : memref<!tpu.dma_semaphore, #tpu.memory_space<semaphore_mem>>)
      %dma_wait3A = arith.constant 0 : i32
      %dma_wait3A_41 = tpu.memref_slice %arg12[%add3A_1, %dma_wait3A] : memref<10240x64xf32, #tpu.memory_space<vmem_shared>> -> memref<128x64xf32, #tpu.memory_space<vmem_shared>>
      %dma_wait3A_42 = arith.constant 0 : i32
      %dma_wait3A_43 = tpu.memref_slice %arg12[%add3A_1, %dma_wait3A_42] : memref<10240x64xf32, #tpu.memory_space<vmem_shared>> -> memref<128x64xf32, #tpu.memory_space<vmem_shared>>
      tpu.wait_dma2 semaphore(%run_scoped3A : memref<!tpu.dma_semaphore, #tpu.memory_space<semaphore_mem>>) src(%arg11 : memref<128x64xf32, #tpu.memory_space<vmem>>) dst(%dma_wait3A_43 : memref<128x64xf32, #tpu.memory_space<vmem_shared>>)
      tpu.yield
    }) : () -> ()
    %add3A_2 = arith.constant 128 : i32
    %add3A_3 = arith.addi %mul3A_0, %add3A_2 : i32
    "tpu.region"() ({
      %run_scoped3A = tpu.sem_alloc : memref<!tpu.dma_semaphore, #tpu.memory_space<semaphore_mem>>
      %dma_start3A_37 = arith.constant 0 : i32
      %dma_start3A_38 = tpu.memref_slice %arg12[%add3A_3, %dma_start3A_37] : memref<10240x64xf32, #tpu.memory_space<vmem_shared>> -> memref<128x64xf32, #tpu.memory_space<vmem_shared>>
      %dma_start3A_39 = arith.constant 0 : i32
      %dma_start3A_40 = tpu.memref_slice %arg12[%add3A_3, %dma_start3A_39] : memref<10240x64xf32, #tpu.memory_space<vmem_shared>> -> memref<128x64xf32, #tpu.memory_space<vmem_shared>>
      tpu.enqueue_dma source(%arg11 : memref<128x64xf32, #tpu.memory_space<vmem>>) target(%dma_start3A_40 : memref<128x64xf32, #tpu.memory_space<vmem_shared>>) target_semaphore(%run_scoped3A : memref<!tpu.dma_semaphore, #tpu.memory_space<semaphore_mem>>)
      %dma_wait3A = arith.constant 0 : i32
      %dma_wait3A_41 = tpu.memref_slice %arg12[%add3A_3, %dma_wait3A] : memref<10240x64xf32, #tpu.memory_space<vmem_shared>> -> memref<128x64xf32, #tpu.memory_space<vmem_shared>>
      %dma_wait3A_42 = arith.constant 0 : i32
      %dma_wait3A_43 = tpu.memref_slice %arg12[%add3A_3, %dma_wait3A_42] : memref<10240x64xf32, #tpu.memory_space<vmem_shared>> -> memref<128x64xf32, #tpu.memory_space<vmem_shared>>
      tpu.wait_dma2 semaphore(%run_scoped3A : memref<!tpu.dma_semaphore, #tpu.memory_space<semaphore_mem>>) src(%arg11 : memref<128x64xf32, #tpu.memory_space<vmem>>) dst(%dma_wait3A_43 : memref<128x64xf32, #tpu.memory_space<vmem_shared>>)
      tpu.yield
    }) : () -> ()
    %add3A_4 = arith.constant 256 : i32
    %add3A_5 = arith.addi %mul3A_0, %add3A_4 : i32
    "tpu.region"() ({
      %run_scoped3A = tpu.sem_alloc : memref<!tpu.dma_semaphore, #tpu.memory_space<semaphore_mem>>
      %dma_start3A_37 = arith.constant 0 : i32
      %dma_start3A_38 = tpu.memref_slice %arg12[%add3A_5, %dma_start3A_37] : memref<10240x64xf32, #tpu.memory_space<vmem_shared>> -> memref<128x64xf32, #tpu.memory_space<vmem_shared>>
      %dma_start3A_39 = arith.constant 0 : i32
      %dma_start3A_40 = tpu.memref_slice %arg12[%add3A_5, %dma_start3A_39] : memref<10240x64xf32, #tpu.memory_space<vmem_shared>> -> memref<128x64xf32, #tpu.memory_space<vmem_shared>>
      tpu.enqueue_dma source(%arg11 : memref<128x64xf32, #tpu.memory_space<vmem>>) target(%dma_start3A_40 : memref<128x64xf32, #tpu.memory_space<vmem_shared>>) target_semaphore(%run_scoped3A : memref<!tpu.dma_semaphore, #tpu.memory_space<semaphore_mem>>)
      %dma_wait3A = arith.constant 0 : i32
      %dma_wait3A_41 = tpu.memref_slice %arg12[%add3A_5, %dma_wait3A] : memref<10240x64xf32, #tpu.memory_space<vmem_shared>> -> memref<128x64xf32, #tpu.memory_space<vmem_shared>>
      %dma_wait3A_42 = arith.constant 0 : i32
      %dma_wait3A_43 = tpu.memref_slice %arg12[%add3A_5, %dma_wait3A_42] : memref<10240x64xf32, #tpu.memory_space<vmem_shared>> -> memref<128x64xf32, #tpu.memory_space<vmem_shared>>
      tpu.wait_dma2 semaphore(%run_scoped3A : memref<!tpu.dma_semaphore, #tpu.memory_space<semaphore_mem>>) src(%arg11 : memref<128x64xf32, #tpu.memory_space<vmem>>) dst(%dma_wait3A_43 : memref<128x64xf32, #tpu.memory_space<vmem_shared>>)
      tpu.yield
    }) : () -> ()
    %add3A_6 = arith.constant 384 : i32
    %add3A_7 = arith.addi %mul3A_0, %add3A_6 : i32
    "tpu.region"() ({
      %run_scoped3A = tpu.sem_alloc : memref<!tpu.dma_semaphore, #tpu.memory_space<semaphore_mem>>
      %dma_start3A_37 = arith.constant 0 : i32
      %dma_start3A_38 = tpu.memref_slice %arg12[%add3A_7, %dma_start3A_37] : memref<10240x64xf32, #tpu.memory_space<vmem_shared>> -> memref<128x64xf32, #tpu.memory_space<vmem_shared>>
      %dma_start3A_39 = arith.constant 0 : i32
      %dma_start3A_40 = tpu.memref_slice %arg12[%add3A_7, %dma_start3A_39] : memref<10240x64xf32, #tpu.memory_space<vmem_shared>> -> memref<128x64xf32, #tpu.memory_space<vmem_shared>>
      tpu.enqueue_dma source(%arg11 : memref<128x64xf32, #tpu.memory_space<vmem>>) target(%dma_start3A_40 : memref<128x64xf32, #tpu.memory_space<vmem_shared>>) target_semaphore(%run_scoped3A : memref<!tpu.dma_semaphore, #tpu.memory_space<semaphore_mem>>)
      %dma_wait3A = arith.constant 0 : i32
      %dma_wait3A_41 = tpu.memref_slice %arg12[%add3A_7, %dma_wait3A] : memref<10240x64xf32, #tpu.memory_space<vmem_shared>> -> memref<128x64xf32, #tpu.memory_space<vmem_shared>>
      %dma_wait3A_42 = arith.constant 0 : i32
      %dma_wait3A_43 = tpu.memref_slice %arg12[%add3A_7, %dma_wait3A_42] : memref<10240x64xf32, #tpu.memory_space<vmem_shared>> -> memref<128x64xf32, #tpu.memory_space<vmem_shared>>
      tpu.wait_dma2 semaphore(%run_scoped3A : memref<!tpu.dma_semaphore, #tpu.memory_space<semaphore_mem>>) src(%arg11 : memref<128x64xf32, #tpu.memory_space<vmem>>) dst(%dma_wait3A_43 : memref<128x64xf32, #tpu.memory_space<vmem_shared>>)
      tpu.yield
    }) : () -> ()
    %add3A_8 = arith.constant 512 : i32
    %add3A_9 = arith.addi %mul3A_0, %add3A_8 : i32
    "tpu.region"() ({
      %run_scoped3A = tpu.sem_alloc : memref<!tpu.dma_semaphore, #tpu.memory_space<semaphore_mem>>
      %dma_start3A_37 = arith.constant 0 : i32
      %dma_start3A_38 = tpu.memref_slice %arg12[%add3A_9, %dma_start3A_37] : memref<10240x64xf32, #tpu.memory_space<vmem_shared>> -> memref<128x64xf32, #tpu.memory_space<vmem_shared>>
      %dma_start3A_39 = arith.constant 0 : i32
      %dma_start3A_40 = tpu.memref_slice %arg12[%add3A_9, %dma_start3A_39] : memref<10240x64xf32, #tpu.memory_space<vmem_shared>> -> memref<128x64xf32, #tpu.memory_space<vmem_shared>>
      tpu.enqueue_dma source(%arg11 : memref<128x64xf32, #tpu.memory_space<vmem>>) target(%dma_start3A_40 : memref<128x64xf32, #tpu.memory_space<vmem_shared>>) target_semaphore(%run_scoped3A : memref<!tpu.dma_semaphore, #tpu.memory_space<semaphore_mem>>)
      %dma_wait3A = arith.constant 0 : i32
      %dma_wait3A_41 = tpu.memref_slice %arg12[%add3A_9, %dma_wait3A] : memref<10240x64xf32, #tpu.memory_space<vmem_shared>> -> memref<128x64xf32, #tpu.memory_space<vmem_shared>>
      %dma_wait3A_42 = arith.constant 0 : i32
      %dma_wait3A_43 = tpu.memref_slice %arg12[%add3A_9, %dma_wait3A_42] : memref<10240x64xf32, #tpu.memory_space<vmem_shared>> -> memref<128x64xf32, #tpu.memory_space<vmem_shared>>
      tpu.wait_dma2 semaphore(%run_scoped3A : memref<!tpu.dma_semaphore, #tpu.memory_space<semaphore_mem>>) src(%arg11 : memref<128x64xf32, #tpu.memory_space<vmem>>) dst(%dma_wait3A_43 : memref<128x64xf32, #tpu.memory_space<vmem_shared>>)
      tpu.yield
    }) : () -> ()
    %barrier3A = arith.constant 0 : index
    tpu.barrier barrier_id(%barrier3A)
    %dma_start3A = arith.constant 0 : i32
    %dma_start3A_10 = arith.constant 0 : i32
    %dma_start3A_11 = tpu.memref_slice %arg7[%dma_start3A, %dma_start3A_10] : memref<161x128xi32, #tpu.memory_space<vmem>> -> memref<1x128xi32, #tpu.memory_space<vmem>>
    %dma_start3A_12 = tpu.memref_squeeze %dma_start3A_11 : memref<1x128xi32, #tpu.memory_space<vmem>> -> memref<128xi32, #tpu.memory_space<vmem>>
    %dma_start3A_13 = arith.constant 0 : i32
    %dma_start3A_14 = arith.constant 0 : i32
    %dma_start3A_15 = tpu.memref_slice %arg2[%arg0, %dma_start3A_13, %dma_start3A_14] : memref<2x10240x64xf32, #tpu.memory_space<hbm>> -> memref<1x10240x64xf32, #tpu.memory_space<hbm>>
    %dma_start3A_16 = tpu.memref_squeeze %dma_start3A_15 : memref<1x10240x64xf32, #tpu.memory_space<hbm>> -> memref<10240x64xf32, #tpu.memory_space<hbm>>
    %dma_start3A_17 = arith.constant 0 : i32
    %dma_start3A_18 = arith.constant 0 : i32
    %dma_start3A_19 = tpu.memref_slice %dma_start3A_16[%dma_start3A_17, %dma_start3A_18] : memref<10240x64xf32, #tpu.memory_space<hbm>> -> memref<10240x64xf32, #tpu.memory_space<hbm>>
    tpu.enqueue_indirect_dma source(%dma_start3A_19 : memref<10240x64xf32, #tpu.memory_space<hbm>>) target(%arg9 : memref<128x64xf32, #tpu.memory_space<vmem>>) offsets(%dma_start3A_12 : memref<128xi32, #tpu.memory_space<vmem>>) semaphore(%arg13 : memref<!tpu.dma_semaphore, #tpu.memory_space<semaphore_mem>>)
    %scan3A = arith.constant 0 : i32
    %scan3A_20 = arith.constant 0 : i32
    %scan3A_21 = arith.constant 80 : i32
    %scan3A_22 = arith.addi %scan3A_20, %scan3A_21 : i32
    %scan3A_23 = arith.constant 1 : i32
    %scan3A_24 = scf.for %scan3A_37 = %scan3A_20 to %scan3A_22 step %scan3A_23 iter_args(%scan3A_38 = %scan3A) -> (i32)  : i32 {
      %mul3A_39 = arith.constant 2 : i32
      %mul3A_40 = arith.muli %mul3A_39, %scan3A_37 : i32
      tpu.wait_dma2 semaphore(%arg13 : memref<!tpu.dma_semaphore, #tpu.memory_space<semaphore_mem>>) src(%arg5 : memref<128x64xf32, #tpu.memory_space<hbm>>) dst(%arg9 : memref<128x64xf32, #tpu.memory_space<vmem>>)
      %add3A_41 = arith.constant 1 : i32
      %add3A_42 = arith.addi %mul3A_40, %add3A_41 : i32
      %dma_start3A_43 = arith.constant 0 : i32
      %dma_start3A_44 = tpu.memref_slice %arg7[%add3A_42, %dma_start3A_43] : memref<161x128xi32, #tpu.memory_space<vmem>> -> memref<1x128xi32, #tpu.memory_space<vmem>>
      %dma_start3A_45 = tpu.memref_squeeze %dma_start3A_44 : memref<1x128xi32, #tpu.memory_space<vmem>> -> memref<128xi32, #tpu.memory_space<vmem>>
      %dma_start3A_46 = arith.constant 0 : i32
      %dma_start3A_47 = arith.constant 0 : i32
      %dma_start3A_48 = tpu.memref_slice %arg2[%arg0, %dma_start3A_46, %dma_start3A_47] : memref<2x10240x64xf32, #tpu.memory_space<hbm>> -> memref<1x10240x64xf32, #tpu.memory_space<hbm>>
      %dma_start3A_49 = tpu.memref_squeeze %dma_start3A_48 : memref<1x10240x64xf32, #tpu.memory_space<hbm>> -> memref<10240x64xf32, #tpu.memory_space<hbm>>
      %dma_start3A_50 = arith.constant 0 : i32
      %dma_start3A_51 = arith.constant 0 : i32
      %dma_start3A_52 = tpu.memref_slice %dma_start3A_49[%dma_start3A_50, %dma_start3A_51] : memref<10240x64xf32, #tpu.memory_space<hbm>> -> memref<10240x64xf32, #tpu.memory_space<hbm>>
      tpu.enqueue_indirect_dma source(%dma_start3A_52 : memref<10240x64xf32, #tpu.memory_space<hbm>>) target(%arg10 : memref<128x64xf32, #tpu.memory_space<vmem>>) offsets(%dma_start3A_45 : memref<128xi32, #tpu.memory_space<vmem>>) semaphore(%arg14 : memref<!tpu.dma_semaphore, #tpu.memory_space<semaphore_mem>>)
      "tpu.region"() ({
        %run_scoped3A = tpu.sem_alloc : memref<!tpu.dma_semaphore, #tpu.memory_space<semaphore_mem>>
        %dma_start3A_68 = arith.constant 0 : i32
        %dma_start3A_69 = tpu.memref_slice %arg8[%mul3A_40, %dma_start3A_68] : memref<160x128xi32, #tpu.memory_space<vmem>> -> memref<1x128xi32, #tpu.memory_space<vmem>>
        %dma_start3A_70 = tpu.memref_squeeze %dma_start3A_69 : memref<1x128xi32, #tpu.memory_space<vmem>> -> memref<128xi32, #tpu.memory_space<vmem>>
        %dma_start3A_71 = arith.constant 0 : i32
        %dma_start3A_72 = arith.constant 0 : i32
        %dma_start3A_73 = tpu.memref_slice %arg12[%dma_start3A_71, %dma_start3A_72] : memref<10240x64xf32, #tpu.memory_space<vmem_shared>> -> memref<10240x64xf32, #tpu.memory_space<vmem_shared>>
        tpu.enqueue_indirect_dma source(%arg9 : memref<128x64xf32, #tpu.memory_space<vmem>>) target(%dma_start3A_73 : memref<10240x64xf32, #tpu.memory_space<vmem_shared>>) offsets(%dma_start3A_70 : memref<128xi32, #tpu.memory_space<vmem>>) semaphore(%run_scoped3A : memref<!tpu.dma_semaphore, #tpu.memory_space<semaphore_mem>>) {add = true}
        %dma_wait3A = arith.constant 0 : i32
        %dma_wait3A_74 = tpu.memref_slice %arg8[%mul3A_40, %dma_wait3A] : memref<160x128xi32, #tpu.memory_space<vmem>> -> memref<1x128xi32, #tpu.memory_space<vmem>>
        %dma_wait3A_75 = tpu.memref_squeeze %dma_wait3A_74 : memref<1x128xi32, #tpu.memory_space<vmem>> -> memref<128xi32, #tpu.memory_space<vmem>>
        %dma_wait3A_76 = arith.constant 0 : i32
        %dma_wait3A_77 = arith.constant 0 : i32
        %dma_wait3A_78 = tpu.memref_slice %arg12[%dma_wait3A_76, %dma_wait3A_77] : memref<10240x64xf32, #tpu.memory_space<vmem_shared>> -> memref<10240x64xf32, #tpu.memory_space<vmem_shared>>
        tpu.wait_indirect_dma semaphore(%run_scoped3A : memref<!tpu.dma_semaphore, #tpu.memory_space<semaphore_mem>>) src(%arg9 : memref<128x64xf32, #tpu.memory_space<vmem>>) dst(%dma_wait3A_78 : memref<10240x64xf32, #tpu.memory_space<vmem_shared>>)
        tpu.yield
      }) : () -> ()
      tpu.wait_dma2 semaphore(%arg14 : memref<!tpu.dma_semaphore, #tpu.memory_space<semaphore_mem>>) src(%arg5 : memref<128x64xf32, #tpu.memory_space<hbm>>) dst(%arg10 : memref<128x64xf32, #tpu.memory_space<vmem>>)
      %add3A_53 = arith.constant 2 : i32
      %add3A_54 = arith.addi %mul3A_40, %add3A_53 : i32
      %dma_start3A_55 = arith.constant 0 : i32
      %dma_start3A_56 = tpu.memref_slice %arg7[%add3A_54, %dma_start3A_55] : memref<161x128xi32, #tpu.memory_space<vmem>> -> memref<1x128xi32, #tpu.memory_space<vmem>>
      %dma_start3A_57 = tpu.memref_squeeze %dma_start3A_56 : memref<1x128xi32, #tpu.memory_space<vmem>> -> memref<128xi32, #tpu.memory_space<vmem>>
      %dma_start3A_58 = arith.constant 0 : i32
      %dma_start3A_59 = arith.constant 0 : i32
      %dma_start3A_60 = tpu.memref_slice %arg2[%arg0, %dma_start3A_58, %dma_start3A_59] : memref<2x10240x64xf32, #tpu.memory_space<hbm>> -> memref<1x10240x64xf32, #tpu.memory_space<hbm>>
      %dma_start3A_61 = tpu.memref_squeeze %dma_start3A_60 : memref<1x10240x64xf32, #tpu.memory_space<hbm>> -> memref<10240x64xf32, #tpu.memory_space<hbm>>
      %dma_start3A_62 = arith.constant 0 : i32
      %dma_start3A_63 = arith.constant 0 : i32
      %dma_start3A_64 = tpu.memref_slice %dma_start3A_61[%dma_start3A_62, %dma_start3A_63] : memref<10240x64xf32, #tpu.memory_space<hbm>> -> memref<10240x64xf32, #tpu.memory_space<hbm>>
      tpu.enqueue_indirect_dma source(%dma_start3A_64 : memref<10240x64xf32, #tpu.memory_space<hbm>>) target(%arg9 : memref<128x64xf32, #tpu.memory_space<vmem>>) offsets(%dma_start3A_57 : memref<128xi32, #tpu.memory_space<vmem>>) semaphore(%arg13 : memref<!tpu.dma_semaphore, #tpu.memory_space<semaphore_mem>>)
      %add3A_65 = arith.constant 1 : i32
      %add3A_66 = arith.addi %mul3A_40, %add3A_65 : i32
      "tpu.region"() ({
        %run_scoped3A = tpu.sem_alloc : memref<!tpu.dma_semaphore, #tpu.memory_space<semaphore_mem>>
        %dma_start3A_68 = arith.constant 0 : i32
        %dma_start3A_69 = tpu.memref_slice %arg8[%add3A_66, %dma_start3A_68] : memref<160x128xi32, #tpu.memory_space<vmem>> -> memref<1x128xi32, #tpu.memory_space<vmem>>
        %dma_start3A_70 = tpu.memref_squeeze %dma_start3A_69 : memref<1x128xi32, #tpu.memory_space<vmem>> -> memref<128xi32, #tpu.memory_space<vmem>>
        %dma_start3A_71 = arith.constant 0 : i32
        %dma_start3A_72 = arith.constant 0 : i32
        %dma_start3A_73 = tpu.memref_slice %arg12[%dma_start3A_71, %dma_start3A_72] : memref<10240x64xf32, #tpu.memory_space<vmem_shared>> -> memref<10240x64xf32, #tpu.memory_space<vmem_shared>>
        tpu.enqueue_indirect_dma source(%arg10 : memref<128x64xf32, #tpu.memory_space<vmem>>) target(%dma_start3A_73 : memref<10240x64xf32, #tpu.memory_space<vmem_shared>>) offsets(%dma_start3A_70 : memref<128xi32, #tpu.memory_space<vmem>>) semaphore(%run_scoped3A : memref<!tpu.dma_semaphore, #tpu.memory_space<semaphore_mem>>) {add = true}
        %dma_wait3A = arith.constant 0 : i32
        %dma_wait3A_74 = tpu.memref_slice %arg8[%add3A_66, %dma_wait3A] : memref<160x128xi32, #tpu.memory_space<vmem>> -> memref<1x128xi32, #tpu.memory_space<vmem>>
        %dma_wait3A_75 = tpu.memref_squeeze %dma_wait3A_74 : memref<1x128xi32, #tpu.memory_space<vmem>> -> memref<128xi32, #tpu.memory_space<vmem>>
        %dma_wait3A_76 = arith.constant 0 : i32
        %dma_wait3A_77 = arith.constant 0 : i32
        %dma_wait3A_78 = tpu.memref_slice %arg12[%dma_wait3A_76, %dma_wait3A_77] : memref<10240x64xf32, #tpu.memory_space<vmem_shared>> -> memref<10240x64xf32, #tpu.memory_space<vmem_shared>>
        tpu.wait_indirect_dma semaphore(%run_scoped3A : memref<!tpu.dma_semaphore, #tpu.memory_space<semaphore_mem>>) src(%arg10 : memref<128x64xf32, #tpu.memory_space<vmem>>) dst(%dma_wait3A_78 : memref<10240x64xf32, #tpu.memory_space<vmem_shared>>)
        tpu.yield
      }) : () -> ()
      %scan3A_67 = arith.constant 0 : i32
      scf.yield %scan3A_67 : i32
    }
    %scan3A_25 = arith.constant 80 : i32
    tpu.wait_dma2 semaphore(%arg13 : memref<!tpu.dma_semaphore, #tpu.memory_space<semaphore_mem>>) src(%arg5 : memref<128x64xf32, #tpu.memory_space<hbm>>) dst(%arg9 : memref<128x64xf32, #tpu.memory_space<vmem>>)
    %barrier3A_26 = arith.constant 0 : index
    tpu.barrier barrier_id(%barrier3A_26)
    %add3A_27 = arith.constant 0 : i32
    %add3A_28 = arith.addi %mul3A_0, %add3A_27 : i32
    "tpu.region"() ({
      %run_scoped3A = tpu.sem_alloc : memref<!tpu.dma_semaphore, #tpu.memory_space<semaphore_mem>>
      %dma_start3A_37 = arith.constant 0 : i32
      %dma_start3A_38 = tpu.memref_slice %arg12[%add3A_28, %dma_start3A_37] : memref<10240x64xf32, #tpu.memory_space<vmem_shared>> -> memref<128x64xf32, #tpu.memory_space<vmem_shared>>
      %dma_start3A_39 = arith.constant 0 : i32
      %dma_start3A_40 = tpu.memref_slice %arg12[%add3A_28, %dma_start3A_39] : memref<10240x64xf32, #tpu.memory_space<vmem_shared>> -> memref<128x64xf32, #tpu.memory_space<vmem_shared>>
      tpu.enqueue_dma source(%dma_start3A_40 : memref<128x64xf32, #tpu.memory_space<vmem_shared>>) target(%arg11 : memref<128x64xf32, #tpu.memory_space<vmem>>) target_semaphore(%run_scoped3A : memref<!tpu.dma_semaphore, #tpu.memory_space<semaphore_mem>>)
      %dma_wait3A = arith.constant 0 : i32
      %dma_wait3A_41 = tpu.memref_slice %arg12[%add3A_28, %dma_wait3A] : memref<10240x64xf32, #tpu.memory_space<vmem_shared>> -> memref<128x64xf32, #tpu.memory_space<vmem_shared>>
      %dma_wait3A_42 = arith.constant 0 : i32
      %dma_wait3A_43 = tpu.memref_slice %arg12[%add3A_28, %dma_wait3A_42] : memref<10240x64xf32, #tpu.memory_space<vmem_shared>> -> memref<128x64xf32, #tpu.memory_space<vmem_shared>>
      tpu.wait_dma2 semaphore(%run_scoped3A : memref<!tpu.dma_semaphore, #tpu.memory_space<semaphore_mem>>) src(%dma_wait3A_43 : memref<128x64xf32, #tpu.memory_space<vmem_shared>>) dst(%arg11 : memref<128x64xf32, #tpu.memory_space<vmem>>)
      tpu.yield
    }) : () -> ()
    "tpu.region"() ({
      %run_scoped3A = tpu.sem_alloc : memref<!tpu.dma_semaphore, #tpu.memory_space<semaphore_mem>>
      %dma_start3A_37 = arith.constant 0 : i32
      %dma_start3A_38 = tpu.memref_slice %arg6[%arg0, %add3A_28, %dma_start3A_37] : memref<2x10240x64xf32, #tpu.memory_space<hbm>> -> memref<1x128x64xf32, #tpu.memory_space<hbm>>
      %dma_start3A_39 = tpu.memref_squeeze %dma_start3A_38 : memref<1x128x64xf32, #tpu.memory_space<hbm>> -> memref<128x64xf32, #tpu.memory_space<hbm>>
      %dma_start3A_40 = arith.constant 0 : i32
      %dma_start3A_41 = tpu.memref_slice %arg6[%arg0, %add3A_28, %dma_start3A_40] : memref<2x10240x64xf32, #tpu.memory_space<hbm>> -> memref<1x128x64xf32, #tpu.memory_space<hbm>>
      %dma_start3A_42 = tpu.memref_squeeze %dma_start3A_41 : memref<1x128x64xf32, #tpu.memory_space<hbm>> -> memref<128x64xf32, #tpu.memory_space<hbm>>
      tpu.enqueue_dma source(%arg11 : memref<128x64xf32, #tpu.memory_space<vmem>>) target(%dma_start3A_42 : memref<128x64xf32, #tpu.memory_space<hbm>>) target_semaphore(%run_scoped3A : memref<!tpu.dma_semaphore, #tpu.memory_space<semaphore_mem>>)
      %dma_wait3A = arith.constant 0 : i32
      %dma_wait3A_43 = tpu.memref_slice %arg6[%arg0, %add3A_28, %dma_wait3A] : memref<2x10240x64xf32, #tpu.memory_space<hbm>> -> memref<1x128x64xf32, #tpu.memory_space<hbm>>
      %dma_wait3A_44 = tpu.memref_squeeze %dma_wait3A_43 : memref<1x128x64xf32, #tpu.memory_space<hbm>> -> memref<128x64xf32, #tpu.memory_space<hbm>>
      %dma_wait3A_45 = arith.constant 0 : i32
      %dma_wait3A_46 = tpu.memref_slice %arg6[%arg0, %add3A_28, %dma_wait3A_45] : memref<2x10240x64xf32, #tpu.memory_space<hbm>> -> memref<1x128x64xf32, #tpu.memory_space<hbm>>
      %dma_wait3A_47 = tpu.memref_squeeze %dma_wait3A_46 : memref<1x128x64xf32, #tpu.memory_space<hbm>> -> memref<128x64xf32, #tpu.memory_space<hbm>>
      tpu.wait_dma2 semaphore(%run_scoped3A : memref<!tpu.dma_semaphore, #tpu.memory_space<semaphore_mem>>) src(%arg11 : memref<128x64xf32, #tpu.memory_space<vmem>>) dst(%dma_wait3A_47 : memref<128x64xf32, #tpu.memory_space<hbm>>)
      tpu.yield
    }) : () -> ()
    %add3A_29 = arith.constant 128 : i32
    %add3A_30 = arith.addi %mul3A_0, %add3A_29 : i32
    "tpu.region"() ({
      %run_scoped3A = tpu.sem_alloc : memref<!tpu.dma_semaphore, #tpu.memory_space<semaphore_mem>>
      %dma_start3A_37 = arith.constant 0 : i32
      %dma_start3A_38 = tpu.memref_slice %arg12[%add3A_30, %dma_start3A_37] : memref<10240x64xf32, #tpu.memory_space<vmem_shared>> -> memref<128x64xf32, #tpu.memory_space<vmem_shared>>
      %dma_start3A_39 = arith.constant 0 : i32
      %dma_start3A_40 = tpu.memref_slice %arg12[%add3A_30, %dma_start3A_39] : memref<10240x64xf32, #tpu.memory_space<vmem_shared>> -> memref<128x64xf32, #tpu.memory_space<vmem_shared>>
      tpu.enqueue_dma source(%dma_start3A_40 : memref<128x64xf32, #tpu.memory_space<vmem_shared>>) target(%arg11 : memref<128x64xf32, #tpu.memory_space<vmem>>) target_semaphore(%run_scoped3A : memref<!tpu.dma_semaphore, #tpu.memory_space<semaphore_mem>>)
      %dma_wait3A = arith.constant 0 : i32
      %dma_wait3A_41 = tpu.memref_slice %arg12[%add3A_30, %dma_wait3A] : memref<10240x64xf32, #tpu.memory_space<vmem_shared>> -> memref<128x64xf32, #tpu.memory_space<vmem_shared>>
      %dma_wait3A_42 = arith.constant 0 : i32
      %dma_wait3A_43 = tpu.memref_slice %arg12[%add3A_30, %dma_wait3A_42] : memref<10240x64xf32, #tpu.memory_space<vmem_shared>> -> memref<128x64xf32, #tpu.memory_space<vmem_shared>>
      tpu.wait_dma2 semaphore(%run_scoped3A : memref<!tpu.dma_semaphore, #tpu.memory_space<semaphore_mem>>) src(%dma_wait3A_43 : memref<128x64xf32, #tpu.memory_space<vmem_shared>>) dst(%arg11 : memref<128x64xf32, #tpu.memory_space<vmem>>)
      tpu.yield
    }) : () -> ()
    "tpu.region"() ({
      %run_scoped3A = tpu.sem_alloc : memref<!tpu.dma_semaphore, #tpu.memory_space<semaphore_mem>>
      %dma_start3A_37 = arith.constant 0 : i32
      %dma_start3A_38 = tpu.memref_slice %arg6[%arg0, %add3A_30, %dma_start3A_37] : memref<2x10240x64xf32, #tpu.memory_space<hbm>> -> memref<1x128x64xf32, #tpu.memory_space<hbm>>
      %dma_start3A_39 = tpu.memref_squeeze %dma_start3A_38 : memref<1x128x64xf32, #tpu.memory_space<hbm>> -> memref<128x64xf32, #tpu.memory_space<hbm>>
      %dma_start3A_40 = arith.constant 0 : i32
      %dma_start3A_41 = tpu.memref_slice %arg6[%arg0, %add3A_30, %dma_start3A_40] : memref<2x10240x64xf32, #tpu.memory_space<hbm>> -> memref<1x128x64xf32, #tpu.memory_space<hbm>>
      %dma_start3A_42 = tpu.memref_squeeze %dma_start3A_41 : memref<1x128x64xf32, #tpu.memory_space<hbm>> -> memref<128x64xf32, #tpu.memory_space<hbm>>
      tpu.enqueue_dma source(%arg11 : memref<128x64xf32, #tpu.memory_space<vmem>>) target(%dma_start3A_42 : memref<128x64xf32, #tpu.memory_space<hbm>>) target_semaphore(%run_scoped3A : memref<!tpu.dma_semaphore, #tpu.memory_space<semaphore_mem>>)
      %dma_wait3A = arith.constant 0 : i32
      %dma_wait3A_43 = tpu.memref_slice %arg6[%arg0, %add3A_30, %dma_wait3A] : memref<2x10240x64xf32, #tpu.memory_space<hbm>> -> memref<1x128x64xf32, #tpu.memory_space<hbm>>
      %dma_wait3A_44 = tpu.memref_squeeze %dma_wait3A_43 : memref<1x128x64xf32, #tpu.memory_space<hbm>> -> memref<128x64xf32, #tpu.memory_space<hbm>>
      %dma_wait3A_45 = arith.constant 0 : i32
      %dma_wait3A_46 = tpu.memref_slice %arg6[%arg0, %add3A_30, %dma_wait3A_45] : memref<2x10240x64xf32, #tpu.memory_space<hbm>> -> memref<1x128x64xf32, #tpu.memory_space<hbm>>
      %dma_wait3A_47 = tpu.memref_squeeze %dma_wait3A_46 : memref<1x128x64xf32, #tpu.memory_space<hbm>> -> memref<128x64xf32, #tpu.memory_space<hbm>>
      tpu.wait_dma2 semaphore(%run_scoped3A : memref<!tpu.dma_semaphore, #tpu.memory_space<semaphore_mem>>) src(%arg11 : memref<128x64xf32, #tpu.memory_space<vmem>>) dst(%dma_wait3A_47 : memref<128x64xf32, #tpu.memory_space<hbm>>)
      tpu.yield
    }) : () -> ()
    %add3A_31 = arith.constant 256 : i32
    %add3A_32 = arith.addi %mul3A_0, %add3A_31 : i32
    "tpu.region"() ({
      %run_scoped3A = tpu.sem_alloc : memref<!tpu.dma_semaphore, #tpu.memory_space<semaphore_mem>>
      %dma_start3A_37 = arith.constant 0 : i32
      %dma_start3A_38 = tpu.memref_slice %arg12[%add3A_32, %dma_start3A_37] : memref<10240x64xf32, #tpu.memory_space<vmem_shared>> -> memref<128x64xf32, #tpu.memory_space<vmem_shared>>
      %dma_start3A_39 = arith.constant 0 : i32
      %dma_start3A_40 = tpu.memref_slice %arg12[%add3A_32, %dma_start3A_39] : memref<10240x64xf32, #tpu.memory_space<vmem_shared>> -> memref<128x64xf32, #tpu.memory_space<vmem_shared>>
      tpu.enqueue_dma source(%dma_start3A_40 : memref<128x64xf32, #tpu.memory_space<vmem_shared>>) target(%arg11 : memref<128x64xf32, #tpu.memory_space<vmem>>) target_semaphore(%run_scoped3A : memref<!tpu.dma_semaphore, #tpu.memory_space<semaphore_mem>>)
      %dma_wait3A = arith.constant 0 : i32
      %dma_wait3A_41 = tpu.memref_slice %arg12[%add3A_32, %dma_wait3A] : memref<10240x64xf32, #tpu.memory_space<vmem_shared>> -> memref<128x64xf32, #tpu.memory_space<vmem_shared>>
      %dma_wait3A_42 = arith.constant 0 : i32
      %dma_wait3A_43 = tpu.memref_slice %arg12[%add3A_32, %dma_wait3A_42] : memref<10240x64xf32, #tpu.memory_space<vmem_shared>> -> memref<128x64xf32, #tpu.memory_space<vmem_shared>>
      tpu.wait_dma2 semaphore(%run_scoped3A : memref<!tpu.dma_semaphore, #tpu.memory_space<semaphore_mem>>) src(%dma_wait3A_43 : memref<128x64xf32, #tpu.memory_space<vmem_shared>>) dst(%arg11 : memref<128x64xf32, #tpu.memory_space<vmem>>)
      tpu.yield
    }) : () -> ()
    "tpu.region"() ({
      %run_scoped3A = tpu.sem_alloc : memref<!tpu.dma_semaphore, #tpu.memory_space<semaphore_mem>>
      %dma_start3A_37 = arith.constant 0 : i32
      %dma_start3A_38 = tpu.memref_slice %arg6[%arg0, %add3A_32, %dma_start3A_37] : memref<2x10240x64xf32, #tpu.memory_space<hbm>> -> memref<1x128x64xf32, #tpu.memory_space<hbm>>
      %dma_start3A_39 = tpu.memref_squeeze %dma_start3A_38 : memref<1x128x64xf32, #tpu.memory_space<hbm>> -> memref<128x64xf32, #tpu.memory_space<hbm>>
      %dma_start3A_40 = arith.constant 0 : i32
      %dma_start3A_41 = tpu.memref_slice %arg6[%arg0, %add3A_32, %dma_start3A_40] : memref<2x10240x64xf32, #tpu.memory_space<hbm>> -> memref<1x128x64xf32, #tpu.memory_space<hbm>>
      %dma_start3A_42 = tpu.memref_squeeze %dma_start3A_41 : memref<1x128x64xf32, #tpu.memory_space<hbm>> -> memref<128x64xf32, #tpu.memory_space<hbm>>
      tpu.enqueue_dma source(%arg11 : memref<128x64xf32, #tpu.memory_space<vmem>>) target(%dma_start3A_42 : memref<128x64xf32, #tpu.memory_space<hbm>>) target_semaphore(%run_scoped3A : memref<!tpu.dma_semaphore, #tpu.memory_space<semaphore_mem>>)
      %dma_wait3A = arith.constant 0 : i32
      %dma_wait3A_43 = tpu.memref_slice %arg6[%arg0, %add3A_32, %dma_wait3A] : memref<2x10240x64xf32, #tpu.memory_space<hbm>> -> memref<1x128x64xf32, #tpu.memory_space<hbm>>
      %dma_wait3A_44 = tpu.memref_squeeze %dma_wait3A_43 : memref<1x128x64xf32, #tpu.memory_space<hbm>> -> memref<128x64xf32, #tpu.memory_space<hbm>>
      %dma_wait3A_45 = arith.constant 0 : i32
      %dma_wait3A_46 = tpu.memref_slice %arg6[%arg0, %add3A_32, %dma_wait3A_45] : memref<2x10240x64xf32, #tpu.memory_space<hbm>> -> memref<1x128x64xf32, #tpu.memory_space<hbm>>
      %dma_wait3A_47 = tpu.memref_squeeze %dma_wait3A_46 : memref<1x128x64xf32, #tpu.memory_space<hbm>> -> memref<128x64xf32, #tpu.memory_space<hbm>>
      tpu.wait_dma2 semaphore(%run_scoped3A : memref<!tpu.dma_semaphore, #tpu.memory_space<semaphore_mem>>) src(%arg11 : memref<128x64xf32, #tpu.memory_space<vmem>>) dst(%dma_wait3A_47 : memref<128x64xf32, #tpu.memory_space<hbm>>)
      tpu.yield
    }) : () -> ()
    %add3A_33 = arith.constant 384 : i32
    %add3A_34 = arith.addi %mul3A_0, %add3A_33 : i32
    "tpu.region"() ({
      %run_scoped3A = tpu.sem_alloc : memref<!tpu.dma_semaphore, #tpu.memory_space<semaphore_mem>>
      %dma_start3A_37 = arith.constant 0 : i32
      %dma_start3A_38 = tpu.memref_slice %arg12[%add3A_34, %dma_start3A_37] : memref<10240x64xf32, #tpu.memory_space<vmem_shared>> -> memref<128x64xf32, #tpu.memory_space<vmem_shared>>
      %dma_start3A_39 = arith.constant 0 : i32
      %dma_start3A_40 = tpu.memref_slice %arg12[%add3A_34, %dma_start3A_39] : memref<10240x64xf32, #tpu.memory_space<vmem_shared>> -> memref<128x64xf32, #tpu.memory_space<vmem_shared>>
      tpu.enqueue_dma source(%dma_start3A_40 : memref<128x64xf32, #tpu.memory_space<vmem_shared>>) target(%arg11 : memref<128x64xf32, #tpu.memory_space<vmem>>) target_semaphore(%run_scoped3A : memref<!tpu.dma_semaphore, #tpu.memory_space<semaphore_mem>>)
      %dma_wait3A = arith.constant 0 : i32
      %dma_wait3A_41 = tpu.memref_slice %arg12[%add3A_34, %dma_wait3A] : memref<10240x64xf32, #tpu.memory_space<vmem_shared>> -> memref<128x64xf32, #tpu.memory_space<vmem_shared>>
      %dma_wait3A_42 = arith.constant 0 : i32
      %dma_wait3A_43 = tpu.memref_slice %arg12[%add3A_34, %dma_wait3A_42] : memref<10240x64xf32, #tpu.memory_space<vmem_shared>> -> memref<128x64xf32, #tpu.memory_space<vmem_shared>>
      tpu.wait_dma2 semaphore(%run_scoped3A : memref<!tpu.dma_semaphore, #tpu.memory_space<semaphore_mem>>) src(%dma_wait3A_43 : memref<128x64xf32, #tpu.memory_space<vmem_shared>>) dst(%arg11 : memref<128x64xf32, #tpu.memory_space<vmem>>)
      tpu.yield
    }) : () -> ()
    "tpu.region"() ({
      %run_scoped3A = tpu.sem_alloc : memref<!tpu.dma_semaphore, #tpu.memory_space<semaphore_mem>>
      %dma_start3A_37 = arith.constant 0 : i32
      %dma_start3A_38 = tpu.memref_slice %arg6[%arg0, %add3A_34, %dma_start3A_37] : memref<2x10240x64xf32, #tpu.memory_space<hbm>> -> memref<1x128x64xf32, #tpu.memory_space<hbm>>
      %dma_start3A_39 = tpu.memref_squeeze %dma_start3A_38 : memref<1x128x64xf32, #tpu.memory_space<hbm>> -> memref<128x64xf32, #tpu.memory_space<hbm>>
      %dma_start3A_40 = arith.constant 0 : i32
      %dma_start3A_41 = tpu.memref_slice %arg6[%arg0, %add3A_34, %dma_start3A_40] : memref<2x10240x64xf32, #tpu.memory_space<hbm>> -> memref<1x128x64xf32, #tpu.memory_space<hbm>>
      %dma_start3A_42 = tpu.memref_squeeze %dma_start3A_41 : memref<1x128x64xf32, #tpu.memory_space<hbm>> -> memref<128x64xf32, #tpu.memory_space<hbm>>
      tpu.enqueue_dma source(%arg11 : memref<128x64xf32, #tpu.memory_space<vmem>>) target(%dma_start3A_42 : memref<128x64xf32, #tpu.memory_space<hbm>>) target_semaphore(%run_scoped3A : memref<!tpu.dma_semaphore, #tpu.memory_space<semaphore_mem>>)
      %dma_wait3A = arith.constant 0 : i32
      %dma_wait3A_43 = tpu.memref_slice %arg6[%arg0, %add3A_34, %dma_wait3A] : memref<2x10240x64xf32, #tpu.memory_space<hbm>> -> memref<1x128x64xf32, #tpu.memory_space<hbm>>
      %dma_wait3A_44 = tpu.memref_squeeze %dma_wait3A_43 : memref<1x128x64xf32, #tpu.memory_space<hbm>> -> memref<128x64xf32, #tpu.memory_space<hbm>>
      %dma_wait3A_45 = arith.constant 0 : i32
      %dma_wait3A_46 = tpu.memref_slice %arg6[%arg0, %add3A_34, %dma_wait3A_45] : memref<2x10240x64xf32, #tpu.memory_space<hbm>> -> memref<1x128x64xf32, #tpu.memory_space<hbm>>
      %dma_wait3A_47 = tpu.memref_squeeze %dma_wait3A_46 : memref<1x128x64xf32, #tpu.memory_space<hbm>> -> memref<128x64xf32, #tpu.memory_space<hbm>>
      tpu.wait_dma2 semaphore(%run_scoped3A : memref<!tpu.dma_semaphore, #tpu.memory_space<semaphore_mem>>) src(%arg11 : memref<128x64xf32, #tpu.memory_space<vmem>>) dst(%dma_wait3A_47 : memref<128x64xf32, #tpu.memory_space<hbm>>)
      tpu.yield
    }) : () -> ()
    %add3A_35 = arith.constant 512 : i32
    %add3A_36 = arith.addi %mul3A_0, %add3A_35 : i32
    "tpu.region"() ({
      %run_scoped3A = tpu.sem_alloc : memref<!tpu.dma_semaphore, #tpu.memory_space<semaphore_mem>>
      %dma_start3A_37 = arith.constant 0 : i32
      %dma_start3A_38 = tpu.memref_slice %arg12[%add3A_36, %dma_start3A_37] : memref<10240x64xf32, #tpu.memory_space<vmem_shared>> -> memref<128x64xf32, #tpu.memory_space<vmem_shared>>
      %dma_start3A_39 = arith.constant 0 : i32
      %dma_start3A_40 = tpu.memref_slice %arg12[%add3A_36, %dma_start3A_39] : memref<10240x64xf32, #tpu.memory_space<vmem_shared>> -> memref<128x64xf32, #tpu.memory_space<vmem_shared>>
      tpu.enqueue_dma source(%dma_start3A_40 : memref<128x64xf32, #tpu.memory_space<vmem_shared>>) target(%arg11 : memref<128x64xf32, #tpu.memory_space<vmem>>) target_semaphore(%run_scoped3A : memref<!tpu.dma_semaphore, #tpu.memory_space<semaphore_mem>>)
      %dma_wait3A = arith.constant 0 : i32
      %dma_wait3A_41 = tpu.memref_slice %arg12[%add3A_36, %dma_wait3A] : memref<10240x64xf32, #tpu.memory_space<vmem_shared>> -> memref<128x64xf32, #tpu.memory_space<vmem_shared>>
      %dma_wait3A_42 = arith.constant 0 : i32
      %dma_wait3A_43 = tpu.memref_slice %arg12[%add3A_36, %dma_wait3A_42] : memref<10240x64xf32, #tpu.memory_space<vmem_shared>> -> memref<128x64xf32, #tpu.memory_space<vmem_shared>>
      tpu.wait_dma2 semaphore(%run_scoped3A : memref<!tpu.dma_semaphore, #tpu.memory_space<semaphore_mem>>) src(%dma_wait3A_43 : memref<128x64xf32, #tpu.memory_space<vmem_shared>>) dst(%arg11 : memref<128x64xf32, #tpu.memory_space<vmem>>)
      tpu.yield
    }) : () -> ()
    "tpu.region"() ({
      %run_scoped3A = tpu.sem_alloc : memref<!tpu.dma_semaphore, #tpu.memory_space<semaphore_mem>>
      %dma_start3A_37 = arith.constant 0 : i32
      %dma_start3A_38 = tpu.memref_slice %arg6[%arg0, %add3A_36, %dma_start3A_37] : memref<2x10240x64xf32, #tpu.memory_space<hbm>> -> memref<1x128x64xf32, #tpu.memory_space<hbm>>
      %dma_start3A_39 = tpu.memref_squeeze %dma_start3A_38 : memref<1x128x64xf32, #tpu.memory_space<hbm>> -> memref<128x64xf32, #tpu.memory_space<hbm>>
      %dma_start3A_40 = arith.constant 0 : i32
      %dma_start3A_41 = tpu.memref_slice %arg6[%arg0, %add3A_36, %dma_start3A_40] : memref<2x10240x64xf32, #tpu.memory_space<hbm>> -> memref<1x128x64xf32, #tpu.memory_space<hbm>>
      %dma_start3A_42 = tpu.memref_squeeze %dma_start3A_41 : memref<1x128x64xf32, #tpu.memory_space<hbm>> -> memref<128x64xf32, #tpu.memory_space<hbm>>
      tpu.enqueue_dma source(%arg11 : memref<128x64xf32, #tpu.memory_space<vmem>>) target(%dma_start3A_42 : memref<128x64xf32, #tpu.memory_space<hbm>>) target_semaphore(%run_scoped3A : memref<!tpu.dma_semaphore, #tpu.memory_space<semaphore_mem>>)
      %dma_wait3A = arith.constant 0 : i32
      %dma_wait3A_43 = tpu.memref_slice %arg6[%arg0, %add3A_36, %dma_wait3A] : memref<2x10240x64xf32, #tpu.memory_space<hbm>> -> memref<1x128x64xf32, #tpu.memory_space<hbm>>
      %dma_wait3A_44 = tpu.memref_squeeze %dma_wait3A_43 : memref<1x128x64xf32, #tpu.memory_space<hbm>> -> memref<128x64xf32, #tpu.memory_space<hbm>>
      %dma_wait3A_45 = arith.constant 0 : i32
      %dma_wait3A_46 = tpu.memref_slice %arg6[%arg0, %add3A_36, %dma_wait3A_45] : memref<2x10240x64xf32, #tpu.memory_space<hbm>> -> memref<1x128x64xf32, #tpu.memory_space<hbm>>
      %dma_wait3A_47 = tpu.memref_squeeze %dma_wait3A_46 : memref<1x128x64xf32, #tpu.memory_space<hbm>> -> memref<128x64xf32, #tpu.memory_space<hbm>>
      tpu.wait_dma2 semaphore(%run_scoped3A : memref<!tpu.dma_semaphore, #tpu.memory_space<semaphore_mem>>) src(%arg11 : memref<128x64xf32, #tpu.memory_space<vmem>>) dst(%dma_wait3A_47 : memref<128x64xf32, #tpu.memory_space<hbm>>)
      tpu.yield
    }) : () -> ()
    return
  }
}

module attributes {stable_mosaic.version = 14 : i64} {
  func.func @_scale_body(%arg0: i32, %arg1: i32, %arg2: memref<1x1280x64xf32, #tpu.memory_space<vmem>>, %arg3: memref<1280x64xf32, #tpu.memory_space<vmem>>, %arg4: memref<1x1280x64xf32, #tpu.memory_space<vmem>>) attributes {dimension_semantics = [#tpu.dimension_semantics<arbitrary>, #tpu.dimension_semantics<arbitrary>], iteration_bounds = array<i64: 8, 2>, scalar_prefetch = 0 : i64, scratch_operands = 0 : i64, tpu.core_type = #tpu.core_type<tc>, window_params = [{transform_indices = @transform_0, window_bounds = array<i64: 1, 1280, 64>}, {transform_indices = @transform_1, window_bounds = array<i64: 1280, 64>}, {transform_indices = @transform_2, window_bounds = array<i64: 1, 1280, 64>}]} {
    %get3A = arith.constant 0 : index
    %get3A_0 = arith.constant 0 : index
    %get3A_1 = vector.load %arg3[%get3A, %get3A_0] : memref<1280x64xf32, #tpu.memory_space<vmem>>, vector<1280x1xf32>
    %get3A_2 = vector.shape_cast %get3A_1 : vector<1280x1xf32> to vector<1280xf32>
    %gt3A = arith.constant 0.000000e+00 : f32
    %gt3A_3 = vector.broadcast %gt3A : f32 to vector<1280xf32>
    %gt3A_4 = arith.cmpf ogt, %get3A_2, %gt3A_3 : vector<1280xf32>
    %max3A = arith.constant 1.000000e-30 : f32
    %max3A_5 = vector.broadcast %max3A : f32 to vector<1280xf32>
    %max3A_6 = arith.maximumf %get3A_2, %max3A_5 : vector<1280xf32>
    %rsqrt3A = math.rsqrt %max3A_6 : vector<1280xf32>
    %jit3A = arith.constant 0.000000e+00 : f32
    %broadcast_in_dim3A = vector.broadcast %jit3A : f32 to vector<1280xf32>
    %select_n3A = arith.select %gt3A_4, %rsqrt3A, %broadcast_in_dim3A : vector<1280xi1>, vector<1280xf32>
    %get3A_7 = arith.constant 0 : index
    %get3A_8 = arith.constant 0 : index
    %get3A_9 = arith.constant 0 : index
    %get3A_10 = vector.load %arg2[%get3A_7, %get3A_8, %get3A_9] : memref<1x1280x64xf32, #tpu.memory_space<vmem>>, vector<1x1280x64xf32>
    %get3A_11 = vector.shape_cast %get3A_10 : vector<1x1280x64xf32> to vector<1280x64xf32>
    %broadcast_in_dim3A_12 = vector.shape_cast %select_n3A : vector<1280xf32> to vector<1280x1xf32>
    %mul3A = vector.broadcast %broadcast_in_dim3A_12 : vector<1280x1xf32> to vector<1280x64xf32>
    %mul3A_13 = arith.mulf %get3A_11, %mul3A : vector<1280x64xf32>
    %broadcast_in_dim3A_14 = vector.shape_cast %mul3A_13 : vector<1280x64xf32> to vector<1x1280x64xf32>
    %swap3A = arith.constant 0 : index
    %swap3A_15 = arith.constant 0 : index
    %swap3A_16 = arith.constant 0 : index
    %swap3A_17 = vector.load %arg4[%swap3A, %swap3A_15, %swap3A_16] : memref<1x1280x64xf32, #tpu.memory_space<vmem>>, vector<1x1280x64xf32>
    tpu.vector_store %arg4[%swap3A, %swap3A_15, %swap3A_16], %broadcast_in_dim3A_14 {strides = array<i32>} : memref<1x1280x64xf32, #tpu.memory_space<vmem>>, vector<1x1280x64xf32>,
    return
  }
  func.func @transform_0(%arg0: i32, %arg1: i32) -> (i32, i32, i32) {
    %c0_i32 = arith.constant 0 : i32
    %c0_i32_0 = arith.constant 0 : i32
    return %arg1, %arg0, %c0_i32 : i32, i32, i32
  }
  func.func @transform_1(%arg0: i32, %arg1: i32) -> (i32, i32) {
    %c0_i32 = arith.constant 0 : i32
    %c0_i32_0 = arith.constant 0 : i32
    return %arg0, %c0_i32 : i32, i32
  }
  func.func @transform_2(%arg0: i32, %arg1: i32) -> (i32, i32, i32) {
    %c0_i32 = arith.constant 0 : i32
    %c0_i32_0 = arith.constant 0 : i32
    return %arg1, %arg0, %c0_i32 : i32, i32, i32
  }
}

module attributes {stable_mosaic.version = 14 : i64} {
  func.func @_dense_mid_body(%arg0: i32, %arg1: i32, %arg2: memref<1280x64xf32, #tpu.memory_space<vmem>>, %arg3: memref<1280x64xf32, #tpu.memory_space<vmem>>, %arg4: memref<1280x64xf32, #tpu.memory_space<vmem>>, %arg5: memref<1280x64xf32, #tpu.memory_space<vmem>>, %arg6: memref<1x128x64xf32, #tpu.memory_space<vmem>>, %arg7: memref<1x1x64xf32, #tpu.memory_space<vmem>>, %arg8: memref<1x1280x64xf32, #tpu.memory_space<vmem>>) attributes {dimension_semantics = [#tpu.dimension_semantics<arbitrary>, #tpu.dimension_semantics<arbitrary>], iteration_bounds = array<i64: 8, 2>, scalar_prefetch = 0 : i64, scratch_operands = 0 : i64, tpu.core_type = #tpu.core_type<tc>, window_params = [{transform_indices = @transform_0, window_bounds = array<i64: 1280, 64>}, {transform_indices = @transform_1, window_bounds = array<i64: 1280, 64>}, {transform_indices = @transform_2, window_bounds = array<i64: 1280, 64>}, {transform_indices = @transform_3, window_bounds = array<i64: 1280, 64>}, {transform_indices = @transform_4, window_bounds = array<i64: 1, 128, 64>}, {transform_indices = @transform_5, window_bounds = array<i64: 1, 1, 64>}, {transform_indices = @transform_6, window_bounds = array<i64: 1, 1280, 64>}]} {
    %get3A = arith.constant 0 : index
    %get3A_0 = arith.constant 0 : index
    %get3A_1 = vector.load %arg5[%get3A, %get3A_0] : memref<1280x64xf32, #tpu.memory_space<vmem>>, vector<1280x1xf32>
    %get3A_2 = vector.shape_cast %get3A_1 : vector<1280x1xf32> to vector<1280xf32>
    %gt3A = arith.constant 0.000000e+00 : f32
    %gt3A_3 = vector.broadcast %gt3A : f32 to vector<1280xf32>
    %gt3A_4 = arith.cmpf ogt, %get3A_2, %gt3A_3 : vector<1280xf32>
    %max3A = arith.constant 1.000000e-30 : f32
    %max3A_5 = vector.broadcast %max3A : f32 to vector<1280xf32>
    %max3A_6 = arith.maximumf %get3A_2, %max3A_5 : vector<1280xf32>
    %rsqrt3A = math.rsqrt %max3A_6 : vector<1280xf32>
    %jit3A = arith.constant 0.000000e+00 : f32
    %broadcast_in_dim3A = vector.broadcast %jit3A : f32 to vector<1280xf32>
    %select_n3A = arith.select %gt3A_4, %rsqrt3A, %broadcast_in_dim3A : vector<1280xi1>, vector<1280xf32>
    %get3A_7 = arith.constant 0 : index
    %get3A_8 = arith.constant 0 : index
    %get3A_9 = vector.load %arg2[%get3A_7, %get3A_8] : memref<1280x64xf32, #tpu.memory_space<vmem>>, vector<1280x64xf32>
    %get3A_10 = arith.constant 0 : index
    %get3A_11 = arith.constant 0 : index
    %get3A_12 = vector.load %arg3[%get3A_10, %get3A_11] : memref<1280x64xf32, #tpu.memory_space<vmem>>, vector<1280x64xf32>
    %concatenate3A = tpu.concatenate %get3A_9, %get3A_12 in 1 : vector<1280x64xf32>, vector<1280x64xf32> -> vector<1280x128xf32>
    %broadcast_in_dim3A_13 = vector.shape_cast %select_n3A : vector<1280xf32> to vector<1280x1xf32>
    %mul3A = vector.broadcast %broadcast_in_dim3A_13 : vector<1280x1xf32> to vector<1280x128xf32>
    %mul3A_14 = arith.mulf %concatenate3A, %mul3A : vector<1280x128xf32>
    %get3A_15 = arith.constant 0 : index
    %get3A_16 = arith.constant 0 : index
    %get3A_17 = arith.constant 0 : index
    %get3A_18 = vector.load %arg6[%get3A_15, %get3A_16, %get3A_17] : memref<1x128x64xf32, #tpu.memory_space<vmem>>, vector<1x128x64xf32>
    %get3A_19 = vector.shape_cast %get3A_18 : vector<1x128x64xf32> to vector<128x64xf32>
    %dot_general3A = arith.constant dense<0.000000e+00> : vector<1280x64xf32>
    %dot_general3A_20 = tpu.matmul %mul3A_14, %get3A_19, %dot_general3A {dimension_numbers = #tpu.dot_dimension_numbers<[1], [0], [0], [1], [0, 0, 1, 1], [], []>, transpose_lhs_hint = false} : vector<1280x128xf32>, vector<128x64xf32>, vector<1280x64xf32> -> vector<1280x64xf32>
    %get3A_21 = arith.constant 0 : index
    %get3A_22 = arith.constant 0 : index
    %get3A_23 = arith.constant 0 : index
    %get3A_24 = vector.load %arg7[%get3A_21, %get3A_22, %get3A_23] : memref<1x1x64xf32, #tpu.memory_space<vmem>>, vector<1x1x64xf32>
    %get3A_25 = vector.shape_cast %get3A_24 : vector<1x1x64xf32> to vector<1x64xf32>
    %add3A = vector.broadcast %get3A_25 : vector<1x64xf32> to vector<1280x64xf32>
    %add3A_26 = arith.addf %dot_general3A_20, %add3A : vector<1280x64xf32>
    %max3A_27 = arith.constant 0.000000e+00 : f32
    %max3A_28 = vector.broadcast %max3A_27 : f32 to vector<1280x64xf32>
    %max3A_29 = arith.maximumf %add3A_26, %max3A_28 : vector<1280x64xf32>
    %get3A_30 = arith.constant 0 : index
    %get3A_31 = arith.constant 0 : index
    %get3A_32 = vector.load %arg4[%get3A_30, %get3A_31] : memref<1280x64xf32, #tpu.memory_space<vmem>>, vector<1280x1xf32>
    %get3A_33 = vector.shape_cast %get3A_32 : vector<1280x1xf32> to vector<1280xf32>
    %gt3A_34 = arith.constant 0.000000e+00 : f32
    %gt3A_35 = vector.broadcast %gt3A_34 : f32 to vector<1280xf32>
    %gt3A_36 = arith.cmpf ogt, %get3A_33, %gt3A_35 : vector<1280xf32>
    %max3A_37 = arith.constant 1.000000e-30 : f32
    %max3A_38 = vector.broadcast %max3A_37 : f32 to vector<1280xf32>
    %max3A_39 = arith.maximumf %get3A_33, %max3A_38 : vector<1280xf32>
    %rsqrt3A_40 = math.rsqrt %max3A_39 : vector<1280xf32>
    %jit3A_41 = arith.constant 0.000000e+00 : f32
    %broadcast_in_dim3A_42 = vector.broadcast %jit3A_41 : f32 to vector<1280xf32>
    %select_n3A_43 = arith.select %gt3A_36, %rsqrt3A_40, %broadcast_in_dim3A_42 : vector<1280xi1>, vector<1280xf32>
    %broadcast_in_dim3A_44 = vector.shape_cast %select_n3A_43 : vector<1280xf32> to vector<1280x1xf32>
    %mul3A_45 = vector.broadcast %broadcast_in_dim3A_44 : vector<1280x1xf32> to vector<1280x64xf32>
    %mul3A_46 = arith.mulf %max3A_29, %mul3A_45 : vector<1280x64xf32>
    %broadcast_in_dim3A_47 = vector.shape_cast %mul3A_46 : vector<1280x64xf32> to vector<1x1280x64xf32>
    %swap3A = arith.constant 0 : index
    %swap3A_48 = arith.constant 0 : index
    %swap3A_49 = arith.constant 0 : index
    %swap3A_50 = vector.load %arg8[%swap3A, %swap3A_48, %swap3A_49] : memref<1x1280x64xf32, #tpu.memory_space<vmem>>, vector<1x1280x64xf32>
    tpu.vector_store %arg8[%swap3A, %swap3A_48, %swap3A_49], %broadcast_in_dim3A_47 {strides = array<i32>} : memref<1x1280x64xf32, #tpu.memory_space<vmem>>, vector<1x1280x64xf32>,
    return
  }
  func.func @transform_0(%arg0: i32, %arg1: i32) -> (i32, i32) {
    %c0_i32 = arith.constant 0 : i32
    %c0_i32_0 = arith.constant 0 : i32
    return %arg0, %c0_i32 : i32, i32
  }
  func.func @transform_1(%arg0: i32, %arg1: i32) -> (i32, i32) {
    %c0_i32 = arith.constant 0 : i32
    %c0_i32_0 = arith.constant 0 : i32
    return %arg0, %c0_i32 : i32, i32
  }
  func.func @transform_2(%arg0: i32, %arg1: i32) -> (i32, i32) {
    %c0_i32 = arith.constant 0 : i32
    %c0_i32_0 = arith.constant 0 : i32
    return %arg0, %c0_i32 : i32, i32
  }
  func.func @transform_3(%arg0: i32, %arg1: i32) -> (i32, i32) {
    %c0_i32 = arith.constant 0 : i32
    %c0_i32_0 = arith.constant 0 : i32
    return %arg0, %c0_i32 : i32, i32
  }
  func.func @transform_4(%arg0: i32, %arg1: i32) -> (i32, i32, i32) {
    %c0_i32 = arith.constant 0 : i32
    %c0_i32_0 = arith.constant 0 : i32
    %c0_i32_1 = arith.constant 0 : i32
    return %arg1, %c0_i32, %c0_i32_0 : i32, i32, i32
  }
  func.func @transform_5(%arg0: i32, %arg1: i32) -> (i32, i32, i32) {
    %c0_i32 = arith.constant 0 : i32
    %c0_i32_0 = arith.constant 0 : i32
    %c0_i32_1 = arith.constant 0 : i32
    return %arg1, %c0_i32, %c0_i32_0 : i32, i32, i32
  }
  func.func @transform_6(%arg0: i32, %arg1: i32) -> (i32, i32, i32) {
    %c0_i32 = arith.constant 0 : i32
    %c0_i32_0 = arith.constant 0 : i32
    return %arg1, %arg0, %c0_i32 : i32, i32, i32
  }
}

module attributes {stable_mosaic.version = 14 : i64} {
  func.func @_dense_last_body(%arg0: i32, %arg1: memref<1280x64xf32, #tpu.memory_space<vmem>>, %arg2: memref<1280x64xf32, #tpu.memory_space<vmem>>, %arg3: memref<1280x64xf32, #tpu.memory_space<vmem>>, %arg4: memref<128x128xf32, #tpu.memory_space<vmem>>, %arg5: memref<1x128xf32, #tpu.memory_space<vmem>>, %arg6: memref<1280x128xf32, #tpu.memory_space<vmem>>) attributes {dimension_semantics = [#tpu.dimension_semantics<arbitrary>], iteration_bounds = array<i64: 8>, scalar_prefetch = 0 : i64, scratch_operands = 0 : i64, tpu.core_type = #tpu.core_type<tc>, window_params = [{transform_indices = @transform_0, window_bounds = array<i64: 1280, 64>}, {transform_indices = @transform_1, window_bounds = array<i64: 1280, 64>}, {transform_indices = @transform_2, window_bounds = array<i64: 1280, 64>}, {pipeline_mode = #tpu.pipeline_mode<synchronous>, transform_indices = @transform_3, window_bounds = array<i64: 128, 128>}, {pipeline_mode = #tpu.pipeline_mode<synchronous>, transform_indices = @transform_4, window_bounds = array<i64: 1, 128>}, {transform_indices = @transform_5, window_bounds = array<i64: 1280, 128>}]} {
    %get3A = arith.constant 0 : index
    %get3A_0 = arith.constant 0 : index
    %get3A_1 = vector.load %arg3[%get3A, %get3A_0] : memref<1280x64xf32, #tpu.memory_space<vmem>>, vector<1280x1xf32>
    %get3A_2 = vector.shape_cast %get3A_1 : vector<1280x1xf32> to vector<1280xf32>
    %gt3A = arith.constant 0.000000e+00 : f32
    %gt3A_3 = vector.broadcast %gt3A : f32 to vector<1280xf32>
    %gt3A_4 = arith.cmpf ogt, %get3A_2, %gt3A_3 : vector<1280xf32>
    %max3A = arith.constant 1.000000e-30 : f32
    %max3A_5 = vector.broadcast %max3A : f32 to vector<1280xf32>
    %max3A_6 = arith.maximumf %get3A_2, %max3A_5 : vector<1280xf32>
    %rsqrt3A = math.rsqrt %max3A_6 : vector<1280xf32>
    %jit3A = arith.constant 0.000000e+00 : f32
    %broadcast_in_dim3A = vector.broadcast %jit3A : f32 to vector<1280xf32>
    %select_n3A = arith.select %gt3A_4, %rsqrt3A, %broadcast_in_dim3A : vector<1280xi1>, vector<1280xf32>
    %get3A_7 = arith.constant 0 : index
    %get3A_8 = arith.constant 0 : index
    %get3A_9 = vector.load %arg1[%get3A_7, %get3A_8] : memref<1280x64xf32, #tpu.memory_space<vmem>>, vector<1280x64xf32>
    %get3A_10 = arith.constant 0 : index
    %get3A_11 = arith.constant 0 : index
    %get3A_12 = vector.load %arg2[%get3A_10, %get3A_11] : memref<1280x64xf32, #tpu.memory_space<vmem>>, vector<1280x64xf32>
    %concatenate3A = tpu.concatenate %get3A_9, %get3A_12 in 1 : vector<1280x64xf32>, vector<1280x64xf32> -> vector<1280x128xf32>
    %broadcast_in_dim3A_13 = vector.shape_cast %select_n3A : vector<1280xf32> to vector<1280x1xf32>
    %mul3A = vector.broadcast %broadcast_in_dim3A_13 : vector<1280x1xf32> to vector<1280x128xf32>
    %mul3A_14 = arith.mulf %concatenate3A, %mul3A : vector<1280x128xf32>
    %get3A_15 = arith.constant 0 : index
    %get3A_16 = arith.constant 0 : index
    %get3A_17 = vector.load %arg4[%get3A_15, %get3A_16] : memref<128x128xf32, #tpu.memory_space<vmem>>, vector<128x128xf32>
    %dot_general3A = arith.constant dense<0.000000e+00> : vector<1280x128xf32>
    %dot_general3A_18 = tpu.matmul %mul3A_14, %get3A_17, %dot_general3A {dimension_numbers = #tpu.dot_dimension_numbers<[1], [0], [0], [1], [0, 0, 1, 1], [], []>, transpose_lhs_hint = false} : vector<1280x128xf32>, vector<128x128xf32>, vector<1280x128xf32> -> vector<1280x128xf32>
    %get3A_19 = arith.constant 0 : index
    %get3A_20 = arith.constant 0 : index
    %get3A_21 = vector.load %arg5[%get3A_19, %get3A_20] : memref<1x128xf32, #tpu.memory_space<vmem>>, vector<1x128xf32>
    %add3A = vector.broadcast %get3A_21 : vector<1x128xf32> to vector<1280x128xf32>
    %add3A_22 = arith.addf %dot_general3A_18, %add3A : vector<1280x128xf32>
    %max3A_23 = arith.constant 0.000000e+00 : f32
    %max3A_24 = vector.broadcast %max3A_23 : f32 to vector<1280x128xf32>
    %max3A_25 = arith.maximumf %add3A_22, %max3A_24 : vector<1280x128xf32>
    %swap3A = arith.constant 0 : index
    %swap3A_26 = arith.constant 0 : index
    %swap3A_27 = vector.load %arg6[%swap3A, %swap3A_26] : memref<1280x128xf32, #tpu.memory_space<vmem>>, vector<1280x128xf32>
    tpu.vector_store %arg6[%swap3A, %swap3A_26], %max3A_25 {strides = array<i32>} : memref<1280x128xf32, #tpu.memory_space<vmem>>, vector<1280x128xf32>,
    return
  }
  func.func @transform_0(%arg0: i32) -> (i32, i32) {
    %c0_i32 = arith.constant 0 : i32
    %c0_i32_0 = arith.constant 0 : i32
    return %arg0, %c0_i32 : i32, i32
  }
  func.func @transform_1(%arg0: i32) -> (i32, i32) {
    %c0_i32 = arith.constant 0 : i32
    %c0_i32_0 = arith.constant 0 : i32
    return %arg0, %c0_i32 : i32, i32
  }
  func.func @transform_2(%arg0: i32) -> (i32, i32) {
    %c0_i32 = arith.constant 0 : i32
    %c0_i32_0 = arith.constant 0 : i32
    return %arg0, %c0_i32 : i32, i32
  }
  func.func @transform_3(%arg0: i32) -> (i32, i32) {
    %c0_i32 = arith.constant 0 : i32
    %c0_i32_0 = arith.constant 0 : i32
    %c0_i32_1 = arith.constant 0 : i32
    return %c0_i32, %c0_i32_0 : i32, i32
  }
  func.func @transform_4(%arg0: i32) -> (i32, i32) {
    %c0_i32 = arith.constant 0 : i32
    %c0_i32_0 = arith.constant 0 : i32
    %c0_i32_1 = arith.constant 0 : i32
    return %c0_i32, %c0_i32_0 : i32, i32
  }
  func.func @transform_5(%arg0: i32) -> (i32, i32) {
    %c0_i32 = arith.constant 0 : i32
    %c0_i32_0 = arith.constant 0 : i32
    return %arg0, %c0_i32 : i32, i32
  }
}

</mosaic_0001>

<sc_bundles>
// kernel: kernel.10.cloned.1.call-start
scs
__scs_entry_jumppad:
0x0: {  	(pc) =	sbr.rel $0x88, $3  }
0x1: {  	(tag) =	ssettag $0x0;
	lr =	simm.s32 $0x1  }
0x2: {  	[smem:$0x3F99] =	sst lr;
	_ =	strace $0xD0000000  }
0x3: {  	_ = 	snop  }
0x4: {  	_ = 	snop  }
0x5: {  	_ = 	snop  }
0x6: {  	_ = 	snop  }
0x7: {  	_ = 	snop  }
__scs_overlays_trampoline_lowered:
0x8: {  	[smem:$0x3FA8] =	sst s0  }
0x9: {  	[smem:$0x3FA9] =	sst s1  }
0xa: {  	[smem:$0x3FAA] =	sst s2  }
0xb: {  	[smem:$0x3FAB] =	sst s3  }
0xc: {  	[smem:$0x3FAC] =	sst s4  }
0xd: {  	[smem:$0x3FAD] =	sst s5  }
0xe: {  	[smem:$0x3FAE] =	sst s6  }
0xf: {  	[smem:$0x3FAF] =	sst s7  }
0x10: {  	[smem:$0x3FB0] =	sst s8  }
0x11: {  	[smem:$0x3FB1] =	sst s9;
	s0 =	simm.s32 @!p0 $0x0  }
0x12: {  	s1 =	sld [smem:$0x3F97];
	s0 =	simm.s32 @p0 $0x1  }
0x13: {  	[smem:$0x3FB2] =	sst s0;
	s0 =	simm.s32 @!p1 $0x0  }
0x14: {  	s2 =	sld [smem:$0x3F96];
	s0 =	simm.s32 @p1 $0x1  }
0x15: {  	[smem:$0x3FB3] =	sst s0;
	s0 =	simm.s32 @!p2 $0x0  }
0x16: {  	s3 =	sld [smem:$0x3FDB];
	s0 =	simm.s32 @p2 $0x1  }
0x17: {  	s4 =	simm.s32 $0x1BF5;
	[smem:$0x3FB5] =	sst s0  }
0x18: {  	s0 =	sld [smem:$0x3F98];
	_ =	swait.ge [sflag:s4], $0x0  }
0x19: {  	s7 =	sld [smem:$0x3F99]  }
0x1a: {  	s8 =	sadd.s32 $0xFFFFE003, lr  }
0x1b: {  	s9 =	sadd.s32 $0xFFFFFEF7, lr;
	s5 =	simm.s32 $0xFFFFFFFF;
	p2 =	slt.u32 s8, $0xFFFFF086  }
0x1c: {  	p1 =	slt.u32 s9, $0xF7A;
	s5 =	simm.s32 @!p2 $0x0  }
0x1d: {  	s5 =	simm.s32 @p1 $0x1;
	p0 =	seq.s32 s7, s2  }
0x1e: {  	s7 =	smul.u32 @!p0 $0xF7A, s2;
	p2 =	seq.s32 @!p0 s5, $0x0  }
0x1f: {  	s9 =	smul.u32 $0xF7A, s1;
	s8 =	simm.s32 @!p0 $0x1BF5;
	p2 =	por !p2, p0  }
0x20: {  	[sflag:s8] =	ssyncset.s32 @!p0 $0xFFFFF086;
	s6 =	sadd.s32 @!p0 s3, s7;
	s7 =	simm.s32 @!p0 $0x108  }
0x21: {  	s3 =	sadd.s32 s3, s9;
	s6 =	sadd.s32 @!p0 $0x88, s6;
	s7 =	simm.s32 @p2 $0x1082  }
0x22: {  	[simem:s7], [sflag:s8] =	dma.local @!p0 [hbm:s6], $0xF7A  }
0x23: {  	s9 =	sor.u32 $0xD0000000, s2;
	s6 =	simm.s32 $0x108;
	_ =	swait.ge @!p0 [sflag:s8], $0x0  }
0x24: {  	s3 =	sadd.s32 $0x88, s3;
	s6 =	simm.s32 @!p1 $0x1082;
	[sflag:s4] =	ssyncset.s32 $0xFFFFF086  }
0x25: {  	[simem:s6], [sflag:s4] =	dma.local [hbm:s3], $0xF7A  }
0x26: {  	[smem:$0x3F99] =	sst s1;
	(tag) =	ssettag s2;
	_ =	strace s9  }
0x27: {  	s1 =	sld [smem:$0x3FA9]  }
0x28: {  	s2 =	sld [smem:$0x3FAA]  }
0x29: {  	s4 =	sld [smem:$0x3FAC]  }
0x2a: {  	p0 =	seq.s32 s5, $0x0;
	s5 =	sld [smem:$0x3FAD]  }
0x2b: {  	s6 =	sld [smem:$0x3FAE]  }
0x2c: {  	s7 =	sld [smem:$0x3FAF]  }
0x2d: {  	s3 =	simm.s32 $0x108;
	s8 =	sld [smem:$0x3FB0]  }
0x2e: {  	s3 =	simm.s32 @!p0 $0x1082;
	s9 =	sld [smem:$0x3FB1]  }
0x2f: {  	lr =	sadd.s32 s0, s3;
	s0 =	sld [smem:$0x3FA8]  }
0x30: {  	s3 =	sld [smem:$0x3FAB]  }
0x31: {  	[smem:$0x3FB4] =	sst s10  }
0x32: {  	s10 =	sld [smem:$0x3FB2];
	_ =	sdelay $0x3  }
0x33: {  	p0 =	seq.s32 s10, $0x1;
	s10 =	sld [smem:$0x3FB4];
	_ =	sdelay $0x3  }
0x34: {  	[smem:$0x3FB4] =	sst s10  }
0x35: {  	s10 =	sld [smem:$0x3FB3];
	_ =	sdelay $0x3  }
0x36: {  	p1 =	seq.s32 s10, $0x1;
	s10 =	sld [smem:$0x3FB4];
	_ =	sdelay $0x3  }
0x37: {  	[smem:$0x3FB4] =	sst s10  }
0x38: {  	s10 =	sld [smem:$0x3FB5]  }
0x39: {  	_ = 	snop;
	(pc) =	sbr.ind lr, $3  }
0x3a: {  	_ = 	snop  }
0x3b: {  	_ = 	snop  }
0x3c: {  	p2 =	seq.s32 s10, $0x1;
	s10 =	sld [smem:$0x3FB4]  }
0x3d: {  	_ =	shalt  }
0x3e: {  	_ =	shalt  }
0x3f: {  	_ =	shalt  }
0x40: {  	_ =	shalt  }
0x41: {  	_ =	shalt  }
0x42: {  	_ =	shalt  }
0x43: {  	_ =	shalt  }
0x44: {  	_ =	shalt  }
0x45: {  	_ =	shalt  }
0x46: {  	_ =	shalt  }
0x47: {  	_ =	shalt  }
0x48: {  	_ =	shalt  }
0x49: {  	_ =	shalt  }
0x4a: {  	_ =	shalt  }
0x4b: {  	_ =	shalt  }
0x4c: {  	_ =	shalt  }
0x4d: {  	_ =	shalt  }
0x4e: {  	_ =	shalt  }
0x4f: {  	_ =	shalt  }
0x50: {  	_ =	shalt  }
0x51: {  	_ =	shalt  }
0x52: {  	_ =	shalt  }
0x53: {  	_ =	shalt  }
0x54: {  	_ =	shalt  }
0x55: {  	_ =	shalt  }
0x56: {  	_ =	shalt  }
0x57: {  	_ =	shalt  }
0x58: {  	_ =	shalt  }
0x59: {  	_ =	shalt  }
0x5a: {  	_ =	shalt  }
0x5b: {  	_ =	shalt  }
0x5c: {  	_ =	shalt  }
0x5d: {  	_ =	shalt  }
0x5e: {  	_ =	shalt  }
0x5f: {  	_ =	shalt  }
0x60: {  	_ =	shalt  }
0x61: {  	_ =	shalt  }
0x62: {  	_ =	shalt  }
0x63: {  	_ =	shalt  }
0x64: {  	_ =	shalt  }
0x65: {  	_ =	shalt  }
0x66: {  	_ =	shalt  }
0x67: {  	_ =	shalt  }
0x68: {  	_ =	shalt  }
0x69: {  	_ =	shalt  }
0x6a: {  	_ =	shalt  }
0x6b: {  	_ =	shalt  }
0x6c: {  	_ =	shalt  }
0x6d: {  	_ =	shalt  }
0x6e: {  	_ =	shalt  }
0x6f: {  	_ =	shalt  }
0x70: {  	_ =	shalt  }
0x71: {  	_ =	shalt  }
0x72: {  	_ =	shalt  }
0x73: {  	_ =	shalt  }
0x74: {  	_ =	shalt  }
0x75: {  	_ =	shalt  }
0x76: {  	_ =	shalt  }
0x77: {  	_ =	shalt  }
0x78: {  	_ =	shalt  }
0x79: {  	_ =	shalt  }
0x7a: {  	_ =	shalt  }
0x7b: {  	_ =	shalt  }
0x7c: {  	_ =	shalt  }
0x7d: {  	_ =	shalt  }
0x7e: {  	_ =	shalt  }
0x7f: {  	_ =	shalt  }
0x80: {  	_ =	shalt  }
0x81: {  	_ =	shalt  }
0x82: {  	_ =	shalt  }
0x83: {  	_ =	shalt  }
0x84: {  	_ =	shalt  }
0x85: {  	_ =	shalt  }
0x86: {  	_ =	shalt  }
0x87: {  	_ =	shalt  }
.Lfunc_end0:
.L_simem_size_0:
called_computation_lowered:
.L_overlay_start_0:
0x88: {  	s2 =	sld [smem:$0x3FD9]  }
0x89: {  	s3 =	sld [smem:$0x3FFE];
	_ =	sdelay $0x1  }
0x8a: {  	s1 =	srdreg.scid  }
0x8b: {  	s0 =	sand.u32 $0x1, s1  }
0x8c: {  	s17 =	sshll.u32 s0, $0xA;
	s2 =	sadd.s32 s3, s2  }
0x8d: {  	s2 =	sadd.s32 s2, s17  }
0x8e: {  	[smem:$0x3FC0] =	sst s2  }
0x8f: {  	_ = 	snop  }
0x90: {  	s2 =	sld [smem:$0x3FD0];
	(tm) =	ssettm $0x1  }
0x91: {  	s18 =	sld [smem:$0x3FFB];
	_ =	sdelay $0x3  }
0x92: {  	_ =	strace s18  }
0x93: {  	s3 =	sld [smem:$0x3FFC];
	_ =	sdelay $0x3  }
0x94: {  	_ =	strace s3  }
0x95: {  	s3 =	sld [smem:$0x3FFD];
	_ =	sdelay $0x3  }
0x96: {  	_ =	strace s3  }
0x97: {  	_ =	strace $0x8FFFFFFF  }
0x98: {  	s19 =	sld [smem:$0x3FDB];
	_ =	sdelay $0x1  }
0x99: {  	s4 =	simm.s32 $_scs_section_size  }
0x9a: {  	s5 =	simm.s32 $_size__tile_overlayer_lowered;
	s6 =	simm.s32 $_tile_overlayer_lowered  }
0x9b: {  	s22 =	simm.s32 $0x1BFF;
	s21 =	sshll.u32 s6, $0x1;
	s3 =	sadd.s32 s4, s19  }
0x9c: {  	s7 =	simm.s32 $0x0;
	s20 =	sshll.u32 s5, $0x1;
	s5 =	sadd.s32 s21, s3  }
0x9d: {  	[timem:s7], [sflag:s22] =	dma.local [hbm:s5], s20  }
0x9e: {  	_ =	swait.ge [sflag:s22], s20  }
0x9f: {  	s4 =	ssub.s32 $0x0, s20;
	[sflag:s22] =	ssyncset.done $0x0  }
0xa0: {  	[sflag:s22] =	ssyncadd.s32 s4;
	_ =	sdelay $0x1  }
0xa1: {  	s23 =	simm.s32 $0x1B8B  }
0xa2: {  	_ =	swait.ge [sflag:s23], $0x1  }
0xa3: {  	[sflag:s23] =	ssyncset.done $0x0  }
0xa4: {  	s25 =	simm.s32 $0x1B8E;
	s24 =	sld [smem:$0x3FFE];
	[sflag:s23] =	ssyncadd.s32 $0xFFFFFFFF  }
0xa5: {  	s26 =	simm.s32 $execute0_lowered;
	[smem:$0x3FD2] =	sst s25  }
0xa6: {  	s5 =	sshll.u32 s26, $0x1;
	_ =	strace $0x80000046;
	[dreg:$0x1] =	wrdreg $0xFFFFFFFF  }
0xa7: {  	s28 =	simm.s32 $_size_execute0_lowered;
	s3 =	sadd.s32 s3, s5;
	[dreg:$0x0] =	wrdreg $0x0  }
0xa8: {  	s5 =	sshll.u32 s28, $0x1;
	[dreg:$0x2] =	wrdreg s3  }
0xa9: {  	[dreg:$0x3] =	wrdreg s5  }
0xaa: {  	[dreg:$0x4] =	wrdreg $0xC0  }
0xab: {  	_ =	task [dreg:s7], $0x5FFFF  }
0xac: {  	[dreg:$0x1] =	wrdreg $0xFFFFFFFF  }
0xad: {  	[dreg:$0x0] =	wrdreg $0x60  }
0xae: {  	[dreg:$0x2] =	wrdreg s2  }
0xaf: {  	[dreg:$0x3] =	wrdreg s24  }
0xb0: {  	[dreg:$0x4] =	wrdreg $0x90000  }
0xb1: {  	[dreg:$0x5] =	wrdreg $0x9  }
0xb2: {  	_ =	task.clear_ibuf [dreg:s7], $0x6FFFF;
	_ =	strace $0x90000046  }
0xb3: {  	s29 =	simm.s32 $0x9;
	_ =	strace $0x80000048  }
0xb4: {  	_ =	swait.ge [sflag:s29], $0x1  }
0xb5: {  	[sflag:s29] =	ssyncadd.s32 $0xFFFFFFFF  }
0xb6: {  	_ =	strace $0x90000048  }
0xb7: {  	_ =	sfence  }
0xb8: {  	s30 =	sld [smem:$0x0];
	_ =	sdelay $0x2  }
0xb9: {  	s31 =	sshll.u32 s1, $0xD;
	s1 =	sshrl.u32 s1, $0x2  }
0xba: {  	s3 =	sand.u32 $0x4000, s31;
	s1 =	sadd.s32 s1, s30  }
0xbb: {  	s0 =	sor.u32 s3, s0;
	s1 =	sshll.u32 s1, $0x11  }
0xbc: {  	s0 =	sor.u32 s1, s0  }
0xbd: {  	s0 =	sadd.s32 $0x8F2B, s0  }
0xbe: {  	[sflag:s0] =	ssyncadd.remote.s32 $0x1  }
0xbf: {  	_ =	sfence.sel $0xFFFF  }
0xc0: {  	[dreg:$0x0] =	wrdreg $0xFFFFFFFF;
	(pc) =	sbr.abs _section_cstart, $3  }
0xc1: {  	[dreg:$0x1] =	wrdreg $0xFFFFFFFF  }
0xc2: {  	_ =	task.clear_ibuf [dreg:s7], $0x2FFFF;
	_ =	strace $0x9FFFFFFF  }
0xc3: {  	(tm) =	ssettm $0x7FFFFFFF  }
tec
execute0_lowered:
.L_overlay_start_1:
0x0: {  	(tag) =	ssettag $0x1  }
0x1: {  	s5 =	rddreg [dreg:$0x0]  }
0x2: {  	s6 =	rddreg [dreg:$0x1]  }
0x3: {  	s1 =	rddreg [dreg:$0x2]  }
0x4: {  	s2 =	srdreg.scid;
	s0 =	rddreg [dreg:$0x3]  }
0x5: {  	s3 =	simm.s32 $0x0;
	s20 =	simm.s32 $0x5000;
	s21 =	simm.s32 $0x80  }
0x6: {  	s22 =	simm.s32 $0x0;
	s8 =	sand.u32 $0x1, s2;
	s2 =	stileid.u32  }
0x7: {  	[smem:$0x7FF] =	sst s3;
	s4 =	sadd.s32 $0xC000, s6;
	s7 =	smul.u32 $0x50000, s8  }
0x8: {  	s16 =	sadd.s32 $0xC800, s6;
	s6 =	sadd.s32 $0xC400, s6;
	s9 =	smul.u32 $0x5000, s2  }
0x9: {  	_ =	strace $0x80000047;
	s10 =	ssub.s32 $0x2, s8;
	s12 =	smul.u32 $0xA000, s2  }
0xa: {  	s15 =	smul.u32 $0xA0000, s8;
	s11 =	sshrl.u32 s10, $0x1;
	s7 =	sadd.s32 s9, s7  }
0xb: {  	s17 =	ssub.s32 s10, s11;
	s29 =	sadd.s32 $0x2000, s12;
	s14 =	sadd.s32 $0x4000, s12  }
0xc: {  	s18 =	sadd.s32 $0x6000, s12;
	s13 =	sadd.s32 s12, s15;
	s19 =	sadd.s32 $0x8000, s12  }
0xd: {  	s7 =	sshrl.u32 s7, $0x3;
	s8 =	sadd.s32 s29, s1;
	s9 =	sadd.s32 s14, s1  }
0xe: {  	s10 =	sadd.s32 s18, s1;
	s11 =	sadd.s32 s15, s29;
	s30 =	sshrl.u32 s13, $0x3  }
0xf: {  	s14 =	sadd.s32 s15, s14;
	s18 =	sadd.s32 s15, s18;
	s15 =	sadd.s32 s15, s19  }
0x10: {  	s17 =	smax.u32 s17, $0x1;
	s5 =	sadd.s32 s5, s7;
	s7 =	sadd.s32 s12, s1  }
0x11: {  	s31 =	sshrl.u32 s11, $0x3;
	s11 =	sadd.s32 s19, s1;
	s12 =	sadd.s32 s16, s30  }
0x12: {  	s14 =	sshrl.u32 s14, $0x3;
	s18 =	sshrl.u32 s18, $0x3;
	s19 =	sshrl.u32 s15, $0x3  }
0x13: {  	s13 =	sadd.s32 s16, s31;
	s14 =	sadd.s32 s16, s14;
	s15 =	sadd.s32 s16, s18  }
0x14: {  	s16 =	sadd.s32 s16, s19;
	s18 =	simm.s32 $0x1;
	s19 =	simm.s32 $0x7000  }
.LBB2_1:
0x15: {  	[tilespmem:s3], [sflag:$0x1] =	stream.linear.gather [hbm4b:s5+s3], $0x5000, $0x38;
	[tilespmem:$0x13000] =	vst v63  }
0x16: {  	_ =	swait.ge [sflag:s18], $0x5000  }
0x17: {  	[sflag:s18] =	ssyncset.done $0x0  }
0x18: {  	[sflag:s18] =	ssyncadd.s32 $0xFFFFB000  }
0x19: {  	[tilespmem:s19], [sflag:$0x1] =	stream.linear.gather [hbm4b:s4+s3], $0x2000, $0x38;
	[tilespmem:$0x13000] =	vst v63  }
0x1a: {  	_ =	swait.ge [sflag:s18], $0x2000  }
0x1b: {  	[sflag:s18] =	ssyncset.done $0x0  }
0x1c: {  	[sflag:s18] =	ssyncadd.s32 $0xFFFFE000  }
0x1d: {  	[tilespmem:s20], [sflag:$0x1] =	stream.linear.gather [hbm4b:s6+s3], $0x2000, $0x38;
	[tilespmem:$0x13000] =	vst v63  }
0x1e: {  	_ =	swait.ge [sflag:s18], $0x2000  }
0x1f: {  	[sflag:s18] =	ssyncset.done $0x0  }
0x20: {  	[sflag:s18] =	ssyncadd.s32 $0xFFFFE000  }
0x21: {  	[spmem:s7] =	stream.linear.scatter [tilespmem:s19], [sflag:$0x1], $0x2000, $0x38;
	[tilespmem:$0x13000] =	vst v63  }
0x22: {  	_ =	swait.ge [sflag:s18], $0x2000  }
0x23: {  	[sflag:s18] =	ssyncset.done $0x0  }
0x24: {  	[sflag:s18] =	ssyncadd.s32 $0xFFFFE000  }
0x25: {  	[spmem:s8] =	stream.linear.scatter [tilespmem:s19], [sflag:$0x1], $0x2000, $0x38;
	[tilespmem:$0x13000] =	vst v63  }
0x26: {  	_ =	swait.ge [sflag:s18], $0x2000  }
0x27: {  	[sflag:s18] =	ssyncset.done $0x0  }
0x28: {  	[sflag:s18] =	ssyncadd.s32 $0xFFFFE000  }
0x29: {  	[spmem:s9] =	stream.linear.scatter [tilespmem:s19], [sflag:$0x1], $0x2000, $0x38;
	[tilespmem:$0x13000] =	vst v63  }
0x2a: {  	_ =	swait.ge [sflag:s18], $0x2000  }
0x2b: {  	[sflag:s18] =	ssyncset.done $0x0  }
0x2c: {  	[sflag:s18] =	ssyncadd.s32 $0xFFFFE000  }
0x2d: {  	[spmem:s10] =	stream.linear.scatter [tilespmem:s19], [sflag:$0x1], $0x2000, $0x38;
	[tilespmem:$0x13000] =	vst v63  }
0x2e: {  	_ =	swait.ge [sflag:s18], $0x2000  }
0x2f: {  	[sflag:s18] =	ssyncset.done $0x0  }
0x30: {  	[sflag:s18] =	ssyncadd.s32 $0xFFFFE000  }
0x31: {  	[spmem:s11] =	stream.linear.scatter [tilespmem:s19], [sflag:$0x1], $0x2000, $0x38;
	[tilespmem:$0x13000] =	vst v63  }
0x32: {  	_ =	swait.ge [sflag:s18], $0x2000  }
0x33: {  	[sflag:s18] =	ssyncset.done $0x0  }
0x34: {  	[sflag:s18] =	ssyncadd.s32 $0xFFFFE000  }
0x35: {  	s23 =	simm.s32 $0x0;
	[bflag:$0x0] =	sbarrier.arrive $0xFFFF  }
0x36: {  	[spmem:s1] =	stream.indirect.scatter.add.f32 [tilespmem:s20], [sflag:$0x1], $0x40, s23, s21, $0xb8;
	[tilespmem:$0x13000] =	vst v63  }
0x37: {  	_ =	swait.ge [sflag:s18], $0x2000  }
0x38: {  	s23 =	simm.s32 $0x200;
	[sflag:s18] =	ssyncset.done $0x0  }
.LBB2_2:
0x39: {  	s24 =	sshra.s32 s23, $0x2;
	[sflag:s18] =	ssyncadd.s32 $0xFFFFE000;
	p0 =	sne.s32 s23, $0x13E00  }
0x3a: {  	[spmem:s1] =	stream.indirect.scatter.add.f32 [tilespmem:s20], [sflag:$0x1], $0x40, s24, s21, $0xb8;
	[tilespmem:$0x13000] =	vst v63  }
.Ltmp0:
0x3b: {  	_ = 	snop;
	(pc) =	sbr.rel @p0 .LBB2_2-.Ltmp0, $4  }
0x3c: {  	_ = 	snop  }
0x3d: {  	s23 =	sadd.s32 $0x200, s23  }
0x3e: {  	_ =	swait.ge [sflag:s18], $0x2000  }
0x3f: {  	[sflag:s18] =	ssyncset.done $0x0  }
0x40: {  	[sflag:s18] =	ssyncadd.s32 $0xFFFFE000  }
0x41: {  	[bflag:$0x0] =	sbarrier.arrive $0xFFFF  }
0x42: {  	[tilespmem:s19], [sflag:$0x1] =	stream.linear.gather [spmem:s7], $0x2000, $0x38;
	[tilespmem:$0x13000] =	vst v63  }
0x43: {  	_ =	swait.ge [sflag:s18], $0x2000  }
0x44: {  	[sflag:s18] =	ssyncset.done $0x0  }
0x45: {  	[sflag:s18] =	ssyncadd.s32 $0xFFFFE000  }
0x46: {  	[hbm4b:s12+s3] =	stream.linear.scatter [tilespmem:s19], [sflag:$0x1], $0x2000, $0x38;
	[tilespmem:$0x13000] =	vst v63  }
0x47: {  	_ =	swait.ge [sflag:s18], $0x2000  }
0x48: {  	[sflag:s18] =	ssyncset.done $0x0  }
0x49: {  	[sflag:s18] =	ssyncadd.s32 $0xFFFFE000  }
0x4a: {  	[tilespmem:s19], [sflag:$0x1] =	stream.linear.gather [spmem:s8], $0x2000, $0x38;
	[tilespmem:$0x13000] =	vst v63  }
0x4b: {  	_ =	swait.ge [sflag:s18], $0x2000  }
0x4c: {  	[sflag:s18] =	ssyncset.done $0x0  }
0x4d: {  	[sflag:s18] =	ssyncadd.s32 $0xFFFFE000  }
0x4e: {  	[hbm4b:s13+s3] =	stream.linear.scatter [tilespmem:s19], [sflag:$0x1], $0x2000, $0x38;
	[tilespmem:$0x13000] =	vst v63  }
0x4f: {  	_ =	swait.ge [sflag:s18], $0x2000  }
0x50: {  	[sflag:s18] =	ssyncset.done $0x0  }
0x51: {  	[sflag:s18] =	ssyncadd.s32 $0xFFFFE000  }
0x52: {  	[tilespmem:s19], [sflag:$0x1] =	stream.linear.gather [spmem:s9], $0x2000, $0x38;
	[tilespmem:$0x13000] =	vst v63  }
0x53: {  	_ =	swait.ge [sflag:s18], $0x2000  }
0x54: {  	[sflag:s18] =	ssyncset.done $0x0  }
0x55: {  	[sflag:s18] =	ssyncadd.s32 $0xFFFFE000  }
0x56: {  	[hbm4b:s14+s3] =	stream.linear.scatter [tilespmem:s19], [sflag:$0x1], $0x2000, $0x38;
	[tilespmem:$0x13000] =	vst v63  }
0x57: {  	_ =	swait.ge [sflag:s18], $0x2000  }
0x58: {  	[sflag:s18] =	ssyncset.done $0x0  }
0x59: {  	[sflag:s18] =	ssyncadd.s32 $0xFFFFE000  }
0x5a: {  	[tilespmem:s19], [sflag:$0x1] =	stream.linear.gather [spmem:s10], $0x2000, $0x38;
	[tilespmem:$0x13000] =	vst v63  }
0x5b: {  	_ =	swait.ge [sflag:s18], $0x2000  }
0x5c: {  	[sflag:s18] =	ssyncset.done $0x0  }
0x5d: {  	[sflag:s18] =	ssyncadd.s32 $0xFFFFE000  }
0x5e: {  	[hbm4b:s15+s3] =	stream.linear.scatter [tilespmem:s19], [sflag:$0x1], $0x2000, $0x38;
	[tilespmem:$0x13000] =	vst v63  }
0x5f: {  	_ =	swait.ge [sflag:s18], $0x2000  }
0x60: {  	[sflag:s18] =	ssyncset.done $0x0  }
0x61: {  	[sflag:s18] =	ssyncadd.s32 $0xFFFFE000  }
0x62: {  	[tilespmem:s19], [sflag:$0x1] =	stream.linear.gather [spmem:s11], $0x2000, $0x38;
	[tilespmem:$0x13000] =	vst v63  }
0x63: {  	s22 =	sadd.s32 $0x1, s22;
	_ =	swait.ge [sflag:s18], $0x2000  }
0x64: {  	p0 =	sne.s32 s22, s17;
	[sflag:s18] =	ssyncset.done $0x0  }
.Ltmp1:
0x65: {  	[sflag:s18] =	ssyncadd.s32 $0xFFFFE000;
	(pc) =	sbr.rel @p0 .LBB2_1-.Ltmp1, $4  }
0x66: {  	[hbm4b:s16+s3] =	stream.linear.scatter [tilespmem:s19], [sflag:$0x1], $0x2000, $0x38;
	[tilespmem:$0x13000] =	vst v63  }
0x67: {  	_ =	swait.ge [sflag:s18], $0x2000  }
0x68: {  	[sflag:s18] =	ssyncset.done $0x0  }
0x69: {  	[sflag:s18] =	ssyncadd.s32 $0xFFFFE000  }
0x6a: {  	_ =	sfence.sel $0x180000  }
0x6b: {  	[bflag:$0x0] =	sbarrier.arrive $0xFFFF  }
0x6c: {  	p0 =	sne.s32 s2, $0x0;
	_ =	strace $0x90000047  }
0x6d: {  	s0 =	sadd.s32 @!p0 $0x100000, s0;
	[bflag:$0x2] =	sbarrier.arrive $0xFFFF  }
0x6e: {  	[sflag:s0] =	ssyncadd.tile.s32 @!p0 $0x1;
	_ =	shalt  }
.Lfunc_end2:
_tile_overlayer_lowered:
.L_overlay_start_2:
0x6f: {  	(tag) =	ssettag $0x2  }
0x70: {  	s0 =	rddreg [dreg:$0x0];
	s2 =	stileid.u32  }
0x71: {  	s1 =	rddreg [dreg:$0x1];
	p0 =	sne.s32 s2, $0x0  }
0x72: {  	s3 =	rddreg [dreg:$0x2];
	[bflag:$0x3] =	sbarrier.arrive $0xFFFF;
	s2 =	simm.s32 @!p0 $0x1C01  }
0x73: {  	[timem:s3], [sflag:s2] =	dma.local @!p0 [hbm:s0], s1  }
0x74: {  	s0 =	simm.s32 @!p0 $0x1  }
0x75: {  	_ =	swait.ge @!p0 [sflag:s0], s1  }
0x76: {  	s1 =	ssub.s32 @!p0 $0x0, s1;
	[sflag:s0] =	ssyncset.done @!p0 $0x0  }
0x77: {  	[sflag:s0] =	ssyncadd.s32 @!p0 s1  }
0x78: {  	[bflag:$0x3] =	sbarrier.arrive $0xFFFF  }
0x79: {  	_ =	shalt  }

// kernel: kernel.13.cloned.1.call-start
scs
__scs_entry_jumppad:
0x0: {  	(pc) =	sbr.rel $0x88, $3  }
0x1: {  	(tag) =	ssettag $0x0;
	lr =	simm.s32 $0x1  }
0x2: {  	[smem:$0x3F99] =	sst lr;
	_ =	strace $0xD0000000  }
0x3: {  	_ = 	snop  }
0x4: {  	_ = 	snop  }
0x5: {  	_ = 	snop  }
0x6: {  	_ = 	snop  }
0x7: {  	_ = 	snop  }
__scs_overlays_trampoline_lowered:
0x8: {  	[smem:$0x3FA8] =	sst s0  }
0x9: {  	[smem:$0x3FA9] =	sst s1  }
0xa: {  	[smem:$0x3FAA] =	sst s2  }
0xb: {  	[smem:$0x3FAB] =	sst s3  }
0xc: {  	[smem:$0x3FAC] =	sst s4  }
0xd: {  	[smem:$0x3FAD] =	sst s5  }
0xe: {  	[smem:$0x3FAE] =	sst s6  }
0xf: {  	[smem:$0x3FAF] =	sst s7  }
0x10: {  	[smem:$0x3FB0] =	sst s8  }
0x11: {  	[smem:$0x3FB1] =	sst s9;
	s0 =	simm.s32 @!p0 $0x0  }
0x12: {  	s1 =	sld [smem:$0x3F97];
	s0 =	simm.s32 @p0 $0x1  }
0x13: {  	[smem:$0x3FB2] =	sst s0;
	s0 =	simm.s32 @!p1 $0x0  }
0x14: {  	s2 =	sld [smem:$0x3F96];
	s0 =	simm.s32 @p1 $0x1  }
0x15: {  	[smem:$0x3FB3] =	sst s0;
	s0 =	simm.s32 @!p2 $0x0  }
0x16: {  	s3 =	sld [smem:$0x3FDB];
	s0 =	simm.s32 @p2 $0x1  }
0x17: {  	s4 =	simm.s32 $0x1BF5;
	[smem:$0x3FB5] =	sst s0  }
0x18: {  	s0 =	sld [smem:$0x3F98];
	_ =	swait.ge [sflag:s4], $0x0  }
0x19: {  	s7 =	sld [smem:$0x3F99]  }
0x1a: {  	s8 =	sadd.s32 $0xFFFFE003, lr  }
0x1b: {  	s9 =	sadd.s32 $0xFFFFFEF7, lr;
	s5 =	simm.s32 $0xFFFFFFFF;
	p2 =	slt.u32 s8, $0xFFFFF086  }
0x1c: {  	p1 =	slt.u32 s9, $0xF7A;
	s5 =	simm.s32 @!p2 $0x0  }
0x1d: {  	s5 =	simm.s32 @p1 $0x1;
	p0 =	seq.s32 s7, s2  }
0x1e: {  	s7 =	smul.u32 @!p0 $0xF7A, s2;
	p2 =	seq.s32 @!p0 s5, $0x0  }
0x1f: {  	s9 =	smul.u32 $0xF7A, s1;
	s8 =	simm.s32 @!p0 $0x1BF5;
	p2 =	por !p2, p0  }
0x20: {  	[sflag:s8] =	ssyncset.s32 @!p0 $0xFFFFF086;
	s6 =	sadd.s32 @!p0 s3, s7;
	s7 =	simm.s32 @!p0 $0x108  }
0x21: {  	s3 =	sadd.s32 s3, s9;
	s6 =	sadd.s32 @!p0 $0x88, s6;
	s7 =	simm.s32 @p2 $0x1082  }
0x22: {  	[simem:s7], [sflag:s8] =	dma.local @!p0 [hbm:s6], $0xF7A  }
0x23: {  	s9 =	sor.u32 $0xD0000000, s2;
	s6 =	simm.s32 $0x108;
	_ =	swait.ge @!p0 [sflag:s8], $0x0  }
0x24: {  	s3 =	sadd.s32 $0x88, s3;
	s6 =	simm.s32 @!p1 $0x1082;
	[sflag:s4] =	ssyncset.s32 $0xFFFFF086  }
0x25: {  	[simem:s6], [sflag:s4] =	dma.local [hbm:s3], $0xF7A  }
0x26: {  	[smem:$0x3F99] =	sst s1;
	(tag) =	ssettag s2;
	_ =	strace s9  }
0x27: {  	s1 =	sld [smem:$0x3FA9]  }
0x28: {  	s2 =	sld [smem:$0x3FAA]  }
0x29: {  	s4 =	sld [smem:$0x3FAC]  }
0x2a: {  	p0 =	seq.s32 s5, $0x0;
	s5 =	sld [smem:$0x3FAD]  }
0x2b: {  	s6 =	sld [smem:$0x3FAE]  }
0x2c: {  	s7 =	sld [smem:$0x3FAF]  }
0x2d: {  	s3 =	simm.s32 $0x108;
	s8 =	sld [smem:$0x3FB0]  }
0x2e: {  	s3 =	simm.s32 @!p0 $0x1082;
	s9 =	sld [smem:$0x3FB1]  }
0x2f: {  	lr =	sadd.s32 s0, s3;
	s0 =	sld [smem:$0x3FA8]  }
0x30: {  	s3 =	sld [smem:$0x3FAB]  }
0x31: {  	[smem:$0x3FB4] =	sst s10  }
0x32: {  	s10 =	sld [smem:$0x3FB2];
	_ =	sdelay $0x3  }
0x33: {  	p0 =	seq.s32 s10, $0x1;
	s10 =	sld [smem:$0x3FB4];
	_ =	sdelay $0x3  }
0x34: {  	[smem:$0x3FB4] =	sst s10  }
0x35: {  	s10 =	sld [smem:$0x3FB3];
	_ =	sdelay $0x3  }
0x36: {  	p1 =	seq.s32 s10, $0x1;
	s10 =	sld [smem:$0x3FB4];
	_ =	sdelay $0x3  }
0x37: {  	[smem:$0x3FB4] =	sst s10  }
0x38: {  	s10 =	sld [smem:$0x3FB5]  }
0x39: {  	_ = 	snop;
	(pc) =	sbr.ind lr, $3  }
0x3a: {  	_ = 	snop  }
0x3b: {  	_ = 	snop  }
0x3c: {  	p2 =	seq.s32 s10, $0x1;
	s10 =	sld [smem:$0x3FB4]  }
0x3d: {  	_ =	shalt  }
0x3e: {  	_ =	shalt  }
0x3f: {  	_ =	shalt  }
0x40: {  	_ =	shalt  }
0x41: {  	_ =	shalt  }
0x42: {  	_ =	shalt  }
0x43: {  	_ =	shalt  }
0x44: {  	_ =	shalt  }
0x45: {  	_ =	shalt  }
0x46: {  	_ =	shalt  }
0x47: {  	_ =	shalt  }
0x48: {  	_ =	shalt  }
0x49: {  	_ =	shalt  }
0x4a: {  	_ =	shalt  }
0x4b: {  	_ =	shalt  }
0x4c: {  	_ =	shalt  }
0x4d: {  	_ =	shalt  }
0x4e: {  	_ =	shalt  }
0x4f: {  	_ =	shalt  }
0x50: {  	_ =	shalt  }
0x51: {  	_ =	shalt  }
0x52: {  	_ =	shalt  }
0x53: {  	_ =	shalt  }
0x54: {  	_ =	shalt  }
0x55: {  	_ =	shalt  }
0x56: {  	_ =	shalt  }
0x57: {  	_ =	shalt  }
0x58: {  	_ =	shalt  }
0x59: {  	_ =	shalt  }
0x5a: {  	_ =	shalt  }
0x5b: {  	_ =	shalt  }
0x5c: {  	_ =	shalt  }
0x5d: {  	_ =	shalt  }
0x5e: {  	_ =	shalt  }
0x5f: {  	_ =	shalt  }
0x60: {  	_ =	shalt  }
0x61: {  	_ =	shalt  }
0x62: {  	_ =	shalt  }
0x63: {  	_ =	shalt  }
0x64: {  	_ =	shalt  }
0x65: {  	_ =	shalt  }
0x66: {  	_ =	shalt  }
0x67: {  	_ =	shalt  }
0x68: {  	_ =	shalt  }
0x69: {  	_ =	shalt  }
0x6a: {  	_ =	shalt  }
0x6b: {  	_ =	shalt  }
0x6c: {  	_ =	shalt  }
0x6d: {  	_ =	shalt  }
0x6e: {  	_ =	shalt  }
0x6f: {  	_ =	shalt  }
0x70: {  	_ =	shalt  }
0x71: {  	_ =	shalt  }
0x72: {  	_ =	shalt  }
0x73: {  	_ =	shalt  }
0x74: {  	_ =	shalt  }
0x75: {  	_ =	shalt  }
0x76: {  	_ =	shalt  }
0x77: {  	_ =	shalt  }
0x78: {  	_ =	shalt  }
0x79: {  	_ =	shalt  }
0x7a: {  	_ =	shalt  }
0x7b: {  	_ =	shalt  }
0x7c: {  	_ =	shalt  }
0x7d: {  	_ =	shalt  }
0x7e: {  	_ =	shalt  }
0x7f: {  	_ =	shalt  }
0x80: {  	_ =	shalt  }
0x81: {  	_ =	shalt  }
0x82: {  	_ =	shalt  }
0x83: {  	_ =	shalt  }
0x84: {  	_ =	shalt  }
0x85: {  	_ =	shalt  }
0x86: {  	_ =	shalt  }
0x87: {  	_ =	shalt  }
.Lfunc_end0:
.L_simem_size_0:
called_computation.1_lowered:
.L_overlay_start_0:
0x88: {  	s2 =	sld [smem:$0x3FD9]  }
0x89: {  	s3 =	sld [smem:$0x3FFE];
	_ =	sdelay $0x1  }
0x8a: {  	s1 =	srdreg.scid  }
0x8b: {  	s0 =	sand.u32 $0x1, s1  }
0x8c: {  	s17 =	sshll.u32 s0, $0xA;
	s2 =	sadd.s32 s3, s2  }
0x8d: {  	s2 =	sadd.s32 s2, s17  }
0x8e: {  	[smem:$0x3FC0] =	sst s2  }
0x8f: {  	_ = 	snop  }
0x90: {  	s2 =	sld [smem:$0x3FD0];
	(tm) =	ssettm $0x1  }
0x91: {  	s18 =	sld [smem:$0x3FFB];
	_ =	sdelay $0x3  }
0x92: {  	_ =	strace s18  }
0x93: {  	s3 =	sld [smem:$0x3FFC];
	_ =	sdelay $0x3  }
0x94: {  	_ =	strace s3  }
0x95: {  	s3 =	sld [smem:$0x3FFD];
	_ =	sdelay $0x3  }
0x96: {  	_ =	strace s3  }
0x97: {  	_ =	strace $0x8FFFFFFF  }
0x98: {  	s19 =	sld [smem:$0x3FDB];
	_ =	sdelay $0x1  }
0x99: {  	s4 =	simm.s32 $_scs_section_size  }
0x9a: {  	s5 =	simm.s32 $_size__tile_overlayer_lowered;
	s6 =	simm.s32 $_tile_overlayer_lowered  }
0x9b: {  	s22 =	simm.s32 $0x1BFF;
	s21 =	sshll.u32 s6, $0x1;
	s3 =	sadd.s32 s4, s19  }
0x9c: {  	s7 =	simm.s32 $0x0;
	s20 =	sshll.u32 s5, $0x1;
	s5 =	sadd.s32 s21, s3  }
0x9d: {  	[timem:s7], [sflag:s22] =	dma.local [hbm:s5], s20  }
0x9e: {  	_ =	swait.ge [sflag:s22], s20  }
0x9f: {  	s4 =	ssub.s32 $0x0, s20;
	[sflag:s22] =	ssyncset.done $0x0  }
0xa0: {  	[sflag:s22] =	ssyncadd.s32 s4;
	_ =	sdelay $0x1  }
0xa1: {  	s23 =	simm.s32 $0x1B8B  }
0xa2: {  	_ =	swait.ge [sflag:s23], $0x1  }
0xa3: {  	[sflag:s23] =	ssyncset.done $0x0  }
0xa4: {  	s25 =	simm.s32 $0x1B8E;
	s24 =	sld [smem:$0x3FFE];
	[sflag:s23] =	ssyncadd.s32 $0xFFFFFFFF  }
0xa5: {  	s26 =	simm.s32 $execute0_lowered;
	[smem:$0x3FD2] =	sst s25  }
0xa6: {  	s5 =	sshll.u32 s26, $0x1;
	_ =	strace $0x80000049;
	[dreg:$0x1] =	wrdreg $0xFFFFFFFF  }
0xa7: {  	s28 =	simm.s32 $_size_execute0_lowered;
	s3 =	sadd.s32 s3, s5;
	[dreg:$0x0] =	wrdreg $0x0  }
0xa8: {  	s5 =	sshll.u32 s28, $0x1;
	[dreg:$0x2] =	wrdreg s3  }
0xa9: {  	[dreg:$0x3] =	wrdreg s5  }
0xaa: {  	[dreg:$0x4] =	wrdreg $0xC0  }
0xab: {  	_ =	task [dreg:s7], $0x5FFFF  }
0xac: {  	[dreg:$0x1] =	wrdreg $0xFFFFFFFF  }
0xad: {  	[dreg:$0x0] =	wrdreg $0x60  }
0xae: {  	[dreg:$0x2] =	wrdreg s24  }
0xaf: {  	[dreg:$0x3] =	wrdreg s2  }
0xb0: {  	[dreg:$0x4] =	wrdreg $0x100800  }
0xb1: {  	[dreg:$0x5] =	wrdreg $0x9  }
0xb2: {  	_ =	task.clear_ibuf [dreg:s7], $0x6FFFF;
	_ =	strace $0x90000049  }
0xb3: {  	s29 =	simm.s32 $0x9;
	_ =	strace $0x8000004B  }
0xb4: {  	_ =	swait.ge [sflag:s29], $0x1  }
0xb5: {  	[sflag:s29] =	ssyncadd.s32 $0xFFFFFFFF  }
0xb6: {  	_ =	strace $0x9000004B  }
0xb7: {  	_ =	sfence  }
0xb8: {  	s30 =	sld [smem:$0x0];
	_ =	sdelay $0x2  }
0xb9: {  	s31 =	sshll.u32 s1, $0xD;
	s1 =	sshrl.u32 s1, $0x2  }
0xba: {  	s3 =	sand.u32 $0x4000, s31;
	s1 =	sadd.s32 s1, s30  }
0xbb: {  	s0 =	sor.u32 s3, s0;
	s1 =	sshll.u32 s1, $0x11  }
0xbc: {  	s0 =	sor.u32 s1, s0  }
0xbd: {  	s0 =	sadd.s32 $0x8F2B, s0  }
0xbe: {  	[sflag:s0] =	ssyncadd.remote.s32 $0x1  }
0xbf: {  	_ =	sfence.sel $0xFFFF  }
0xc0: {  	[dreg:$0x0] =	wrdreg $0xFFFFFFFF;
	(pc) =	sbr.abs _section_cstart, $3  }
0xc1: {  	[dreg:$0x1] =	wrdreg $0xFFFFFFFF  }
0xc2: {  	_ =	task.clear_ibuf [dreg:s7], $0x2FFFF;
	_ =	strace $0x9FFFFFFF  }
0xc3: {  	(tm) =	ssettm $0x7FFFFFFF  }
tec
execute0_lowered:
.L_overlay_start_1:
0x0: {  	(tag) =	ssettag $0x1  }
0x1: {  	s5 =	rddreg [dreg:$0x0]  }
0x2: {  	s1 =	rddreg [dreg:$0x1]  }
0x3: {  	s2 =	rddreg [dreg:$0x2]  }
0x4: {  	s3 =	srdreg.scid;
	s0 =	rddreg [dreg:$0x3]  }
0x5: {  	s4 =	simm.s32 $0x0;
	s21 =	simm.s32 $0xE080;
	s22 =	simm.s32 $0x80  }
0x6: {  	s23 =	simm.s32 $0xA080;
	s24 =	simm.s32 $0x1;
	s6 =	sand.u32 $0x1, s3  }
0x7: {  	s25 =	simm.s32 $0xC080;
	s3 =	stileid.u32;
	s15 =	smul.u32 $0xA0000, s6  }
0x8: {  	s28 =	simm.s32 $0x0;
	[smem:$0x7FF] =	sst s4;
	s7 =	smul.u32 $0xA10, s3  }
0x9: {  	s17 =	sadd.s32 $0x34000, s5;
	s9 =	smul.u32 $0xA00, s3;
	s6 =	ssub.s32 $0x2, s6  }
0xa: {  	_ =	strace $0x8000004A;
	s13 =	smul.u32 $0xA000, s3;
	s29 =	sshrl.u32 s6, $0x1  }
0xb: {  	s8 =	sshrl.u32 s15, $0x3;
	s7 =	sadd.s32 s7, s5;
	s26 =	sadd.s32 s9, s5  }
0xc: {  	s18 =	ssub.s32 s6, s29;
	s14 =	sadd.s32 $0x2000, s13;
	s16 =	sadd.s32 $0x4000, s13  }
0xd: {  	s19 =	sadd.s32 $0x6000, s13;
	s20 =	sadd.s32 $0x8000, s13;
	s12 =	sadd.s32 s8, s5  }
0xe: {  	s5 =	sadd.s32 $0x84800, s7;
	s6 =	sadd.s32 $0x2000, s26;
	s7 =	sadd.s32 s13, s2  }
0xf: {  	s8 =	sadd.s32 s14, s2;
	s9 =	sadd.s32 s16, s2;
	s10 =	sadd.s32 s19, s2  }
0x10: {  	s11 =	sadd.s32 s20, s2;
	s13 =	sadd.s32 s13, s15;
	s14 =	sadd.s32 s15, s14  }
0x11: {  	s16 =	sadd.s32 s15, s16;
	s19 =	sadd.s32 s15, s19;
	s20 =	sadd.s32 s15, s20  }
0x12: {  	s18 =	smax.u32 s18, $0x1;
	s26 =	simm.s32 $0x2;
	s12 =	sadd.s32 $0xC000, s12  }
0x13: {  	s13 =	sshrl.u32 s13, $0x3;
	s14 =	sshrl.u32 s14, $0x3;
	s16 =	sshrl.u32 s16, $0x3  }
0x14: {  	s30 =	sshrl.u32 s19, $0x3;
	s31 =	sshrl.u32 s20, $0x3;
	s19 =	simm.s32 $0x3  }
0x15: {  	s20 =	simm.s32 $0x5080;
	s13 =	sadd.s32 s17, s13;
	s14 =	sadd.s32 s17, s14  }
0x16: {  	s15 =	sadd.s32 s17, s16;
	s16 =	sadd.s32 s17, s30;
	s17 =	sadd.s32 s17, s31  }
.LBB2_1:
0x17: {  	[tilespmem:s4], [sflag:$0x3] =	stream.linear.gather [hbm4b:s5+s4], $0x5080, $0x38;
	[tilespmem:$0x1A080] =	vst v63  }
0x18: {  	_ =	swait.ge [sflag:s19], $0x5080  }
0x19: {  	[sflag:s19] =	ssyncset.done $0x0  }
0x1a: {  	[sflag:s19] =	ssyncadd.s32 $0xFFFFAF80  }
0x1b: {  	[tilespmem:s20], [sflag:$0x3] =	stream.linear.gather [hbm4b:s6+s4], $0x5000, $0x38;
	[tilespmem:$0x1A080] =	vst v63  }
0x1c: {  	_ =	swait.ge [sflag:s19], $0x5000  }
0x1d: {  	[sflag:s19] =	ssyncset.done $0x0  }
0x1e: {  	[sflag:s19] =	ssyncadd.s32 $0xFFFFB000  }
0x1f: {  	[tilespmem:s21], [sflag:$0x3] =	stream.linear.gather [hbm4b:s1+s4], $0x2000, $0x38;
	[tilespmem:$0x1A080] =	vst v63  }
0x20: {  	_ =	swait.ge [sflag:s19], $0x2000  }
0x21: {  	[sflag:s19] =	ssyncset.done $0x0  }
0x22: {  	[sflag:s19] =	ssyncadd.s32 $0xFFFFE000  }
0x23: {  	[spmem:s7] =	stream.linear.scatter [tilespmem:s21], [sflag:$0x3], $0x2000, $0x38;
	[tilespmem:$0x1A080] =	vst v63  }
0x24: {  	_ =	swait.ge [sflag:s19], $0x2000  }
0x25: {  	[sflag:s19] =	ssyncset.done $0x0  }
0x26: {  	[sflag:s19] =	ssyncadd.s32 $0xFFFFE000  }
0x27: {  	[spmem:s8] =	stream.linear.scatter [tilespmem:s21], [sflag:$0x3], $0x2000, $0x38;
	[tilespmem:$0x1A080] =	vst v63  }
0x28: {  	_ =	swait.ge [sflag:s19], $0x2000  }
0x29: {  	[sflag:s19] =	ssyncset.done $0x0  }
0x2a: {  	[sflag:s19] =	ssyncadd.s32 $0xFFFFE000  }
0x2b: {  	[spmem:s9] =	stream.linear.scatter [tilespmem:s21], [sflag:$0x3], $0x2000, $0x38;
	[tilespmem:$0x1A080] =	vst v63  }
0x2c: {  	_ =	swait.ge [sflag:s19], $0x2000  }
0x2d: {  	[sflag:s19] =	ssyncset.done $0x0  }
0x2e: {  	[sflag:s19] =	ssyncadd.s32 $0xFFFFE000  }
0x2f: {  	[spmem:s10] =	stream.linear.scatter [tilespmem:s21], [sflag:$0x3], $0x2000, $0x38;
	[tilespmem:$0x1A080] =	vst v63  }
0x30: {  	_ =	swait.ge [sflag:s19], $0x2000  }
0x31: {  	[sflag:s19] =	ssyncset.done $0x0  }
0x32: {  	[sflag:s19] =	ssyncadd.s32 $0xFFFFE000  }
0x33: {  	[spmem:s11] =	stream.linear.scatter [tilespmem:s21], [sflag:$0x3], $0x2000, $0x38;
	[tilespmem:$0x1A080] =	vst v63  }
0x34: {  	_ =	swait.ge [sflag:s19], $0x2000  }
0x35: {  	[sflag:s19] =	ssyncset.done $0x0  }
0x36: {  	[sflag:s19] =	ssyncadd.s32 $0xFFFFE000  }
0x37: {  	[bflag:$0x0] =	sbarrier.arrive $0xFFFF  }
0x38: {  	[tilespmem:s23], [sflag:$0x1] =	stream.indirect.gather [hbm4b:s12+s22], $0x40, s4, s22, $0xb8;
	[tilespmem:$0x1A080] =	vst v63  }
0x39: {  	_ =	swait.ge [sflag:s24], $0x2000  }
0x3a: {  	[sflag:s24] =	ssyncset.done $0x0  }
0x3b: {  	s29 =	simm.s32 $0x80;
	[sflag:s24] =	ssyncadd.s32 $0xFFFFE000  }
0x3c: {  	[tilespmem:s25], [sflag:$0x2] =	stream.indirect.gather [hbm4b:s12+s22], $0x40, s29, s22, $0xb8;
	[tilespmem:$0x1A080] =	vst v63  }
0x3d: {  	s29 =	simm.s32 $0x5080  }
0x3e: {  	[spmem:s2] =	stream.indirect.scatter.add.f32 [tilespmem:s23], [sflag:$0x3], $0x40, s29, s22, $0xb8;
	[tilespmem:$0x1A080] =	vst v63  }
0x3f: {  	_ =	swait.ge [sflag:s19], $0x2000  }
0x40: {  	[sflag:s19] =	ssyncset.done $0x0  }
0x41: {  	[sflag:s19] =	ssyncadd.s32 $0xFFFFE000  }
0x42: {  	_ =	swait.ge [sflag:s26], $0x2000  }
0x43: {  	[sflag:s26] =	ssyncset.done $0x0  }
0x44: {  	s29 =	simm.s32 $0x100;
	[sflag:s26] =	ssyncadd.s32 $0xFFFFE000  }
0x45: {  	[tilespmem:s23], [sflag:$0x1] =	stream.indirect.gather [hbm4b:s12+s22], $0x40, s29, s22, $0xb8;
	[tilespmem:$0x1A080] =	vst v63  }
0x46: {  	s29 =	simm.s32 $0x5100  }
0x47: {  	[spmem:s2] =	stream.indirect.scatter.add.f32 [tilespmem:s25], [sflag:$0x3], $0x40, s29, s22, $0xb8;
	[tilespmem:$0x1A080] =	vst v63  }
0x48: {  	_ =	swait.ge [sflag:s19], $0x2000  }
0x49: {  	s29 =	simm.s32 $0x400;
	[sflag:s19] =	ssyncset.done $0x0  }
.LBB2_2:
0x4a: {  	p0 =	sne.s32 s29, $0x13C00  }
0x4b: {  	[sflag:s19] =	ssyncadd.s32 $0xFFFFE000;
	s30 =	smov.u32 s29;
	s29 =	sadd.s32 $0x400, s29  }
0x4c: {  	_ = 	snop  }
0x4d: {  	_ =	swait.ge [sflag:s24], $0x2000  }
0x4e: {  	s30 =	sshra.s32 s30, $0x2;
	[sflag:s24] =	ssyncset.done $0x0  }
0x4f: {  	s31 =	sadd.s32 $0x80, s30;
	[sflag:s24] =	ssyncadd.s32 $0xFFFFE000  }
0x50: {  	[tilespmem:s25], [sflag:$0x2] =	stream.indirect.gather [hbm4b:s12+s22], $0x40, s31, s22, $0xb8;
	[tilespmem:$0x1A080] =	vst v63  }
0x51: {  	s31 =	sadd.s32 $0x5080, s30  }
0x52: {  	[spmem:s2] =	stream.indirect.scatter.add.f32 [tilespmem:s23], [sflag:$0x3], $0x40, s31, s22, $0xb8;
	[tilespmem:$0x1A080] =	vst v63  }
0x53: {  	_ =	swait.ge [sflag:s19], $0x2000  }
0x54: {  	[sflag:s19] =	ssyncset.done $0x0  }
0x55: {  	[sflag:s19] =	ssyncadd.s32 $0xFFFFE000  }
0x56: {  	_ =	swait.ge [sflag:s26], $0x2000  }
0x57: {  	[sflag:s26] =	ssyncset.done $0x0  }
0x58: {  	s31 =	sadd.s32 $0x100, s30;
	[sflag:s26] =	ssyncadd.s32 $0xFFFFE000  }
0x59: {  	[tilespmem:s23], [sflag:$0x1] =	stream.indirect.gather [hbm4b:s12+s22], $0x40, s31, s22, $0xb8;
	[tilespmem:$0x1A080] =	vst v63  }
.Ltmp0:
0x5a: {  	_ = 	snop;
	(pc) =	sbr.rel @p0 .LBB2_2-.Ltmp0, $4  }
0x5b: {  	s30 =	sadd.s32 $0x5100, s30  }
0x5c: {  	[spmem:s2] =	stream.indirect.scatter.add.f32 [tilespmem:s25], [sflag:$0x3], $0x40, s30, s22, $0xb8;
	[tilespmem:$0x1A080] =	vst v63  }
0x5d: {  	_ =	swait.ge [sflag:s19], $0x2000  }
0x5e: {  	[sflag:s19] =	ssyncset.done $0x0  }
0x5f: {  	[sflag:s19] =	ssyncadd.s32 $0xFFFFE000  }
0x60: {  	_ =	swait.ge [sflag:s24], $0x2000  }
0x61: {  	[sflag:s24] =	ssyncset.done $0x0  }
0x62: {  	[sflag:s24] =	ssyncadd.s32 $0xFFFFE000  }
0x63: {  	[bflag:$0x0] =	sbarrier.arrive $0xFFFF  }
0x64: {  	[tilespmem:s21], [sflag:$0x3] =	stream.linear.gather [spmem:s7], $0x2000, $0x38;
	[tilespmem:$0x1A080] =	vst v63  }
0x65: {  	_ =	swait.ge [sflag:s19], $0x2000  }
0x66: {  	[sflag:s19] =	ssyncset.done $0x0  }
0x67: {  	[sflag:s19] =	ssyncadd.s32 $0xFFFFE000  }
0x68: {  	[hbm4b:s13+s4] =	stream.linear.scatter [tilespmem:s21], [sflag:$0x3], $0x2000, $0x38;
	[tilespmem:$0x1A080] =	vst v63  }
0x69: {  	_ =	swait.ge [sflag:s19], $0x2000  }
0x6a: {  	[sflag:s19] =	ssyncset.done $0x0  }
0x6b: {  	[sflag:s19] =	ssyncadd.s32 $0xFFFFE000  }
0x6c: {  	[tilespmem:s21], [sflag:$0x3] =	stream.linear.gather [spmem:s8], $0x2000, $0x38;
	[tilespmem:$0x1A080] =	vst v63  }
0x6d: {  	_ =	swait.ge [sflag:s19], $0x2000  }
0x6e: {  	[sflag:s19] =	ssyncset.done $0x0  }
0x6f: {  	[sflag:s19] =	ssyncadd.s32 $0xFFFFE000  }
0x70: {  	[hbm4b:s14+s4] =	stream.linear.scatter [tilespmem:s21], [sflag:$0x3], $0x2000, $0x38;
	[tilespmem:$0x1A080] =	vst v63  }
0x71: {  	_ =	swait.ge [sflag:s19], $0x2000  }
0x72: {  	[sflag:s19] =	ssyncset.done $0x0  }
0x73: {  	[sflag:s19] =	ssyncadd.s32 $0xFFFFE000  }
0x74: {  	[tilespmem:s21], [sflag:$0x3] =	stream.linear.gather [spmem:s9], $0x2000, $0x38;
	[tilespmem:$0x1A080] =	vst v63  }
0x75: {  	_ =	swait.ge [sflag:s19], $0x2000  }
0x76: {  	[sflag:s19] =	ssyncset.done $0x0  }
0x77: {  	[sflag:s19] =	ssyncadd.s32 $0xFFFFE000  }
0x78: {  	[hbm4b:s15+s4] =	stream.linear.scatter [tilespmem:s21], [sflag:$0x3], $0x2000, $0x38;
	[tilespmem:$0x1A080] =	vst v63  }
0x79: {  	_ =	swait.ge [sflag:s19], $0x2000  }
0x7a: {  	[sflag:s19] =	ssyncset.done $0x0  }
0x7b: {  	[sflag:s19] =	ssyncadd.s32 $0xFFFFE000  }
0x7c: {  	[tilespmem:s21], [sflag:$0x3] =	stream.linear.gather [spmem:s10], $0x2000, $0x38;
	[tilespmem:$0x1A080] =	vst v63  }
0x7d: {  	_ =	swait.ge [sflag:s19], $0x2000  }
0x7e: {  	[sflag:s19] =	ssyncset.done $0x0  }
0x7f: {  	[sflag:s19] =	ssyncadd.s32 $0xFFFFE000  }
0x80: {  	[hbm4b:s16+s4] =	stream.linear.scatter [tilespmem:s21], [sflag:$0x3], $0x2000, $0x38;
	[tilespmem:$0x1A080] =	vst v63  }
0x81: {  	_ =	swait.ge [sflag:s19], $0x2000  }
0x82: {  	[sflag:s19] =	ssyncset.done $0x0  }
0x83: {  	[sflag:s19] =	ssyncadd.s32 $0xFFFFE000  }
0x84: {  	[tilespmem:s21], [sflag:$0x3] =	stream.linear.gather [spmem:s11], $0x2000, $0x38;
	[tilespmem:$0x1A080] =	vst v63  }
0x85: {  	s28 =	sadd.s32 $0x1, s28;
	_ =	swait.ge [sflag:s19], $0x2000  }
0x86: {  	p0 =	sne.s32 s28, s18;
	[sflag:s19] =	ssyncset.done $0x0  }
.Ltmp1:
0x87: {  	[sflag:s19] =	ssyncadd.s32 $0xFFFFE000;
	(pc) =	sbr.rel @p0 .LBB2_1-.Ltmp1, $4  }
0x88: {  	[hbm4b:s17+s4] =	stream.linear.scatter [tilespmem:s21], [sflag:$0x3], $0x2000, $0x38;
	[tilespmem:$0x1A080] =	vst v63  }
0x89: {  	_ =	swait.ge [sflag:s19], $0x2000  }
0x8a: {  	[sflag:s19] =	ssyncset.done $0x0  }
0x8b: {  	[sflag:s19] =	ssyncadd.s32 $0xFFFFE000  }
0x8c: {  	_ =	sfence.sel $0x180000  }
0x8d: {  	[bflag:$0x0] =	sbarrier.arrive $0xFFFF  }
0x8e: {  	p0 =	sne.s32 s3, $0x0;
	_ =	strace $0x9000004A  }
0x8f: {  	s0 =	sadd.s32 @!p0 $0x100000, s0;
	[bflag:$0x2] =	sbarrier.arrive $0xFFFF  }
0x90: {  	[sflag:s0] =	ssyncadd.tile.s32 @!p0 $0x1;
	_ =	shalt  }
.Lfunc_end2:
_tile_overlayer_lowered:
.L_overlay_start_2:
0x91: {  	(tag) =	ssettag $0x2  }
0x92: {  	s0 =	rddreg [dreg:$0x0];
	s2 =	stileid.u32  }
0x93: {  	s1 =	rddreg [dreg:$0x1];
	p0 =	sne.s32 s2, $0x0  }
0x94: {  	s3 =	rddreg [dreg:$0x2];
	[bflag:$0x3] =	sbarrier.arrive $0xFFFF;
	s2 =	simm.s32 @!p0 $0x1C03  }
0x95: {  	[timem:s3], [sflag:s2] =	dma.local @!p0 [hbm:s0], s1  }
0x96: {  	s0 =	simm.s32 @!p0 $0x3  }
0x97: {  	_ =	swait.ge @!p0 [sflag:s0], s1  }
0x98: {  	s1 =	ssub.s32 @!p0 $0x0, s1;
	[sflag:s0] =	ssyncset.done @!p0 $0x0  }
0x99: {  	[sflag:s0] =	ssyncadd.s32 @!p0 s1  }
0x9a: {  	[bflag:$0x3] =	sbarrier.arrive $0xFFFF  }
0x9b: {  	_ =	shalt  }

// kernel: kernel.16.cloned.1.call-start
scs
__scs_entry_jumppad:
0x0: {  	(pc) =	sbr.rel $0x88, $3  }
0x1: {  	(tag) =	ssettag $0x0;
	lr =	simm.s32 $0x1  }
0x2: {  	[smem:$0x3F99] =	sst lr;
	_ =	strace $0xD0000000  }
0x3: {  	_ = 	snop  }
0x4: {  	_ = 	snop  }
0x5: {  	_ = 	snop  }
0x6: {  	_ = 	snop  }
0x7: {  	_ = 	snop  }
__scs_overlays_trampoline_lowered:
0x8: {  	[smem:$0x3FA8] =	sst s0  }
0x9: {  	[smem:$0x3FA9] =	sst s1  }
0xa: {  	[smem:$0x3FAA] =	sst s2  }
0xb: {  	[smem:$0x3FAB] =	sst s3  }
0xc: {  	[smem:$0x3FAC] =	sst s4  }
0xd: {  	[smem:$0x3FAD] =	sst s5  }
0xe: {  	[smem:$0x3FAE] =	sst s6  }
0xf: {  	[smem:$0x3FAF] =	sst s7  }
0x10: {  	[smem:$0x3FB0] =	sst s8  }
0x11: {  	[smem:$0x3FB1] =	sst s9;
	s0 =	simm.s32 @!p0 $0x0  }
0x12: {  	s1 =	sld [smem:$0x3F97];
	s0 =	simm.s32 @p0 $0x1  }
0x13: {  	[smem:$0x3FB2] =	sst s0;
	s0 =	simm.s32 @!p1 $0x0  }
0x14: {  	s2 =	sld [smem:$0x3F96];
	s0 =	simm.s32 @p1 $0x1  }
0x15: {  	[smem:$0x3FB3] =	sst s0;
	s0 =	simm.s32 @!p2 $0x0  }
0x16: {  	s3 =	sld [smem:$0x3FDB];
	s0 =	simm.s32 @p2 $0x1  }
0x17: {  	s4 =	simm.s32 $0x1BF5;
	[smem:$0x3FB5] =	sst s0  }
0x18: {  	s0 =	sld [smem:$0x3F98];
	_ =	swait.ge [sflag:s4], $0x0  }
0x19: {  	s7 =	sld [smem:$0x3F99]  }
0x1a: {  	s8 =	sadd.s32 $0xFFFFE003, lr  }
0x1b: {  	s9 =	sadd.s32 $0xFFFFFEF7, lr;
	s5 =	simm.s32 $0xFFFFFFFF;
	p2 =	slt.u32 s8, $0xFFFFF086  }
0x1c: {  	p1 =	slt.u32 s9, $0xF7A;
	s5 =	simm.s32 @!p2 $0x0  }
0x1d: {  	s5 =	simm.s32 @p1 $0x1;
	p0 =	seq.s32 s7, s2  }
0x1e: {  	s7 =	smul.u32 @!p0 $0xF7A, s2;
	p2 =	seq.s32 @!p0 s5, $0x0  }
0x1f: {  	s9 =	smul.u32 $0xF7A, s1;
	s8 =	simm.s32 @!p0 $0x1BF5;
	p2 =	por !p2, p0  }
0x20: {  	[sflag:s8] =	ssyncset.s32 @!p0 $0xFFFFF086;
	s6 =	sadd.s32 @!p0 s3, s7;
	s7 =	simm.s32 @!p0 $0x108  }
0x21: {  	s3 =	sadd.s32 s3, s9;
	s6 =	sadd.s32 @!p0 $0x88, s6;
	s7 =	simm.s32 @p2 $0x1082  }
0x22: {  	[simem:s7], [sflag:s8] =	dma.local @!p0 [hbm:s6], $0xF7A  }
0x23: {  	s9 =	sor.u32 $0xD0000000, s2;
	s6 =	simm.s32 $0x108;
	_ =	swait.ge @!p0 [sflag:s8], $0x0  }
0x24: {  	s3 =	sadd.s32 $0x88, s3;
	s6 =	simm.s32 @!p1 $0x1082;
	[sflag:s4] =	ssyncset.s32 $0xFFFFF086  }
0x25: {  	[simem:s6], [sflag:s4] =	dma.local [hbm:s3], $0xF7A  }
0x26: {  	[smem:$0x3F99] =	sst s1;
	(tag) =	ssettag s2;
	_ =	strace s9  }
0x27: {  	s1 =	sld [smem:$0x3FA9]  }
0x28: {  	s2 =	sld [smem:$0x3FAA]  }
0x29: {  	s4 =	sld [smem:$0x3FAC]  }
0x2a: {  	p0 =	seq.s32 s5, $0x0;
	s5 =	sld [smem:$0x3FAD]  }
0x2b: {  	s6 =	sld [smem:$0x3FAE]  }
0x2c: {  	s7 =	sld [smem:$0x3FAF]  }
0x2d: {  	s3 =	simm.s32 $0x108;
	s8 =	sld [smem:$0x3FB0]  }
0x2e: {  	s3 =	simm.s32 @!p0 $0x1082;
	s9 =	sld [smem:$0x3FB1]  }
0x2f: {  	lr =	sadd.s32 s0, s3;
	s0 =	sld [smem:$0x3FA8]  }
0x30: {  	s3 =	sld [smem:$0x3FAB]  }
0x31: {  	[smem:$0x3FB4] =	sst s10  }
0x32: {  	s10 =	sld [smem:$0x3FB2];
	_ =	sdelay $0x3  }
0x33: {  	p0 =	seq.s32 s10, $0x1;
	s10 =	sld [smem:$0x3FB4];
	_ =	sdelay $0x3  }
0x34: {  	[smem:$0x3FB4] =	sst s10  }
0x35: {  	s10 =	sld [smem:$0x3FB3];
	_ =	sdelay $0x3  }
0x36: {  	p1 =	seq.s32 s10, $0x1;
	s10 =	sld [smem:$0x3FB4];
	_ =	sdelay $0x3  }
0x37: {  	[smem:$0x3FB4] =	sst s10  }
0x38: {  	s10 =	sld [smem:$0x3FB5]  }
0x39: {  	_ = 	snop;
	(pc) =	sbr.ind lr, $3  }
0x3a: {  	_ = 	snop  }
0x3b: {  	_ = 	snop  }
0x3c: {  	p2 =	seq.s32 s10, $0x1;
	s10 =	sld [smem:$0x3FB4]  }
0x3d: {  	_ =	shalt  }
0x3e: {  	_ =	shalt  }
0x3f: {  	_ =	shalt  }
0x40: {  	_ =	shalt  }
0x41: {  	_ =	shalt  }
0x42: {  	_ =	shalt  }
0x43: {  	_ =	shalt  }
0x44: {  	_ =	shalt  }
0x45: {  	_ =	shalt  }
0x46: {  	_ =	shalt  }
0x47: {  	_ =	shalt  }
0x48: {  	_ =	shalt  }
0x49: {  	_ =	shalt  }
0x4a: {  	_ =	shalt  }
0x4b: {  	_ =	shalt  }
0x4c: {  	_ =	shalt  }
0x4d: {  	_ =	shalt  }
0x4e: {  	_ =	shalt  }
0x4f: {  	_ =	shalt  }
0x50: {  	_ =	shalt  }
0x51: {  	_ =	shalt  }
0x52: {  	_ =	shalt  }
0x53: {  	_ =	shalt  }
0x54: {  	_ =	shalt  }
0x55: {  	_ =	shalt  }
0x56: {  	_ =	shalt  }
0x57: {  	_ =	shalt  }
0x58: {  	_ =	shalt  }
0x59: {  	_ =	shalt  }
0x5a: {  	_ =	shalt  }
0x5b: {  	_ =	shalt  }
0x5c: {  	_ =	shalt  }
0x5d: {  	_ =	shalt  }
0x5e: {  	_ =	shalt  }
0x5f: {  	_ =	shalt  }
0x60: {  	_ =	shalt  }
0x61: {  	_ =	shalt  }
0x62: {  	_ =	shalt  }
0x63: {  	_ =	shalt  }
0x64: {  	_ =	shalt  }
0x65: {  	_ =	shalt  }
0x66: {  	_ =	shalt  }
0x67: {  	_ =	shalt  }
0x68: {  	_ =	shalt  }
0x69: {  	_ =	shalt  }
0x6a: {  	_ =	shalt  }
0x6b: {  	_ =	shalt  }
0x6c: {  	_ =	shalt  }
0x6d: {  	_ =	shalt  }
0x6e: {  	_ =	shalt  }
0x6f: {  	_ =	shalt  }
0x70: {  	_ =	shalt  }
0x71: {  	_ =	shalt  }
0x72: {  	_ =	shalt  }
0x73: {  	_ =	shalt  }
0x74: {  	_ =	shalt  }
0x75: {  	_ =	shalt  }
0x76: {  	_ =	shalt  }
0x77: {  	_ =	shalt  }
0x78: {  	_ =	shalt  }
0x79: {  	_ =	shalt  }
0x7a: {  	_ =	shalt  }
0x7b: {  	_ =	shalt  }
0x7c: {  	_ =	shalt  }
0x7d: {  	_ =	shalt  }
0x7e: {  	_ =	shalt  }
0x7f: {  	_ =	shalt  }
0x80: {  	_ =	shalt  }
0x81: {  	_ =	shalt  }
0x82: {  	_ =	shalt  }
0x83: {  	_ =	shalt  }
0x84: {  	_ =	shalt  }
0x85: {  	_ =	shalt  }
0x86: {  	_ =	shalt  }
0x87: {  	_ =	shalt  }
.Lfunc_end0:
.L_simem_size_0:
called_computation.2_lowered:
.L_overlay_start_0:
0x88: {  	s2 =	sld [smem:$0x3FD9]  }
0x89: {  	s3 =	sld [smem:$0x3FFE];
	_ =	sdelay $0x1  }
0x8a: {  	s1 =	srdreg.scid  }
0x8b: {  	s0 =	sand.u32 $0x1, s1  }
0x8c: {  	s17 =	sshll.u32 s0, $0xA;
	s2 =	sadd.s32 s3, s2  }
0x8d: {  	s2 =	sadd.s32 s2, s17  }
0x8e: {  	[smem:$0x3FC0] =	sst s2  }
0x8f: {  	_ = 	snop  }
0x90: {  	s2 =	sld [smem:$0x3FD0];
	(tm) =	ssettm $0x1  }
0x91: {  	s18 =	sld [smem:$0x3FFB];
	_ =	sdelay $0x3  }
0x92: {  	_ =	strace s18  }
0x93: {  	s3 =	sld [smem:$0x3FFC];
	_ =	sdelay $0x3  }
0x94: {  	_ =	strace s3  }
0x95: {  	s3 =	sld [smem:$0x3FFD];
	_ =	sdelay $0x3  }
0x96: {  	_ =	strace s3  }
0x97: {  	_ =	strace $0x8FFFFFFF  }
0x98: {  	s19 =	sld [smem:$0x3FDB];
	_ =	sdelay $0x1  }
0x99: {  	s4 =	simm.s32 $_scs_section_size  }
0x9a: {  	s5 =	simm.s32 $_size__tile_overlayer_lowered;
	s6 =	simm.s32 $_tile_overlayer_lowered  }
0x9b: {  	s22 =	simm.s32 $0x1BFF;
	s21 =	sshll.u32 s6, $0x1;
	s3 =	sadd.s32 s4, s19  }
0x9c: {  	s7 =	simm.s32 $0x0;
	s20 =	sshll.u32 s5, $0x1;
	s5 =	sadd.s32 s21, s3  }
0x9d: {  	[timem:s7], [sflag:s22] =	dma.local [hbm:s5], s20  }
0x9e: {  	_ =	swait.ge [sflag:s22], s20  }
0x9f: {  	s4 =	ssub.s32 $0x0, s20;
	[sflag:s22] =	ssyncset.done $0x0  }
0xa0: {  	[sflag:s22] =	ssyncadd.s32 s4;
	_ =	sdelay $0x1  }
0xa1: {  	s23 =	simm.s32 $0x1B8B  }
0xa2: {  	_ =	swait.ge [sflag:s23], $0x1  }
0xa3: {  	[sflag:s23] =	ssyncset.done $0x0  }
0xa4: {  	s25 =	simm.s32 $0x1B8E;
	s24 =	sld [smem:$0x3FFE];
	[sflag:s23] =	ssyncadd.s32 $0xFFFFFFFF  }
0xa5: {  	s26 =	simm.s32 $execute0_lowered;
	[smem:$0x3FD2] =	sst s25  }
0xa6: {  	s5 =	sshll.u32 s26, $0x1;
	_ =	strace $0x8000004C;
	[dreg:$0x1] =	wrdreg $0xFFFFFFFF  }
0xa7: {  	s28 =	simm.s32 $_size_execute0_lowered;
	s3 =	sadd.s32 s3, s5;
	[dreg:$0x0] =	wrdreg $0x0  }
0xa8: {  	s5 =	sshll.u32 s28, $0x1;
	[dreg:$0x2] =	wrdreg s3  }
0xa9: {  	[dreg:$0x3] =	wrdreg s5  }
0xaa: {  	[dreg:$0x4] =	wrdreg $0xC0  }
0xab: {  	_ =	task [dreg:s7], $0x5FFFF  }
0xac: {  	[dreg:$0x1] =	wrdreg $0xFFFFFFFF  }
0xad: {  	[dreg:$0x0] =	wrdreg $0x60  }
0xae: {  	[dreg:$0x2] =	wrdreg s24  }
0xaf: {  	[dreg:$0x3] =	wrdreg s2  }
0xb0: {  	[dreg:$0x4] =	wrdreg $0x100800  }
0xb1: {  	[dreg:$0x5] =	wrdreg $0x9  }
0xb2: {  	_ =	task.clear_ibuf [dreg:s7], $0x6FFFF;
	_ =	strace $0x9000004C  }
0xb3: {  	s29 =	simm.s32 $0x9;
	_ =	strace $0x8000004E  }
0xb4: {  	_ =	swait.ge [sflag:s29], $0x1  }
0xb5: {  	[sflag:s29] =	ssyncadd.s32 $0xFFFFFFFF  }
0xb6: {  	_ =	strace $0x9000004E  }
0xb7: {  	_ =	sfence  }
0xb8: {  	s30 =	sld [smem:$0x0];
	_ =	sdelay $0x2  }
0xb9: {  	s31 =	sshll.u32 s1, $0xD;
	s1 =	sshrl.u32 s1, $0x2  }
0xba: {  	s3 =	sand.u32 $0x4000, s31;
	s1 =	sadd.s32 s1, s30  }
0xbb: {  	s0 =	sor.u32 s3, s0;
	s1 =	sshll.u32 s1, $0x11  }
0xbc: {  	s0 =	sor.u32 s1, s0  }
0xbd: {  	s0 =	sadd.s32 $0x8F2B, s0  }
0xbe: {  	[sflag:s0] =	ssyncadd.remote.s32 $0x1  }
0xbf: {  	_ =	sfence.sel $0xFFFF  }
0xc0: {  	[dreg:$0x0] =	wrdreg $0xFFFFFFFF;
	(pc) =	sbr.abs _section_cstart, $3  }
0xc1: {  	[dreg:$0x1] =	wrdreg $0xFFFFFFFF  }
0xc2: {  	_ =	task.clear_ibuf [dreg:s7], $0x2FFFF;
	_ =	strace $0x9FFFFFFF  }
0xc3: {  	(tm) =	ssettm $0x7FFFFFFF  }
tec
execute0_lowered:
.L_overlay_start_1:
0x0: {  	(tag) =	ssettag $0x1  }
0x1: {  	s5 =	rddreg [dreg:$0x0]  }
0x2: {  	s1 =	rddreg [dreg:$0x1]  }
0x3: {  	s2 =	rddreg [dreg:$0x2]  }
0x4: {  	s3 =	srdreg.scid;
	s0 =	rddreg [dreg:$0x3]  }
0x5: {  	s4 =	simm.s32 $0x0;
	s21 =	simm.s32 $0xE080;
	s22 =	simm.s32 $0x80  }
0x6: {  	s23 =	simm.s32 $0xA080;
	s24 =	simm.s32 $0x1;
	s6 =	sand.u32 $0x1, s3  }
0x7: {  	s25 =	simm.s32 $0xC080;
	s3 =	stileid.u32;
	s15 =	smul.u32 $0xA0000, s6  }
0x8: {  	s28 =	simm.s32 $0x0;
	[smem:$0x7FF] =	sst s4;
	s7 =	smul.u32 $0xA10, s3  }
0x9: {  	s17 =	sadd.s32 $0xC000, s5;
	s9 =	smul.u32 $0xA00, s3;
	s6 =	ssub.s32 $0x2, s6  }
0xa: {  	_ =	strace $0x8000004D;
	s13 =	smul.u32 $0xA000, s3;
	s29 =	sshrl.u32 s6, $0x1  }
0xb: {  	s8 =	sshrl.u32 s15, $0x3;
	s7 =	sadd.s32 s7, s5;
	s26 =	sadd.s32 s9, s5  }
0xc: {  	s18 =	ssub.s32 s6, s29;
	s14 =	sadd.s32 $0x2000, s13;
	s16 =	sadd.s32 $0x4000, s13  }
0xd: {  	s19 =	sadd.s32 $0x6000, s13;
	s20 =	sadd.s32 $0x8000, s13;
	s12 =	sadd.s32 s8, s5  }
0xe: {  	s5 =	sadd.s32 $0x84800, s7;
	s6 =	sadd.s32 $0x2000, s26;
	s7 =	sadd.s32 s13, s2  }
0xf: {  	s8 =	sadd.s32 s14, s2;
	s9 =	sadd.s32 s16, s2;
	s10 =	sadd.s32 s19, s2  }
0x10: {  	s11 =	sadd.s32 s20, s2;
	s13 =	sadd.s32 s13, s15;
	s14 =	sadd.s32 s15, s14  }
0x11: {  	s16 =	sadd.s32 s15, s16;
	s19 =	sadd.s32 s15, s19;
	s20 =	sadd.s32 s15, s20  }
0x12: {  	s18 =	smax.u32 s18, $0x1;
	s26 =	simm.s32 $0x2;
	s12 =	sadd.s32 $0x5C000, s12  }
0x13: {  	s13 =	sshrl.u32 s13, $0x3;
	s14 =	sshrl.u32 s14, $0x3;
	s16 =	sshrl.u32 s16, $0x3  }
0x14: {  	s30 =	sshrl.u32 s19, $0x3;
	s31 =	sshrl.u32 s20, $0x3;
	s19 =	simm.s32 $0x3  }
0x15: {  	s20 =	simm.s32 $0x5080;
	s13 =	sadd.s32 s17, s13;
	s14 =	sadd.s32 s17, s14  }
0x16: {  	s15 =	sadd.s32 s17, s16;
	s16 =	sadd.s32 s17, s30;
	s17 =	sadd.s32 s17, s31  }
.LBB2_1:
0x17: {  	[tilespmem:s4], [sflag:$0x3] =	stream.linear.gather [hbm4b:s5+s4], $0x5080, $0x38;
	[tilespmem:$0x1A080] =	vst v63  }
0x18: {  	_ =	swait.ge [sflag:s19], $0x5080  }
0x19: {  	[sflag:s19] =	ssyncset.done $0x0  }
0x1a: {  	[sflag:s19] =	ssyncadd.s32 $0xFFFFAF80  }
0x1b: {  	[tilespmem:s20], [sflag:$0x3] =	stream.linear.gather [hbm4b:s6+s4], $0x5000, $0x38;
	[tilespmem:$0x1A080] =	vst v63  }
0x1c: {  	_ =	swait.ge [sflag:s19], $0x5000  }
0x1d: {  	[sflag:s19] =	ssyncset.done $0x0  }
0x1e: {  	[sflag:s19] =	ssyncadd.s32 $0xFFFFB000  }
0x1f: {  	[tilespmem:s21], [sflag:$0x3] =	stream.linear.gather [hbm4b:s1+s4], $0x2000, $0x38;
	[tilespmem:$0x1A080] =	vst v63  }
0x20: {  	_ =	swait.ge [sflag:s19], $0x2000  }
0x21: {  	[sflag:s19] =	ssyncset.done $0x0  }
0x22: {  	[sflag:s19] =	ssyncadd.s32 $0xFFFFE000  }
0x23: {  	[spmem:s7] =	stream.linear.scatter [tilespmem:s21], [sflag:$0x3], $0x2000, $0x38;
	[tilespmem:$0x1A080] =	vst v63  }
0x24: {  	_ =	swait.ge [sflag:s19], $0x2000  }
0x25: {  	[sflag:s19] =	ssyncset.done $0x0  }
0x26: {  	[sflag:s19] =	ssyncadd.s32 $0xFFFFE000  }
0x27: {  	[spmem:s8] =	stream.linear.scatter [tilespmem:s21], [sflag:$0x3], $0x2000, $0x38;
	[tilespmem:$0x1A080] =	vst v63  }
0x28: {  	_ =	swait.ge [sflag:s19], $0x2000  }
0x29: {  	[sflag:s19] =	ssyncset.done $0x0  }
0x2a: {  	[sflag:s19] =	ssyncadd.s32 $0xFFFFE000  }
0x2b: {  	[spmem:s9] =	stream.linear.scatter [tilespmem:s21], [sflag:$0x3], $0x2000, $0x38;
	[tilespmem:$0x1A080] =	vst v63  }
0x2c: {  	_ =	swait.ge [sflag:s19], $0x2000  }
0x2d: {  	[sflag:s19] =	ssyncset.done $0x0  }
0x2e: {  	[sflag:s19] =	ssyncadd.s32 $0xFFFFE000  }
0x2f: {  	[spmem:s10] =	stream.linear.scatter [tilespmem:s21], [sflag:$0x3], $0x2000, $0x38;
	[tilespmem:$0x1A080] =	vst v63  }
0x30: {  	_ =	swait.ge [sflag:s19], $0x2000  }
0x31: {  	[sflag:s19] =	ssyncset.done $0x0  }
0x32: {  	[sflag:s19] =	ssyncadd.s32 $0xFFFFE000  }
0x33: {  	[spmem:s11] =	stream.linear.scatter [tilespmem:s21], [sflag:$0x3], $0x2000, $0x38;
	[tilespmem:$0x1A080] =	vst v63  }
0x34: {  	_ =	swait.ge [sflag:s19], $0x2000  }
0x35: {  	[sflag:s19] =	ssyncset.done $0x0  }
0x36: {  	[sflag:s19] =	ssyncadd.s32 $0xFFFFE000  }
0x37: {  	[bflag:$0x0] =	sbarrier.arrive $0xFFFF  }
0x38: {  	[tilespmem:s23], [sflag:$0x1] =	stream.indirect.gather [hbm4b:s12+s22], $0x40, s4, s22, $0xb8;
	[tilespmem:$0x1A080] =	vst v63  }
0x39: {  	_ =	swait.ge [sflag:s24], $0x2000  }
0x3a: {  	[sflag:s24] =	ssyncset.done $0x0  }
0x3b: {  	s29 =	simm.s32 $0x80;
	[sflag:s24] =	ssyncadd.s32 $0xFFFFE000  }
0x3c: {  	[tilespmem:s25], [sflag:$0x2] =	stream.indirect.gather [hbm4b:s12+s22], $0x40, s29, s22, $0xb8;
	[tilespmem:$0x1A080] =	vst v63  }
0x3d: {  	s29 =	simm.s32 $0x5080  }
0x3e: {  	[spmem:s2] =	stream.indirect.scatter.add.f32 [tilespmem:s23], [sflag:$0x3], $0x40, s29, s22, $0xb8;
	[tilespmem:$0x1A080] =	vst v63  }
0x3f: {  	_ =	swait.ge [sflag:s19], $0x2000  }
0x40: {  	[sflag:s19] =	ssyncset.done $0x0  }
0x41: {  	[sflag:s19] =	ssyncadd.s32 $0xFFFFE000  }
0x42: {  	_ =	swait.ge [sflag:s26], $0x2000  }
0x43: {  	[sflag:s26] =	ssyncset.done $0x0  }
0x44: {  	s29 =	simm.s32 $0x100;
	[sflag:s26] =	ssyncadd.s32 $0xFFFFE000  }
0x45: {  	[tilespmem:s23], [sflag:$0x1] =	stream.indirect.gather [hbm4b:s12+s22], $0x40, s29, s22, $0xb8;
	[tilespmem:$0x1A080] =	vst v63  }
0x46: {  	s29 =	simm.s32 $0x5100  }
0x47: {  	[spmem:s2] =	stream.indirect.scatter.add.f32 [tilespmem:s25], [sflag:$0x3], $0x40, s29, s22, $0xb8;
	[tilespmem:$0x1A080] =	vst v63  }
0x48: {  	_ =	swait.ge [sflag:s19], $0x2000  }
0x49: {  	s29 =	simm.s32 $0x400;
	[sflag:s19] =	ssyncset.done $0x0  }
.LBB2_2:
0x4a: {  	p0 =	sne.s32 s29, $0x13C00  }
0x4b: {  	[sflag:s19] =	ssyncadd.s32 $0xFFFFE000;
	s30 =	smov.u32 s29;
	s29 =	sadd.s32 $0x400, s29  }
0x4c: {  	_ = 	snop  }
0x4d: {  	_ =	swait.ge [sflag:s24], $0x2000  }
0x4e: {  	s30 =	sshra.s32 s30, $0x2;
	[sflag:s24] =	ssyncset.done $0x0  }
0x4f: {  	s31 =	sadd.s32 $0x80, s30;
	[sflag:s24] =	ssyncadd.s32 $0xFFFFE000  }
0x50: {  	[tilespmem:s25], [sflag:$0x2] =	stream.indirect.gather [hbm4b:s12+s22], $0x40, s31, s22, $0xb8;
	[tilespmem:$0x1A080] =	vst v63  }
0x51: {  	s31 =	sadd.s32 $0x5080, s30  }
0x52: {  	[spmem:s2] =	stream.indirect.scatter.add.f32 [tilespmem:s23], [sflag:$0x3], $0x40, s31, s22, $0xb8;
	[tilespmem:$0x1A080] =	vst v63  }
0x53: {  	_ =	swait.ge [sflag:s19], $0x2000  }
0x54: {  	[sflag:s19] =	ssyncset.done $0x0  }
0x55: {  	[sflag:s19] =	ssyncadd.s32 $0xFFFFE000  }
0x56: {  	_ =	swait.ge [sflag:s26], $0x2000  }
0x57: {  	[sflag:s26] =	ssyncset.done $0x0  }
0x58: {  	s31 =	sadd.s32 $0x100, s30;
	[sflag:s26] =	ssyncadd.s32 $0xFFFFE000  }
0x59: {  	[tilespmem:s23], [sflag:$0x1] =	stream.indirect.gather [hbm4b:s12+s22], $0x40, s31, s22, $0xb8;
	[tilespmem:$0x1A080] =	vst v63  }
.Ltmp0:
0x5a: {  	_ = 	snop;
	(pc) =	sbr.rel @p0 .LBB2_2-.Ltmp0, $4  }
0x5b: {  	s30 =	sadd.s32 $0x5100, s30  }
0x5c: {  	[spmem:s2] =	stream.indirect.scatter.add.f32 [tilespmem:s25], [sflag:$0x3], $0x40, s30, s22, $0xb8;
	[tilespmem:$0x1A080] =	vst v63  }
0x5d: {  	_ =	swait.ge [sflag:s19], $0x2000  }
0x5e: {  	[sflag:s19] =	ssyncset.done $0x0  }
0x5f: {  	[sflag:s19] =	ssyncadd.s32 $0xFFFFE000  }
0x60: {  	_ =	swait.ge [sflag:s24], $0x2000  }
0x61: {  	[sflag:s24] =	ssyncset.done $0x0  }
0x62: {  	[sflag:s24] =	ssyncadd.s32 $0xFFFFE000  }
0x63: {  	[bflag:$0x0] =	sbarrier.arrive $0xFFFF  }
0x64: {  	[tilespmem:s21], [sflag:$0x3] =	stream.linear.gather [spmem:s7], $0x2000, $0x38;
	[tilespmem:$0x1A080] =	vst v63  }
0x65: {  	_ =	swait.ge [sflag:s19], $0x2000  }
0x66: {  	[sflag:s19] =	ssyncset.done $0x0  }
0x67: {  	[sflag:s19] =	ssyncadd.s32 $0xFFFFE000  }
0x68: {  	[hbm4b:s13+s4] =	stream.linear.scatter [tilespmem:s21], [sflag:$0x3], $0x2000, $0x38;
	[tilespmem:$0x1A080] =	vst v63  }
0x69: {  	_ =	swait.ge [sflag:s19], $0x2000  }
0x6a: {  	[sflag:s19] =	ssyncset.done $0x0  }
0x6b: {  	[sflag:s19] =	ssyncadd.s32 $0xFFFFE000  }
0x6c: {  	[tilespmem:s21], [sflag:$0x3] =	stream.linear.gather [spmem:s8], $0x2000, $0x38;
	[tilespmem:$0x1A080] =	vst v63  }
0x6d: {  	_ =	swait.ge [sflag:s19], $0x2000  }
0x6e: {  	[sflag:s19] =	ssyncset.done $0x0  }
0x6f: {  	[sflag:s19] =	ssyncadd.s32 $0xFFFFE000  }
0x70: {  	[hbm4b:s14+s4] =	stream.linear.scatter [tilespmem:s21], [sflag:$0x3], $0x2000, $0x38;
	[tilespmem:$0x1A080] =	vst v63  }
0x71: {  	_ =	swait.ge [sflag:s19], $0x2000  }
0x72: {  	[sflag:s19] =	ssyncset.done $0x0  }
0x73: {  	[sflag:s19] =	ssyncadd.s32 $0xFFFFE000  }
0x74: {  	[tilespmem:s21], [sflag:$0x3] =	stream.linear.gather [spmem:s9], $0x2000, $0x38;
	[tilespmem:$0x1A080] =	vst v63  }
0x75: {  	_ =	swait.ge [sflag:s19], $0x2000  }
0x76: {  	[sflag:s19] =	ssyncset.done $0x0  }
0x77: {  	[sflag:s19] =	ssyncadd.s32 $0xFFFFE000  }
0x78: {  	[hbm4b:s15+s4] =	stream.linear.scatter [tilespmem:s21], [sflag:$0x3], $0x2000, $0x38;
	[tilespmem:$0x1A080] =	vst v63  }
0x79: {  	_ =	swait.ge [sflag:s19], $0x2000  }
0x7a: {  	[sflag:s19] =	ssyncset.done $0x0  }
0x7b: {  	[sflag:s19] =	ssyncadd.s32 $0xFFFFE000  }
0x7c: {  	[tilespmem:s21], [sflag:$0x3] =	stream.linear.gather [spmem:s10], $0x2000, $0x38;
	[tilespmem:$0x1A080] =	vst v63  }
0x7d: {  	_ =	swait.ge [sflag:s19], $0x2000  }
0x7e: {  	[sflag:s19] =	ssyncset.done $0x0  }
0x7f: {  	[sflag:s19] =	ssyncadd.s32 $0xFFFFE000  }
0x80: {  	[hbm4b:s16+s4] =	stream.linear.scatter [tilespmem:s21], [sflag:$0x3], $0x2000, $0x38;
	[tilespmem:$0x1A080] =	vst v63  }
0x81: {  	_ =	swait.ge [sflag:s19], $0x2000  }
0x82: {  	[sflag:s19] =	ssyncset.done $0x0  }
0x83: {  	[sflag:s19] =	ssyncadd.s32 $0xFFFFE000  }
0x84: {  	[tilespmem:s21], [sflag:$0x3] =	stream.linear.gather [spmem:s11], $0x2000, $0x38;
	[tilespmem:$0x1A080] =	vst v63  }
0x85: {  	s28 =	sadd.s32 $0x1, s28;
	_ =	swait.ge [sflag:s19], $0x2000  }
0x86: {  	p0 =	sne.s32 s28, s18;
	[sflag:s19] =	ssyncset.done $0x0  }
.Ltmp1:
0x87: {  	[sflag:s19] =	ssyncadd.s32 $0xFFFFE000;
	(pc) =	sbr.rel @p0 .LBB2_1-.Ltmp1, $4  }
0x88: {  	[hbm4b:s17+s4] =	stream.linear.scatter [tilespmem:s21], [sflag:$0x3], $0x2000, $0x38;
	[tilespmem:$0x1A080] =	vst v63  }
0x89: {  	_ =	swait.ge [sflag:s19], $0x2000  }
0x8a: {  	[sflag:s19] =	ssyncset.done $0x0  }
0x8b: {  	[sflag:s19] =	ssyncadd.s32 $0xFFFFE000  }
0x8c: {  	_ =	sfence.sel $0x180000  }
0x8d: {  	[bflag:$0x0] =	sbarrier.arrive $0xFFFF  }
0x8e: {  	p0 =	sne.s32 s3, $0x0;
	_ =	strace $0x9000004D  }
0x8f: {  	s0 =	sadd.s32 @!p0 $0x100000, s0;
	[bflag:$0x2] =	sbarrier.arrive $0xFFFF  }
0x90: {  	[sflag:s0] =	ssyncadd.tile.s32 @!p0 $0x1;
	_ =	shalt  }
.Lfunc_end2:
_tile_overlayer_lowered:
.L_overlay_start_2:
0x91: {  	(tag) =	ssettag $0x2  }
0x92: {  	s0 =	rddreg [dreg:$0x0];
	s2 =	stileid.u32  }
0x93: {  	s1 =	rddreg [dreg:$0x1];
	p0 =	sne.s32 s2, $0x0  }
0x94: {  	s3 =	rddreg [dreg:$0x2];
	[bflag:$0x3] =	sbarrier.arrive $0xFFFF;
	s2 =	simm.s32 @!p0 $0x1C03  }
0x95: {  	[timem:s3], [sflag:s2] =	dma.local @!p0 [hbm:s0], s1  }
0x96: {  	s0 =	simm.s32 @!p0 $0x3  }
0x97: {  	_ =	swait.ge @!p0 [sflag:s0], s1  }
0x98: {  	s1 =	ssub.s32 @!p0 $0x0, s1;
	[sflag:s0] =	ssyncset.done @!p0 $0x0  }
0x99: {  	[sflag:s0] =	ssyncadd.s32 @!p0 s1  }
0x9a: {  	[bflag:$0x3] =	sbarrier.arrive $0xFFFF  }
0x9b: {  	_ =	shalt  }

// kernel: kernel.19.cloned.1.call-start
scs
__scs_entry_jumppad:
0x0: {  	(pc) =	sbr.rel $0x88, $3  }
0x1: {  	(tag) =	ssettag $0x0;
	lr =	simm.s32 $0x1  }
0x2: {  	[smem:$0x3F99] =	sst lr;
	_ =	strace $0xD0000000  }
0x3: {  	_ = 	snop  }
0x4: {  	_ = 	snop  }
0x5: {  	_ = 	snop  }
0x6: {  	_ = 	snop  }
0x7: {  	_ = 	snop  }
__scs_overlays_trampoline_lowered:
0x8: {  	[smem:$0x3FA8] =	sst s0  }
0x9: {  	[smem:$0x3FA9] =	sst s1  }
0xa: {  	[smem:$0x3FAA] =	sst s2  }
0xb: {  	[smem:$0x3FAB] =	sst s3  }
0xc: {  	[smem:$0x3FAC] =	sst s4  }
0xd: {  	[smem:$0x3FAD] =	sst s5  }
0xe: {  	[smem:$0x3FAE] =	sst s6  }
0xf: {  	[smem:$0x3FAF] =	sst s7  }
0x10: {  	[smem:$0x3FB0] =	sst s8  }
0x11: {  	[smem:$0x3FB1] =	sst s9;
	s0 =	simm.s32 @!p0 $0x0  }
0x12: {  	s1 =	sld [smem:$0x3F97];
	s0 =	simm.s32 @p0 $0x1  }
0x13: {  	[smem:$0x3FB2] =	sst s0;
	s0 =	simm.s32 @!p1 $0x0  }
0x14: {  	s2 =	sld [smem:$0x3F96];
	s0 =	simm.s32 @p1 $0x1  }
0x15: {  	[smem:$0x3FB3] =	sst s0;
	s0 =	simm.s32 @!p2 $0x0  }
0x16: {  	s3 =	sld [smem:$0x3FDB];
	s0 =	simm.s32 @p2 $0x1  }
0x17: {  	s4 =	simm.s32 $0x1BF5;
	[smem:$0x3FB5] =	sst s0  }
0x18: {  	s0 =	sld [smem:$0x3F98];
	_ =	swait.ge [sflag:s4], $0x0  }
0x19: {  	s7 =	sld [smem:$0x3F99]  }
0x1a: {  	s8 =	sadd.s32 $0xFFFFE003, lr  }
0x1b: {  	s9 =	sadd.s32 $0xFFFFFEF7, lr;
	s5 =	simm.s32 $0xFFFFFFFF;
	p2 =	slt.u32 s8, $0xFFFFF086  }
0x1c: {  	p1 =	slt.u32 s9, $0xF7A;
	s5 =	simm.s32 @!p2 $0x0  }
0x1d: {  	s5 =	simm.s32 @p1 $0x1;
	p0 =	seq.s32 s7, s2  }
0x1e: {  	s7 =	smul.u32 @!p0 $0xF7A, s2;
	p2 =	seq.s32 @!p0 s5, $0x0  }
0x1f: {  	s9 =	smul.u32 $0xF7A, s1;
	s8 =	simm.s32 @!p0 $0x1BF5;
	p2 =	por !p2, p0  }
0x20: {  	[sflag:s8] =	ssyncset.s32 @!p0 $0xFFFFF086;
	s6 =	sadd.s32 @!p0 s3, s7;
	s7 =	simm.s32 @!p0 $0x108  }
0x21: {  	s3 =	sadd.s32 s3, s9;
	s6 =	sadd.s32 @!p0 $0x88, s6;
	s7 =	simm.s32 @p2 $0x1082  }
0x22: {  	[simem:s7], [sflag:s8] =	dma.local @!p0 [hbm:s6], $0xF7A  }
0x23: {  	s9 =	sor.u32 $0xD0000000, s2;
	s6 =	simm.s32 $0x108;
	_ =	swait.ge @!p0 [sflag:s8], $0x0  }
0x24: {  	s3 =	sadd.s32 $0x88, s3;
	s6 =	simm.s32 @!p1 $0x1082;
	[sflag:s4] =	ssyncset.s32 $0xFFFFF086  }
0x25: {  	[simem:s6], [sflag:s4] =	dma.local [hbm:s3], $0xF7A  }
0x26: {  	[smem:$0x3F99] =	sst s1;
	(tag) =	ssettag s2;
	_ =	strace s9  }
0x27: {  	s1 =	sld [smem:$0x3FA9]  }
0x28: {  	s2 =	sld [smem:$0x3FAA]  }
0x29: {  	s4 =	sld [smem:$0x3FAC]  }
0x2a: {  	p0 =	seq.s32 s5, $0x0;
	s5 =	sld [smem:$0x3FAD]  }
0x2b: {  	s6 =	sld [smem:$0x3FAE]  }
0x2c: {  	s7 =	sld [smem:$0x3FAF]  }
0x2d: {  	s3 =	simm.s32 $0x108;
	s8 =	sld [smem:$0x3FB0]  }
0x2e: {  	s3 =	simm.s32 @!p0 $0x1082;
	s9 =	sld [smem:$0x3FB1]  }
0x2f: {  	lr =	sadd.s32 s0, s3;
	s0 =	sld [smem:$0x3FA8]  }
0x30: {  	s3 =	sld [smem:$0x3FAB]  }
0x31: {  	[smem:$0x3FB4] =	sst s10  }
0x32: {  	s10 =	sld [smem:$0x3FB2];
	_ =	sdelay $0x3  }
0x33: {  	p0 =	seq.s32 s10, $0x1;
	s10 =	sld [smem:$0x3FB4];
	_ =	sdelay $0x3  }
0x34: {  	[smem:$0x3FB4] =	sst s10  }
0x35: {  	s10 =	sld [smem:$0x3FB3];
	_ =	sdelay $0x3  }
0x36: {  	p1 =	seq.s32 s10, $0x1;
	s10 =	sld [smem:$0x3FB4];
	_ =	sdelay $0x3  }
0x37: {  	[smem:$0x3FB4] =	sst s10  }
0x38: {  	s10 =	sld [smem:$0x3FB5]  }
0x39: {  	_ = 	snop;
	(pc) =	sbr.ind lr, $3  }
0x3a: {  	_ = 	snop  }
0x3b: {  	_ = 	snop  }
0x3c: {  	p2 =	seq.s32 s10, $0x1;
	s10 =	sld [smem:$0x3FB4]  }
0x3d: {  	_ =	shalt  }
0x3e: {  	_ =	shalt  }
0x3f: {  	_ =	shalt  }
0x40: {  	_ =	shalt  }
0x41: {  	_ =	shalt  }
0x42: {  	_ =	shalt  }
0x43: {  	_ =	shalt  }
0x44: {  	_ =	shalt  }
0x45: {  	_ =	shalt  }
0x46: {  	_ =	shalt  }
0x47: {  	_ =	shalt  }
0x48: {  	_ =	shalt  }
0x49: {  	_ =	shalt  }
0x4a: {  	_ =	shalt  }
0x4b: {  	_ =	shalt  }
0x4c: {  	_ =	shalt  }
0x4d: {  	_ =	shalt  }
0x4e: {  	_ =	shalt  }
0x4f: {  	_ =	shalt  }
0x50: {  	_ =	shalt  }
0x51: {  	_ =	shalt  }
0x52: {  	_ =	shalt  }
0x53: {  	_ =	shalt  }
0x54: {  	_ =	shalt  }
0x55: {  	_ =	shalt  }
0x56: {  	_ =	shalt  }
0x57: {  	_ =	shalt  }
0x58: {  	_ =	shalt  }
0x59: {  	_ =	shalt  }
0x5a: {  	_ =	shalt  }
0x5b: {  	_ =	shalt  }
0x5c: {  	_ =	shalt  }
0x5d: {  	_ =	shalt  }
0x5e: {  	_ =	shalt  }
0x5f: {  	_ =	shalt  }
0x60: {  	_ =	shalt  }
0x61: {  	_ =	shalt  }
0x62: {  	_ =	shalt  }
0x63: {  	_ =	shalt  }
0x64: {  	_ =	shalt  }
0x65: {  	_ =	shalt  }
0x66: {  	_ =	shalt  }
0x67: {  	_ =	shalt  }
0x68: {  	_ =	shalt  }
0x69: {  	_ =	shalt  }
0x6a: {  	_ =	shalt  }
0x6b: {  	_ =	shalt  }
0x6c: {  	_ =	shalt  }
0x6d: {  	_ =	shalt  }
0x6e: {  	_ =	shalt  }
0x6f: {  	_ =	shalt  }
0x70: {  	_ =	shalt  }
0x71: {  	_ =	shalt  }
0x72: {  	_ =	shalt  }
0x73: {  	_ =	shalt  }
0x74: {  	_ =	shalt  }
0x75: {  	_ =	shalt  }
0x76: {  	_ =	shalt  }
0x77: {  	_ =	shalt  }
0x78: {  	_ =	shalt  }
0x79: {  	_ =	shalt  }
0x7a: {  	_ =	shalt  }
0x7b: {  	_ =	shalt  }
0x7c: {  	_ =	shalt  }
0x7d: {  	_ =	shalt  }
0x7e: {  	_ =	shalt  }
0x7f: {  	_ =	shalt  }
0x80: {  	_ =	shalt  }
0x81: {  	_ =	shalt  }
0x82: {  	_ =	shalt  }
0x83: {  	_ =	shalt  }
0x84: {  	_ =	shalt  }
0x85: {  	_ =	shalt  }
0x86: {  	_ =	shalt  }
0x87: {  	_ =	shalt  }
.Lfunc_end0:
.L_simem_size_0:
called_computation.3_lowered:
.L_overlay_start_0:
0x88: {  	s2 =	sld [smem:$0x3FD9]  }
0x89: {  	s3 =	sld [smem:$0x3FFE];
	_ =	sdelay $0x1  }
0x8a: {  	s1 =	srdreg.scid  }
0x8b: {  	s0 =	sand.u32 $0x1, s1  }
0x8c: {  	s17 =	sshll.u32 s0, $0xA;
	s2 =	sadd.s32 s3, s2  }
0x8d: {  	s2 =	sadd.s32 s2, s17  }
0x8e: {  	[smem:$0x3FC0] =	sst s2  }
0x8f: {  	_ = 	snop  }
0x90: {  	s2 =	sld [smem:$0x3FD0];
	(tm) =	ssettm $0x1  }
0x91: {  	s18 =	sld [smem:$0x3FFB];
	_ =	sdelay $0x3  }
0x92: {  	_ =	strace s18  }
0x93: {  	s3 =	sld [smem:$0x3FFC];
	_ =	sdelay $0x3  }
0x94: {  	_ =	strace s3  }
0x95: {  	s3 =	sld [smem:$0x3FFD];
	_ =	sdelay $0x3  }
0x96: {  	_ =	strace s3  }
0x97: {  	_ =	strace $0x8FFFFFFF  }
0x98: {  	s19 =	sld [smem:$0x3FDB];
	_ =	sdelay $0x1  }
0x99: {  	s4 =	simm.s32 $_scs_section_size  }
0x9a: {  	s5 =	simm.s32 $_size__tile_overlayer_lowered;
	s6 =	simm.s32 $_tile_overlayer_lowered  }
0x9b: {  	s22 =	simm.s32 $0x1BFF;
	s21 =	sshll.u32 s6, $0x1;
	s3 =	sadd.s32 s4, s19  }
0x9c: {  	s7 =	simm.s32 $0x0;
	s20 =	sshll.u32 s5, $0x1;
	s5 =	sadd.s32 s21, s3  }
0x9d: {  	[timem:s7], [sflag:s22] =	dma.local [hbm:s5], s20  }
0x9e: {  	_ =	swait.ge [sflag:s22], s20  }
0x9f: {  	s4 =	ssub.s32 $0x0, s20;
	[sflag:s22] =	ssyncset.done $0x0  }
0xa0: {  	[sflag:s22] =	ssyncadd.s32 s4;
	_ =	sdelay $0x1  }
0xa1: {  	s23 =	simm.s32 $0x1B8B  }
0xa2: {  	_ =	swait.ge [sflag:s23], $0x1  }
0xa3: {  	[sflag:s23] =	ssyncset.done $0x0  }
0xa4: {  	s25 =	simm.s32 $0x1B8E;
	s24 =	sld [smem:$0x3FFE];
	[sflag:s23] =	ssyncadd.s32 $0xFFFFFFFF  }
0xa5: {  	s26 =	simm.s32 $execute0_lowered;
	[smem:$0x3FD2] =	sst s25  }
0xa6: {  	s5 =	sshll.u32 s26, $0x1;
	_ =	strace $0x8000004F;
	[dreg:$0x1] =	wrdreg $0xFFFFFFFF  }
0xa7: {  	s28 =	simm.s32 $_size_execute0_lowered;
	s3 =	sadd.s32 s3, s5;
	[dreg:$0x0] =	wrdreg $0x0  }
0xa8: {  	s5 =	sshll.u32 s28, $0x1;
	[dreg:$0x2] =	wrdreg s3  }
0xa9: {  	[dreg:$0x3] =	wrdreg s5  }
0xaa: {  	[dreg:$0x4] =	wrdreg $0xC0  }
0xab: {  	_ =	task [dreg:s7], $0x5FFFF  }
0xac: {  	[dreg:$0x1] =	wrdreg $0xFFFFFFFF  }
0xad: {  	[dreg:$0x0] =	wrdreg $0x60  }
0xae: {  	[dreg:$0x2] =	wrdreg s24  }
0xaf: {  	[dreg:$0x3] =	wrdreg s2  }
0xb0: {  	[dreg:$0x4] =	wrdreg $0x100800  }
0xb1: {  	[dreg:$0x5] =	wrdreg $0x9  }
0xb2: {  	_ =	task.clear_ibuf [dreg:s7], $0x6FFFF;
	_ =	strace $0x9000004F  }
0xb3: {  	s29 =	simm.s32 $0x9;
	_ =	strace $0x80000051  }
0xb4: {  	_ =	swait.ge [sflag:s29], $0x1  }
0xb5: {  	[sflag:s29] =	ssyncadd.s32 $0xFFFFFFFF  }
0xb6: {  	_ =	strace $0x90000051  }
0xb7: {  	_ =	sfence  }
0xb8: {  	s30 =	sld [smem:$0x0];
	_ =	sdelay $0x2  }
0xb9: {  	s31 =	sshll.u32 s1, $0xD;
	s1 =	sshrl.u32 s1, $0x2  }
0xba: {  	s3 =	sand.u32 $0x4000, s31;
	s1 =	sadd.s32 s1, s30  }
0xbb: {  	s0 =	sor.u32 s3, s0;
	s1 =	sshll.u32 s1, $0x11  }
0xbc: {  	s0 =	sor.u32 s1, s0  }
0xbd: {  	s0 =	sadd.s32 $0x8F2B, s0  }
0xbe: {  	[sflag:s0] =	ssyncadd.remote.s32 $0x1  }
0xbf: {  	_ =	sfence.sel $0xFFFF  }
0xc0: {  	[dreg:$0x0] =	wrdreg $0xFFFFFFFF;
	(pc) =	sbr.abs _section_cstart, $3  }
0xc1: {  	[dreg:$0x1] =	wrdreg $0xFFFFFFFF  }
0xc2: {  	_ =	task.clear_ibuf [dreg:s7], $0x2FFFF;
	_ =	strace $0x9FFFFFFF  }
0xc3: {  	(tm) =	ssettm $0x7FFFFFFF  }
tec
execute0_lowered:
.L_overlay_start_1:
0x0: {  	(tag) =	ssettag $0x1  }
0x1: {  	s5 =	rddreg [dreg:$0x0]  }
0x2: {  	s1 =	rddreg [dreg:$0x1]  }
0x3: {  	s2 =	rddreg [dreg:$0x2]  }
0x4: {  	s3 =	srdreg.scid;
	s0 =	rddreg [dreg:$0x3]  }
0x5: {  	s4 =	simm.s32 $0x0;
	s21 =	simm.s32 $0xE080;
	s22 =	simm.s32 $0x80  }
0x6: {  	s23 =	simm.s32 $0xA080;
	s24 =	simm.s32 $0x1;
	s6 =	sand.u32 $0x1, s3  }
0x7: {  	s25 =	simm.s32 $0xC080;
	s3 =	stileid.u32;
	s15 =	smul.u32 $0xA0000, s6  }
0x8: {  	s28 =	simm.s32 $0x0;
	[smem:$0x7FF] =	sst s4;
	s7 =	smul.u32 $0xA10, s3  }
0x9: {  	s17 =	sadd.s32 $0xC000, s5;
	s9 =	smul.u32 $0xA00, s3;
	s6 =	ssub.s32 $0x2, s6  }
0xa: {  	_ =	strace $0x80000050;
	s13 =	smul.u32 $0xA000, s3;
	s29 =	sshrl.u32 s6, $0x1  }
0xb: {  	s8 =	sshrl.u32 s15, $0x3;
	s7 =	sadd.s32 s7, s5;
	s26 =	sadd.s32 s9, s5  }
0xc: {  	s18 =	ssub.s32 s6, s29;
	s14 =	sadd.s32 $0x2000, s13;
	s16 =	sadd.s32 $0x4000, s13  }
0xd: {  	s19 =	sadd.s32 $0x6000, s13;
	s20 =	sadd.s32 $0x8000, s13;
	s12 =	sadd.s32 s8, s5  }
0xe: {  	s5 =	sadd.s32 $0x84800, s7;
	s6 =	sadd.s32 $0x2000, s26;
	s7 =	sadd.s32 s13, s2  }
0xf: {  	s8 =	sadd.s32 s14, s2;
	s9 =	sadd.s32 s16, s2;
	s10 =	sadd.s32 s19, s2  }
0x10: {  	s11 =	sadd.s32 s20, s2;
	s13 =	sadd.s32 s13, s15;
	s14 =	sadd.s32 s15, s14  }
0x11: {  	s16 =	sadd.s32 s15, s16;
	s19 =	sadd.s32 s15, s19;
	s20 =	sadd.s32 s15, s20  }
0x12: {  	s18 =	smax.u32 s18, $0x1;
	s26 =	simm.s32 $0x2;
	s12 =	sadd.s32 $0x5C000, s12  }
0x13: {  	s13 =	sshrl.u32 s13, $0x3;
	s14 =	sshrl.u32 s14, $0x3;
	s16 =	sshrl.u32 s16, $0x3  }
0x14: {  	s30 =	sshrl.u32 s19, $0x3;
	s31 =	sshrl.u32 s20, $0x3;
	s19 =	simm.s32 $0x3  }
0x15: {  	s20 =	simm.s32 $0x5080;
	s13 =	sadd.s32 s17, s13;
	s14 =	sadd.s32 s17, s14  }
0x16: {  	s15 =	sadd.s32 s17, s16;
	s16 =	sadd.s32 s17, s30;
	s17 =	sadd.s32 s17, s31  }
.LBB2_1:
0x17: {  	[tilespmem:s4], [sflag:$0x3] =	stream.linear.gather [hbm4b:s5+s4], $0x5080, $0x38;
	[tilespmem:$0x1A080] =	vst v63  }
0x18: {  	_ =	swait.ge [sflag:s19], $0x5080  }
0x19: {  	[sflag:s19] =	ssyncset.done $0x0  }
0x1a: {  	[sflag:s19] =	ssyncadd.s32 $0xFFFFAF80  }
0x1b: {  	[tilespmem:s20], [sflag:$0x3] =	stream.linear.gather [hbm4b:s6+s4], $0x5000, $0x38;
	[tilespmem:$0x1A080] =	vst v63  }
0x1c: {  	_ =	swait.ge [sflag:s19], $0x5000  }
0x1d: {  	[sflag:s19] =	ssyncset.done $0x0  }
0x1e: {  	[sflag:s19] =	ssyncadd.s32 $0xFFFFB000  }
0x1f: {  	[tilespmem:s21], [sflag:$0x3] =	stream.linear.gather [hbm4b:s1+s4], $0x2000, $0x38;
	[tilespmem:$0x1A080] =	vst v63  }
0x20: {  	_ =	swait.ge [sflag:s19], $0x2000  }
0x21: {  	[sflag:s19] =	ssyncset.done $0x0  }
0x22: {  	[sflag:s19] =	ssyncadd.s32 $0xFFFFE000  }
0x23: {  	[spmem:s7] =	stream.linear.scatter [tilespmem:s21], [sflag:$0x3], $0x2000, $0x38;
	[tilespmem:$0x1A080] =	vst v63  }
0x24: {  	_ =	swait.ge [sflag:s19], $0x2000  }
0x25: {  	[sflag:s19] =	ssyncset.done $0x0  }
0x26: {  	[sflag:s19] =	ssyncadd.s32 $0xFFFFE000  }
0x27: {  	[spmem:s8] =	stream.linear.scatter [tilespmem:s21], [sflag:$0x3], $0x2000, $0x38;
	[tilespmem:$0x1A080] =	vst v63  }
0x28: {  	_ =	swait.ge [sflag:s19], $0x2000  }
0x29: {  	[sflag:s19] =	ssyncset.done $0x0  }
0x2a: {  	[sflag:s19] =	ssyncadd.s32 $0xFFFFE000  }
0x2b: {  	[spmem:s9] =	stream.linear.scatter [tilespmem:s21], [sflag:$0x3], $0x2000, $0x38;
	[tilespmem:$0x1A080] =	vst v63  }
0x2c: {  	_ =	swait.ge [sflag:s19], $0x2000  }
0x2d: {  	[sflag:s19] =	ssyncset.done $0x0  }
0x2e: {  	[sflag:s19] =	ssyncadd.s32 $0xFFFFE000  }
0x2f: {  	[spmem:s10] =	stream.linear.scatter [tilespmem:s21], [sflag:$0x3], $0x2000, $0x38;
	[tilespmem:$0x1A080] =	vst v63  }
0x30: {  	_ =	swait.ge [sflag:s19], $0x2000  }
0x31: {  	[sflag:s19] =	ssyncset.done $0x0  }
0x32: {  	[sflag:s19] =	ssyncadd.s32 $0xFFFFE000  }
0x33: {  	[spmem:s11] =	stream.linear.scatter [tilespmem:s21], [sflag:$0x3], $0x2000, $0x38;
	[tilespmem:$0x1A080] =	vst v63  }
0x34: {  	_ =	swait.ge [sflag:s19], $0x2000  }
0x35: {  	[sflag:s19] =	ssyncset.done $0x0  }
0x36: {  	[sflag:s19] =	ssyncadd.s32 $0xFFFFE000  }
0x37: {  	[bflag:$0x0] =	sbarrier.arrive $0xFFFF  }
0x38: {  	[tilespmem:s23], [sflag:$0x1] =	stream.indirect.gather [hbm4b:s12+s22], $0x40, s4, s22, $0xb8;
	[tilespmem:$0x1A080] =	vst v63  }
0x39: {  	_ =	swait.ge [sflag:s24], $0x2000  }
0x3a: {  	[sflag:s24] =	ssyncset.done $0x0  }
0x3b: {  	s29 =	simm.s32 $0x80;
	[sflag:s24] =	ssyncadd.s32 $0xFFFFE000  }
0x3c: {  	[tilespmem:s25], [sflag:$0x2] =	stream.indirect.gather [hbm4b:s12+s22], $0x40, s29, s22, $0xb8;
	[tilespmem:$0x1A080] =	vst v63  }
0x3d: {  	s29 =	simm.s32 $0x5080  }
0x3e: {  	[spmem:s2] =	stream.indirect.scatter.add.f32 [tilespmem:s23], [sflag:$0x3], $0x40, s29, s22, $0xb8;
	[tilespmem:$0x1A080] =	vst v63  }
0x3f: {  	_ =	swait.ge [sflag:s19], $0x2000  }
0x40: {  	[sflag:s19] =	ssyncset.done $0x0  }
0x41: {  	[sflag:s19] =	ssyncadd.s32 $0xFFFFE000  }
0x42: {  	_ =	swait.ge [sflag:s26], $0x2000  }
0x43: {  	[sflag:s26] =	ssyncset.done $0x0  }
0x44: {  	s29 =	simm.s32 $0x100;
	[sflag:s26] =	ssyncadd.s32 $0xFFFFE000  }
0x45: {  	[tilespmem:s23], [sflag:$0x1] =	stream.indirect.gather [hbm4b:s12+s22], $0x40, s29, s22, $0xb8;
	[tilespmem:$0x1A080] =	vst v63  }
0x46: {  	s29 =	simm.s32 $0x5100  }
0x47: {  	[spmem:s2] =	stream.indirect.scatter.add.f32 [tilespmem:s25], [sflag:$0x3], $0x40, s29, s22, $0xb8;
	[tilespmem:$0x1A080] =	vst v63  }
0x48: {  	_ =	swait.ge [sflag:s19], $0x2000  }
0x49: {  	s29 =	simm.s32 $0x400;
	[sflag:s19] =	ssyncset.done $0x0  }
.LBB2_2:
0x4a: {  	p0 =	sne.s32 s29, $0x13C00  }
0x4b: {  	[sflag:s19] =	ssyncadd.s32 $0xFFFFE000;
	s30 =	smov.u32 s29;
	s29 =	sadd.s32 $0x400, s29  }
0x4c: {  	_ = 	snop  }
0x4d: {  	_ =	swait.ge [sflag:s24], $0x2000  }
0x4e: {  	s30 =	sshra.s32 s30, $0x2;
	[sflag:s24] =	ssyncset.done $0x0  }
0x4f: {  	s31 =	sadd.s32 $0x80, s30;
	[sflag:s24] =	ssyncadd.s32 $0xFFFFE000  }
0x50: {  	[tilespmem:s25], [sflag:$0x2] =	stream.indirect.gather [hbm4b:s12+s22], $0x40, s31, s22, $0xb8;
	[tilespmem:$0x1A080] =	vst v63  }
0x51: {  	s31 =	sadd.s32 $0x5080, s30  }
0x52: {  	[spmem:s2] =	stream.indirect.scatter.add.f32 [tilespmem:s23], [sflag:$0x3], $0x40, s31, s22, $0xb8;
	[tilespmem:$0x1A080] =	vst v63  }
0x53: {  	_ =	swait.ge [sflag:s19], $0x2000  }
0x54: {  	[sflag:s19] =	ssyncset.done $0x0  }
0x55: {  	[sflag:s19] =	ssyncadd.s32 $0xFFFFE000  }
0x56: {  	_ =	swait.ge [sflag:s26], $0x2000  }
0x57: {  	[sflag:s26] =	ssyncset.done $0x0  }
0x58: {  	s31 =	sadd.s32 $0x100, s30;
	[sflag:s26] =	ssyncadd.s32 $0xFFFFE000  }
0x59: {  	[tilespmem:s23], [sflag:$0x1] =	stream.indirect.gather [hbm4b:s12+s22], $0x40, s31, s22, $0xb8;
	[tilespmem:$0x1A080] =	vst v63  }
.Ltmp0:
0x5a: {  	_ = 	snop;
	(pc) =	sbr.rel @p0 .LBB2_2-.Ltmp0, $4  }
0x5b: {  	s30 =	sadd.s32 $0x5100, s30  }
0x5c: {  	[spmem:s2] =	stream.indirect.scatter.add.f32 [tilespmem:s25], [sflag:$0x3], $0x40, s30, s22, $0xb8;
	[tilespmem:$0x1A080] =	vst v63  }
0x5d: {  	_ =	swait.ge [sflag:s19], $0x2000  }
0x5e: {  	[sflag:s19] =	ssyncset.done $0x0  }
0x5f: {  	[sflag:s19] =	ssyncadd.s32 $0xFFFFE000  }
0x60: {  	_ =	swait.ge [sflag:s24], $0x2000  }
0x61: {  	[sflag:s24] =	ssyncset.done $0x0  }
0x62: {  	[sflag:s24] =	ssyncadd.s32 $0xFFFFE000  }
0x63: {  	[bflag:$0x0] =	sbarrier.arrive $0xFFFF  }
0x64: {  	[tilespmem:s21], [sflag:$0x3] =	stream.linear.gather [spmem:s7], $0x2000, $0x38;
	[tilespmem:$0x1A080] =	vst v63  }
0x65: {  	_ =	swait.ge [sflag:s19], $0x2000  }
0x66: {  	[sflag:s19] =	ssyncset.done $0x0  }
0x67: {  	[sflag:s19] =	ssyncadd.s32 $0xFFFFE000  }
0x68: {  	[hbm4b:s13+s4] =	stream.linear.scatter [tilespmem:s21], [sflag:$0x3], $0x2000, $0x38;
	[tilespmem:$0x1A080] =	vst v63  }
0x69: {  	_ =	swait.ge [sflag:s19], $0x2000  }
0x6a: {  	[sflag:s19] =	ssyncset.done $0x0  }
0x6b: {  	[sflag:s19] =	ssyncadd.s32 $0xFFFFE000  }
0x6c: {  	[tilespmem:s21], [sflag:$0x3] =	stream.linear.gather [spmem:s8], $0x2000, $0x38;
	[tilespmem:$0x1A080] =	vst v63  }
0x6d: {  	_ =	swait.ge [sflag:s19], $0x2000  }
0x6e: {  	[sflag:s19] =	ssyncset.done $0x0  }
0x6f: {  	[sflag:s19] =	ssyncadd.s32 $0xFFFFE000  }
0x70: {  	[hbm4b:s14+s4] =	stream.linear.scatter [tilespmem:s21], [sflag:$0x3], $0x2000, $0x38;
	[tilespmem:$0x1A080] =	vst v63  }
0x71: {  	_ =	swait.ge [sflag:s19], $0x2000  }
0x72: {  	[sflag:s19] =	ssyncset.done $0x0  }
0x73: {  	[sflag:s19] =	ssyncadd.s32 $0xFFFFE000  }
0x74: {  	[tilespmem:s21], [sflag:$0x3] =	stream.linear.gather [spmem:s9], $0x2000, $0x38;
	[tilespmem:$0x1A080] =	vst v63  }
0x75: {  	_ =	swait.ge [sflag:s19], $0x2000  }
0x76: {  	[sflag:s19] =	ssyncset.done $0x0  }
0x77: {  	[sflag:s19] =	ssyncadd.s32 $0xFFFFE000  }
0x78: {  	[hbm4b:s15+s4] =	stream.linear.scatter [tilespmem:s21], [sflag:$0x3], $0x2000, $0x38;
	[tilespmem:$0x1A080] =	vst v63  }
0x79: {  	_ =	swait.ge [sflag:s19], $0x2000  }
0x7a: {  	[sflag:s19] =	ssyncset.done $0x0  }
0x7b: {  	[sflag:s19] =	ssyncadd.s32 $0xFFFFE000  }
0x7c: {  	[tilespmem:s21], [sflag:$0x3] =	stream.linear.gather [spmem:s10], $0x2000, $0x38;
	[tilespmem:$0x1A080] =	vst v63  }
0x7d: {  	_ =	swait.ge [sflag:s19], $0x2000  }
0x7e: {  	[sflag:s19] =	ssyncset.done $0x0  }
0x7f: {  	[sflag:s19] =	ssyncadd.s32 $0xFFFFE000  }
0x80: {  	[hbm4b:s16+s4] =	stream.linear.scatter [tilespmem:s21], [sflag:$0x3], $0x2000, $0x38;
	[tilespmem:$0x1A080] =	vst v63  }
0x81: {  	_ =	swait.ge [sflag:s19], $0x2000  }
0x82: {  	[sflag:s19] =	ssyncset.done $0x0  }
0x83: {  	[sflag:s19] =	ssyncadd.s32 $0xFFFFE000  }
0x84: {  	[tilespmem:s21], [sflag:$0x3] =	stream.linear.gather [spmem:s11], $0x2000, $0x38;
	[tilespmem:$0x1A080] =	vst v63  }
0x85: {  	s28 =	sadd.s32 $0x1, s28;
	_ =	swait.ge [sflag:s19], $0x2000  }
0x86: {  	p0 =	sne.s32 s28, s18;
	[sflag:s19] =	ssyncset.done $0x0  }
.Ltmp1:
0x87: {  	[sflag:s19] =	ssyncadd.s32 $0xFFFFE000;
	(pc) =	sbr.rel @p0 .LBB2_1-.Ltmp1, $4  }
0x88: {  	[hbm4b:s17+s4] =	stream.linear.scatter [tilespmem:s21], [sflag:$0x3], $0x2000, $0x38;
	[tilespmem:$0x1A080] =	vst v63  }
0x89: {  	_ =	swait.ge [sflag:s19], $0x2000  }
0x8a: {  	[sflag:s19] =	ssyncset.done $0x0  }
0x8b: {  	[sflag:s19] =	ssyncadd.s32 $0xFFFFE000  }
0x8c: {  	_ =	sfence.sel $0x180000  }
0x8d: {  	[bflag:$0x0] =	sbarrier.arrive $0xFFFF  }
0x8e: {  	p0 =	sne.s32 s3, $0x0;
	_ =	strace $0x90000050  }
0x8f: {  	s0 =	sadd.s32 @!p0 $0x100000, s0;
	[bflag:$0x2] =	sbarrier.arrive $0xFFFF  }
0x90: {  	[sflag:s0] =	ssyncadd.tile.s32 @!p0 $0x1;
	_ =	shalt  }
.Lfunc_end2:
_tile_overlayer_lowered:
.L_overlay_start_2:
0x91: {  	(tag) =	ssettag $0x2  }
0x92: {  	s0 =	rddreg [dreg:$0x0];
	s2 =	stileid.u32  }
0x93: {  	s1 =	rddreg [dreg:$0x1];
	p0 =	sne.s32 s2, $0x0  }
0x94: {  	s3 =	rddreg [dreg:$0x2];
	[bflag:$0x3] =	sbarrier.arrive $0xFFFF;
	s2 =	simm.s32 @!p0 $0x1C03  }
0x95: {  	[timem:s3], [sflag:s2] =	dma.local @!p0 [hbm:s0], s1  }
0x96: {  	s0 =	simm.s32 @!p0 $0x3  }
0x97: {  	_ =	swait.ge @!p0 [sflag:s0], s1  }
0x98: {  	s1 =	ssub.s32 @!p0 $0x0, s1;
	[sflag:s0] =	ssyncset.done @!p0 $0x0  }
0x99: {  	[sflag:s0] =	ssyncadd.s32 @!p0 s1  }
0x9a: {  	[bflag:$0x3] =	sbarrier.arrive $0xFFFF  }
0x9b: {  	_ =	shalt  }

</sc_bundles>
